<compile_context>
chip_gen: v7x
topology: tpu7x:2x2x1
jax: 0.10.2.dev20260603
libtpu: 0.0.44.dev20260713+nightly
codegen_flags: <defaults>
</compile_context>

<pallas_src>
import math
import functools

import numpy as np
import jax
import jax.numpy as jnp
from jax import lax
from jax.experimental import pallas as pl
from jax.experimental.pallas import tpu as pltpu
from jax.experimental.pallas import tpu_sc as plsc

_N_STEPS = 200
_BATCH = 1024

_info = plsc.get_sparse_core_info()
_NC, _NS, _L = _info.num_cores, _info.num_subcores, _info.num_lanes
_NW = _NC * _NS
_ROWS_PER_W = _BATCH // _NW
_CHUNK = 2
_NCH = _ROWS_PER_W // _CHUNK
_NBUF = 2


def _make_tables():
    steps = np.arange(_N_STEPS + 1, dtype=np.float64)
    tt = steps / _N_STEPS
    ac = np.cos((tt + 0.008) / 1.008 * math.pi / 2.0) ** 2
    ac = ac / ac[0]
    betas = np.clip(1.0 - ac[1:] / ac[:-1], 0.0001, 0.9999).astype(np.float32)
    alphas = (1.0 - betas).astype(np.float32)
    acp = np.cumprod(alphas, axis=0)
    sa = np.sqrt(acp).astype(np.float32)
    so = np.sqrt(1.0 - acp).astype(np.float32)
    pa = np.zeros((208,), np.float32)
    po = np.zeros((208,), np.float32)
    pa[:_N_STEPS] = sa
    po[:_N_STEPS] = so
    return pa, po


_TBL_AC, _TBL_OM = _make_tables()

_mesh = plsc.VectorSubcoreMesh(core_axis_name="c", subcore_axis_name="s")


@functools.partial(
    pl.kernel,
    mesh=_mesh,
    out_type=jax.ShapeDtypeStruct((_BATCH, 4, 4, 512), jnp.float32),
    scratch_types=[
        pltpu.VMEM((224,), jnp.float32),
        pltpu.VMEM((224,), jnp.float32),
        pltpu.VMEM((_ROWS_PER_W + 16,), jnp.int32),
        pltpu.VMEM((_NBUF, _CHUNK, 4, 4, 512), jnp.float32),
        pltpu.VMEM((_NBUF, _CHUNK, 4, 4, 512), jnp.float32),
        pltpu.SemaphoreType.DMA,
        pltpu.SemaphoreType.DMA,
        pltpu.SemaphoreType.DMA,
        pltpu.SemaphoreType.DMA,
        pltpu.SemaphoreType.DMA,
        pltpu.SemaphoreType.DMA,
    ],
)
def _sc_kernel(ta_hbm, to_hbm, t_hbm, x_hbm, n_hbm, out_hbm,
               ta_v, to_v, t_v, x_v, n_v,
               sx0, sn0, so0, sx1, sn1, so1):
    wid = lax.axis_index("s") * _NC + lax.axis_index("c")
    base = wid * _ROWS_PER_W
    sx = (sx0, sx1)
    sn = (sn0, sn1)
    so = (so0, so1)
    pltpu.sync_copy(ta_hbm, ta_v.at[pl.ds(0, 208)])
    pltpu.sync_copy(to_hbm, to_v.at[pl.ds(0, 208)])
    pltpu.sync_copy(t_hbm.at[pl.ds(base, _ROWS_PER_W)], t_v.at[pl.ds(0, _ROWS_PER_W)])

    def start_in(s, ci):
        r0 = base + ci * _CHUNK
        pltpu.async_copy(x_hbm.at[pl.ds(r0, _CHUNK)], x_v.at[s], sx[s])
        pltpu.async_copy(n_hbm.at[pl.ds(r0, _CHUNK)], n_v.at[s], sn[s])

    def wait_in(s, ci):
        r0 = base + ci * _CHUNK
        pltpu.make_async_copy(x_hbm.at[pl.ds(r0, _CHUNK)], x_v.at[s], sx[s]).wait()
        pltpu.make_async_copy(n_hbm.at[pl.ds(r0, _CHUNK)], n_v.at[s], sn[s]).wait()

    def start_out(s, ci):
        r0 = base + ci * _CHUNK
        pltpu.async_copy(x_v.at[s], out_hbm.at[pl.ds(r0, _CHUNK)], so[s])

    def wait_out(s, ci):
        r0 = base + ci * _CHUNK
        pltpu.make_async_copy(x_v.at[s], out_hbm.at[pl.ds(r0, _CHUNK)], so[s]).wait()

    for s in range(_NBUF):
        start_in(s, s)

    def do_round(rd, _):
        for s in range(_NBUF):
            ci = rd * _NBUF + s
            wait_in(s, ci)

            def do_row(i, _):
                tj = t_v[pl.ds(ci * _CHUNK + i, 16)][0]
                a = jnp.full((_L,), ta_v[pl.ds(tj, 16)][0], jnp.float32)
                b = jnp.full((_L,), to_v[pl.ds(tj, 16)][0], jnp.float32)

                def do_hw(hw, _):
                    h = hw // 4
                    w = hw % 4
                    for k in range(512 // _L):
                        sl = pl.ds(k * _L, _L)
                        x_v[s, i, h, w, sl] = (
                            a * x_v[s, i, h, w, sl] + b * n_v[s, i, h, w, sl]
                        )
                    return 0

                lax.fori_loop(0, 16, do_hw, 0)
                return 0

            lax.fori_loop(0, _CHUNK, do_row, 0)
            start_out(s, ci)

            @pl.when(rd < _NCH // _NBUF - 1)
            def _():
                wait_out(s, ci)
                start_in(s, ci + _NBUF)

        return 0

    lax.fori_loop(0, _NCH // _NBUF, do_round, 0)
    for s in range(_NBUF):
        wait_out(s, _NCH - _NBUF + s)


def kernel(x0, t, noise):
    xv = jnp.transpose(x0, (0, 2, 3, 1))
    nv = jnp.transpose(noise, (0, 2, 3, 1))
    out = _sc_kernel(
        jnp.asarray(_TBL_AC), jnp.asarray(_TBL_OM), t.astype(jnp.int32), xv, nv
    )
    return jnp.transpose(out, (0, 3, 1, 2))

# --- scband reference (transcript-rebuilt; emitter-appended) ---
"""Pipeline reference for scband-noise-schedule-49959059587466 (READ-ONLY COPY).

The authoritative reference and input builder live on the scoring server;
editing this copy changes nothing except your own understanding.
"""

import math
import jax, jax.numpy as jnp
import numpy as np

N_STEPS = 200

def cosine_beta_schedule(n_steps, s=0.008):
    steps = np.arange(n_steps + 1, dtype=np.float64)
    t = steps / n_steps
    alphas_cumprod = np.cos((t + s) / (1.0 + s) * math.pi / 2.0) ** 2
    alphas_cumprod = alphas_cumprod / alphas_cumprod[0]
    betas = 1.0 - alphas_cumprod[1:] / alphas_cumprod[:-1]
    return np.clip(betas, 0.0001, 0.9999).astype(np.float32)

def _buffers():
    betas = cosine_beta_schedule(N_STEPS)
    alphas = (1.0 - betas).astype(np.float32)
    alphas_cumprod = np.cumprod(alphas, axis=0)
    sqrt_alphas_cumprod = np.sqrt(alphas_cumprod).astype(np.float32)
    sqrt_one_minus_alphas_cumprod = np.sqrt(1.0 - alphas_cumprod).astype(np.float32)
    return jnp.asarray(sqrt_alphas_cumprod), jnp.asarray(sqrt_one_minus_alphas_cumprod)

def setup_inputs(seed: int = 0):
    key = jax.random.key(seed)
    k1, k2, k3 = jax.random.split(key, 3)
    x0 = jax.random.normal(k1, (1024, 512, 4, 4), dtype=jnp.float32)
    t = jax.random.randint(k2, (1024,), 0, 200, dtype=jnp.int64) if jax.config.jax_enable_x64 else jax.random.randint(k2, (1024,), 0, 200).astype(jnp.int32)
    noise = jax.random.normal(k3, (1024, 512, 4, 4), dtype=jnp.float32)
    return {"x0": x0, "t": t, "noise": noise}

def reference(x0, t, noise):
    sqrt_ac, sqrt_om = _buffers()
    sqrt_alpha = jnp.take(sqrt_ac, t, axis=0)[:, None, None, None]
    sqrt_one_minus = jnp.take(sqrt_om, t, axis=0)[:, None, None, None]
    return sqrt_alpha * x0 + sqrt_one_minus * noise

if __name__ == "__main__":
    import jax
    _d = setup_inputs()
    print(jax.jit(kernel)(*tuple(_d.values())))

</pallas_src>

<mosaic_0001>
#map = affine_map<(d0, d1) -> (0)>
#map1 = affine_map<(d0, d1) -> (0, 0, 0, 0)>
module attributes {stable_mosaic.version = 14 : i64} {
  func.func @_sc_kernel(%arg0: i32, %arg1: i32, %arg2: memref<208xf32, #tpu.memory_space<hbm>>, %arg3: memref<208xf32, #tpu.memory_space<hbm>>, %arg4: memref<1024xi32, #tpu.memory_space<hbm>>, %arg5: memref<1024x4x4x512xf32, #tpu.memory_space<hbm>>, %arg6: memref<1024x4x4x512xf32, #tpu.memory_space<hbm>>, %arg7: memref<1024x4x4x512xf32, #tpu.memory_space<hbm>>, %arg8: memref<224xf32, #tpu.memory_space<vmem>>, %arg9: memref<224xf32, #tpu.memory_space<vmem>>, %arg10: memref<48xi32, #tpu.memory_space<vmem>>, %arg11: memref<2x2x4x4x512xf32, #tpu.memory_space<vmem>>, %arg12: memref<2x2x4x4x512xf32, #tpu.memory_space<vmem>>, %arg13: memref<!tpu.dma_semaphore, #tpu.memory_space<semaphore_mem>>, %arg14: memref<!tpu.dma_semaphore, #tpu.memory_space<semaphore_mem>>, %arg15: memref<!tpu.dma_semaphore, #tpu.memory_space<semaphore_mem>>, %arg16: memref<!tpu.dma_semaphore, #tpu.memory_space<semaphore_mem>>, %arg17: memref<!tpu.dma_semaphore, #tpu.memory_space<semaphore_mem>>, %arg18: memref<!tpu.dma_semaphore, #tpu.memory_space<semaphore_mem>>) attributes {dimension_semantics = [#tpu.dimension_semantics<core_parallel>, #tpu.dimension_semantics<subcore_parallel>], iteration_bounds = array<i64: 2, 16>, scalar_prefetch = 0 : i64, scratch_operands = 11 : i64, tpu.core_type = #tpu.core_type<sc_vector_subcore>, window_params = [{transform_indices = #map}, {transform_indices = #map}, {transform_indices = #map}, {transform_indices = #map1}, {transform_indices = #map1}, {transform_indices = #map1}]} {
    %mul3A = arith.constant 2 : i32
    %mul3A_0 = arith.muli %arg1, %mul3A : i32
    %add3A = arith.addi %mul3A_0, %arg0 : i32
    %mul3A_1 = arith.constant 32 : i32
    %mul3A_2 = arith.muli %add3A, %mul3A_1 : i32
    "tpu.region"() ({
      %run_scoped3A = tpu.sem_alloc : memref<!tpu.dma_semaphore, #tpu.memory_space<semaphore_mem>>
      %dma_start3A_141 = arith.constant 0 : i32
      %dma_start3A_142 = tpu.memref_slice %arg8[%dma_start3A_141] : memref<224xf32, #tpu.memory_space<vmem>> -> memref<208xf32, #tpu.memory_space<vmem>>
      %dma_start3A_143 = arith.constant 0 : i32
      %dma_start3A_144 = tpu.memref_slice %arg8[%dma_start3A_143] : memref<224xf32, #tpu.memory_space<vmem>> -> memref<208xf32, #tpu.memory_space<vmem>>
      tpu.enqueue_dma source(%arg2 : memref<208xf32, #tpu.memory_space<hbm>>) target(%dma_start3A_144 : memref<208xf32, #tpu.memory_space<vmem>>) target_semaphore(%run_scoped3A : memref<!tpu.dma_semaphore, #tpu.memory_space<semaphore_mem>>)
      %dma_wait3A_145 = arith.constant 0 : i32
      %dma_wait3A_146 = tpu.memref_slice %arg8[%dma_wait3A_145] : memref<224xf32, #tpu.memory_space<vmem>> -> memref<208xf32, #tpu.memory_space<vmem>>
      %dma_wait3A_147 = arith.constant 0 : i32
      %dma_wait3A_148 = tpu.memref_slice %arg8[%dma_wait3A_147] : memref<224xf32, #tpu.memory_space<vmem>> -> memref<208xf32, #tpu.memory_space<vmem>>
      tpu.wait_dma2 semaphore(%run_scoped3A : memref<!tpu.dma_semaphore, #tpu.memory_space<semaphore_mem>>) src(%arg2 : memref<208xf32, #tpu.memory_space<hbm>>) dst(%dma_wait3A_148 : memref<208xf32, #tpu.memory_space<vmem>>)
      tpu.yield
    }) : () -> ()
    "tpu.region"() ({
      %run_scoped3A = tpu.sem_alloc : memref<!tpu.dma_semaphore, #tpu.memory_space<semaphore_mem>>
      %dma_start3A_141 = arith.constant 0 : i32
      %dma_start3A_142 = tpu.memref_slice %arg9[%dma_start3A_141] : memref<224xf32, #tpu.memory_space<vmem>> -> memref<208xf32, #tpu.memory_space<vmem>>
      %dma_start3A_143 = arith.constant 0 : i32
      %dma_start3A_144 = tpu.memref_slice %arg9[%dma_start3A_143] : memref<224xf32, #tpu.memory_space<vmem>> -> memref<208xf32, #tpu.memory_space<vmem>>
      tpu.enqueue_dma source(%arg3 : memref<208xf32, #tpu.memory_space<hbm>>) target(%dma_start3A_144 : memref<208xf32, #tpu.memory_space<vmem>>) target_semaphore(%run_scoped3A : memref<!tpu.dma_semaphore, #tpu.memory_space<semaphore_mem>>)
      %dma_wait3A_145 = arith.constant 0 : i32
      %dma_wait3A_146 = tpu.memref_slice %arg9[%dma_wait3A_145] : memref<224xf32, #tpu.memory_space<vmem>> -> memref<208xf32, #tpu.memory_space<vmem>>
      %dma_wait3A_147 = arith.constant 0 : i32
      %dma_wait3A_148 = tpu.memref_slice %arg9[%dma_wait3A_147] : memref<224xf32, #tpu.memory_space<vmem>> -> memref<208xf32, #tpu.memory_space<vmem>>
      tpu.wait_dma2 semaphore(%run_scoped3A : memref<!tpu.dma_semaphore, #tpu.memory_space<semaphore_mem>>) src(%arg3 : memref<208xf32, #tpu.memory_space<hbm>>) dst(%dma_wait3A_148 : memref<208xf32, #tpu.memory_space<vmem>>)
      tpu.yield
    }) : () -> ()
    "tpu.region"() ({
      %run_scoped3A = tpu.sem_alloc : memref<!tpu.dma_semaphore, #tpu.memory_space<semaphore_mem>>
      %dma_start3A_141 = arith.constant 0 : i32
      %dma_start3A_142 = tpu.memref_slice %arg10[%dma_start3A_141] : memref<48xi32, #tpu.memory_space<vmem>> -> memref<32xi32, #tpu.memory_space<vmem>>
      %dma_start3A_143 = tpu.memref_slice %arg4[%mul3A_2] : memref<1024xi32, #tpu.memory_space<hbm>> -> memref<32xi32, #tpu.memory_space<hbm>>
      %dma_start3A_144 = arith.constant 0 : i32
      %dma_start3A_145 = tpu.memref_slice %arg10[%dma_start3A_144] : memref<48xi32, #tpu.memory_space<vmem>> -> memref<32xi32, #tpu.memory_space<vmem>>
      %dma_start3A_146 = tpu.memref_slice %arg4[%mul3A_2] : memref<1024xi32, #tpu.memory_space<hbm>> -> memref<32xi32, #tpu.memory_space<hbm>>
      tpu.enqueue_dma source(%dma_start3A_146 : memref<32xi32, #tpu.memory_space<hbm>>) target(%dma_start3A_145 : memref<32xi32, #tpu.memory_space<vmem>>) target_semaphore(%run_scoped3A : memref<!tpu.dma_semaphore, #tpu.memory_space<semaphore_mem>>)
      %dma_wait3A_147 = arith.constant 0 : i32
      %dma_wait3A_148 = tpu.memref_slice %arg10[%dma_wait3A_147] : memref<48xi32, #tpu.memory_space<vmem>> -> memref<32xi32, #tpu.memory_space<vmem>>
      %dma_wait3A_149 = tpu.memref_slice %arg4[%mul3A_2] : memref<1024xi32, #tpu.memory_space<hbm>> -> memref<32xi32, #tpu.memory_space<hbm>>
      %dma_wait3A_150 = arith.constant 0 : i32
      %dma_wait3A_151 = tpu.memref_slice %arg10[%dma_wait3A_150] : memref<48xi32, #tpu.memory_space<vmem>> -> memref<32xi32, #tpu.memory_space<vmem>>
      %dma_wait3A_152 = tpu.memref_slice %arg4[%mul3A_2] : memref<1024xi32, #tpu.memory_space<hbm>> -> memref<32xi32, #tpu.memory_space<hbm>>
      tpu.wait_dma2 semaphore(%run_scoped3A : memref<!tpu.dma_semaphore, #tpu.memory_space<semaphore_mem>>) src(%dma_wait3A_152 : memref<32xi32, #tpu.memory_space<hbm>>) dst(%dma_wait3A_151 : memref<32xi32, #tpu.memory_space<vmem>>)
      tpu.yield
    }) : () -> ()
    %add3A_3 = arith.constant 0 : i32
    %add3A_4 = arith.addi %mul3A_2, %add3A_3 : i32
    %dma_start3A = arith.constant 0 : i32
    %dma_start3A_5 = arith.constant 0 : i32
    %dma_start3A_6 = arith.constant 0 : i32
    %dma_start3A_7 = arith.constant 0 : i32
    %dma_start3A_8 = arith.constant 0 : i32
    %dma_start3A_9 = tpu.memref_slice %arg11[%dma_start3A, %dma_start3A_5, %dma_start3A_6, %dma_start3A_7, %dma_start3A_8] : memref<2x2x4x4x512xf32, #tpu.memory_space<vmem>> -> memref<1x2x4x4x512xf32, #tpu.memory_space<vmem>>
    %dma_start3A_10 = tpu.memref_squeeze %dma_start3A_9 : memref<1x2x4x4x512xf32, #tpu.memory_space<vmem>> -> memref<2x4x4x512xf32, #tpu.memory_space<vmem>>
    %dma_start3A_11 = arith.constant 0 : i32
    %dma_start3A_12 = arith.constant 0 : i32
    %dma_start3A_13 = arith.constant 0 : i32
    %dma_start3A_14 = tpu.memref_slice %arg5[%add3A_4, %dma_start3A_11, %dma_start3A_12, %dma_start3A_13] : memref<1024x4x4x512xf32, #tpu.memory_space<hbm>> -> memref<2x4x4x512xf32, #tpu.memory_space<hbm>>
    %dma_start3A_15 = arith.constant 0 : i32
    %dma_start3A_16 = arith.constant 0 : i32
    %dma_start3A_17 = arith.constant 0 : i32
    %dma_start3A_18 = arith.constant 0 : i32
    %dma_start3A_19 = tpu.memref_slice %arg11[%dma_start3A, %dma_start3A_15, %dma_start3A_16, %dma_start3A_17, %dma_start3A_18] : memref<2x2x4x4x512xf32, #tpu.memory_space<vmem>> -> memref<1x2x4x4x512xf32, #tpu.memory_space<vmem>>
    %dma_start3A_20 = tpu.memref_squeeze %dma_start3A_19 : memref<1x2x4x4x512xf32, #tpu.memory_space<vmem>> -> memref<2x4x4x512xf32, #tpu.memory_space<vmem>>
    %dma_start3A_21 = arith.constant 0 : i32
    %dma_start3A_22 = arith.constant 0 : i32
    %dma_start3A_23 = arith.constant 0 : i32
    %dma_start3A_24 = tpu.memref_slice %arg5[%add3A_4, %dma_start3A_21, %dma_start3A_22, %dma_start3A_23] : memref<1024x4x4x512xf32, #tpu.memory_space<hbm>> -> memref<2x4x4x512xf32, #tpu.memory_space<hbm>>
    tpu.enqueue_dma source(%dma_start3A_24 : memref<2x4x4x512xf32, #tpu.memory_space<hbm>>) target(%dma_start3A_20 : memref<2x4x4x512xf32, #tpu.memory_space<vmem>>) target_semaphore(%arg13 : memref<!tpu.dma_semaphore, #tpu.memory_space<semaphore_mem>>)
    %dma_start3A_25 = arith.constant 0 : i32
    %dma_start3A_26 = arith.constant 0 : i32
    %dma_start3A_27 = arith.constant 0 : i32
    %dma_start3A_28 = arith.constant 0 : i32
    %dma_start3A_29 = arith.constant 0 : i32
    %dma_start3A_30 = tpu.memref_slice %arg12[%dma_start3A_25, %dma_start3A_26, %dma_start3A_27, %dma_start3A_28, %dma_start3A_29] : memref<2x2x4x4x512xf32, #tpu.memory_space<vmem>> -> memref<1x2x4x4x512xf32, #tpu.memory_space<vmem>>
    %dma_start3A_31 = tpu.memref_squeeze %dma_start3A_30 : memref<1x2x4x4x512xf32, #tpu.memory_space<vmem>> -> memref<2x4x4x512xf32, #tpu.memory_space<vmem>>
    %dma_start3A_32 = arith.constant 0 : i32
    %dma_start3A_33 = arith.constant 0 : i32
    %dma_start3A_34 = arith.constant 0 : i32
    %dma_start3A_35 = tpu.memref_slice %arg6[%add3A_4, %dma_start3A_32, %dma_start3A_33, %dma_start3A_34] : memref<1024x4x4x512xf32, #tpu.memory_space<hbm>> -> memref<2x4x4x512xf32, #tpu.memory_space<hbm>>
    %dma_start3A_36 = arith.constant 0 : i32
    %dma_start3A_37 = arith.constant 0 : i32
    %dma_start3A_38 = arith.constant 0 : i32
    %dma_start3A_39 = arith.constant 0 : i32
    %dma_start3A_40 = tpu.memref_slice %arg12[%dma_start3A_25, %dma_start3A_36, %dma_start3A_37, %dma_start3A_38, %dma_start3A_39] : memref<2x2x4x4x512xf32, #tpu.memory_space<vmem>> -> memref<1x2x4x4x512xf32, #tpu.memory_space<vmem>>
    %dma_start3A_41 = tpu.memref_squeeze %dma_start3A_40 : memref<1x2x4x4x512xf32, #tpu.memory_space<vmem>> -> memref<2x4x4x512xf32, #tpu.memory_space<vmem>>
    %dma_start3A_42 = arith.constant 0 : i32
    %dma_start3A_43 = arith.constant 0 : i32
    %dma_start3A_44 = arith.constant 0 : i32
    %dma_start3A_45 = tpu.memref_slice %arg6[%add3A_4, %dma_start3A_42, %dma_start3A_43, %dma_start3A_44] : memref<1024x4x4x512xf32, #tpu.memory_space<hbm>> -> memref<2x4x4x512xf32, #tpu.memory_space<hbm>>
    tpu.enqueue_dma source(%dma_start3A_45 : memref<2x4x4x512xf32, #tpu.memory_space<hbm>>) target(%dma_start3A_41 : memref<2x4x4x512xf32, #tpu.memory_space<vmem>>) target_semaphore(%arg14 : memref<!tpu.dma_semaphore, #tpu.memory_space<semaphore_mem>>)
    %add3A_46 = arith.constant 2 : i32
    %add3A_47 = arith.addi %mul3A_2, %add3A_46 : i32
    %dma_start3A_48 = arith.constant 1 : i32
    %dma_start3A_49 = arith.constant 0 : i32
    %dma_start3A_50 = arith.constant 0 : i32
    %dma_start3A_51 = arith.constant 0 : i32
    %dma_start3A_52 = arith.constant 0 : i32
    %dma_start3A_53 = tpu.memref_slice %arg11[%dma_start3A_48, %dma_start3A_49, %dma_start3A_50, %dma_start3A_51, %dma_start3A_52] : memref<2x2x4x4x512xf32, #tpu.memory_space<vmem>> -> memref<1x2x4x4x512xf32, #tpu.memory_space<vmem>>
    %dma_start3A_54 = tpu.memref_squeeze %dma_start3A_53 : memref<1x2x4x4x512xf32, #tpu.memory_space<vmem>> -> memref<2x4x4x512xf32, #tpu.memory_space<vmem>>
    %dma_start3A_55 = arith.constant 0 : i32
    %dma_start3A_56 = arith.constant 0 : i32
    %dma_start3A_57 = arith.constant 0 : i32
    %dma_start3A_58 = tpu.memref_slice %arg5[%add3A_47, %dma_start3A_55, %dma_start3A_56, %dma_start3A_57] : memref<1024x4x4x512xf32, #tpu.memory_space<hbm>> -> memref<2x4x4x512xf32, #tpu.memory_space<hbm>>
    %dma_start3A_59 = arith.constant 0 : i32
    %dma_start3A_60 = arith.constant 0 : i32
    %dma_start3A_61 = arith.constant 0 : i32
    %dma_start3A_62 = arith.constant 0 : i32
    %dma_start3A_63 = tpu.memref_slice %arg11[%dma_start3A_48, %dma_start3A_59, %dma_start3A_60, %dma_start3A_61, %dma_start3A_62] : memref<2x2x4x4x512xf32, #tpu.memory_space<vmem>> -> memref<1x2x4x4x512xf32, #tpu.memory_space<vmem>>
    %dma_start3A_64 = tpu.memref_squeeze %dma_start3A_63 : memref<1x2x4x4x512xf32, #tpu.memory_space<vmem>> -> memref<2x4x4x512xf32, #tpu.memory_space<vmem>>
    %dma_start3A_65 = arith.constant 0 : i32
    %dma_start3A_66 = arith.constant 0 : i32
    %dma_start3A_67 = arith.constant 0 : i32
    %dma_start3A_68 = tpu.memref_slice %arg5[%add3A_47, %dma_start3A_65, %dma_start3A_66, %dma_start3A_67] : memref<1024x4x4x512xf32, #tpu.memory_space<hbm>> -> memref<2x4x4x512xf32, #tpu.memory_space<hbm>>
    tpu.enqueue_dma source(%dma_start3A_68 : memref<2x4x4x512xf32, #tpu.memory_space<hbm>>) target(%dma_start3A_64 : memref<2x4x4x512xf32, #tpu.memory_space<vmem>>) target_semaphore(%arg16 : memref<!tpu.dma_semaphore, #tpu.memory_space<semaphore_mem>>)
    %dma_start3A_69 = arith.constant 1 : i32
    %dma_start3A_70 = arith.constant 0 : i32
    %dma_start3A_71 = arith.constant 0 : i32
    %dma_start3A_72 = arith.constant 0 : i32
    %dma_start3A_73 = arith.constant 0 : i32
    %dma_start3A_74 = tpu.memref_slice %arg12[%dma_start3A_69, %dma_start3A_70, %dma_start3A_71, %dma_start3A_72, %dma_start3A_73] : memref<2x2x4x4x512xf32, #tpu.memory_space<vmem>> -> memref<1x2x4x4x512xf32, #tpu.memory_space<vmem>>
    %dma_start3A_75 = tpu.memref_squeeze %dma_start3A_74 : memref<1x2x4x4x512xf32, #tpu.memory_space<vmem>> -> memref<2x4x4x512xf32, #tpu.memory_space<vmem>>
    %dma_start3A_76 = arith.constant 0 : i32
    %dma_start3A_77 = arith.constant 0 : i32
    %dma_start3A_78 = arith.constant 0 : i32
    %dma_start3A_79 = tpu.memref_slice %arg6[%add3A_47, %dma_start3A_76, %dma_start3A_77, %dma_start3A_78] : memref<1024x4x4x512xf32, #tpu.memory_space<hbm>> -> memref<2x4x4x512xf32, #tpu.memory_space<hbm>>
    %dma_start3A_80 = arith.constant 0 : i32
    %dma_start3A_81 = arith.constant 0 : i32
    %dma_start3A_82 = arith.constant 0 : i32
    %dma_start3A_83 = arith.constant 0 : i32
    %dma_start3A_84 = tpu.memref_slice %arg12[%dma_start3A_69, %dma_start3A_80, %dma_start3A_81, %dma_start3A_82, %dma_start3A_83] : memref<2x2x4x4x512xf32, #tpu.memory_space<vmem>> -> memref<1x2x4x4x512xf32, #tpu.memory_space<vmem>>
    %dma_start3A_85 = tpu.memref_squeeze %dma_start3A_84 : memref<1x2x4x4x512xf32, #tpu.memory_space<vmem>> -> memref<2x4x4x512xf32, #tpu.memory_space<vmem>>
    %dma_start3A_86 = arith.constant 0 : i32
    %dma_start3A_87 = arith.constant 0 : i32
    %dma_start3A_88 = arith.constant 0 : i32
    %dma_start3A_89 = tpu.memref_slice %arg6[%add3A_47, %dma_start3A_86, %dma_start3A_87, %dma_start3A_88] : memref<1024x4x4x512xf32, #tpu.memory_space<hbm>> -> memref<2x4x4x512xf32, #tpu.memory_space<hbm>>
    tpu.enqueue_dma source(%dma_start3A_89 : memref<2x4x4x512xf32, #tpu.memory_space<hbm>>) target(%dma_start3A_85 : memref<2x4x4x512xf32, #tpu.memory_space<vmem>>) target_semaphore(%arg17 : memref<!tpu.dma_semaphore, #tpu.memory_space<semaphore_mem>>)
    %scan3A = arith.constant 0 : i32
    %scan3A_90 = arith.constant 0 : i32
    %scan3A_91 = arith.constant 8 : i32
    %scan3A_92 = arith.addi %scan3A_90, %scan3A_91 : i32
    %scan3A_93 = arith.constant 1 : i32
    %scan3A_94 = scf.for %scan3A_141 = %scan3A_90 to %scan3A_92 step %scan3A_93 iter_args(%scan3A_142 = %scan3A) -> (i32)  : i32 {
      %mul3A_143 = arith.constant 2 : i32
      %mul3A_144 = arith.muli %scan3A_141, %mul3A_143 : i32
      %add3A_145 = arith.constant 0 : i32
      %add3A_146 = arith.addi %mul3A_144, %add3A_145 : i32
      %mul3A_147 = arith.constant 2 : i32
      %mul3A_148 = arith.muli %add3A_146, %mul3A_147 : i32
      %add3A_149 = arith.addi %mul3A_2, %mul3A_148 : i32
      %dma_wait3A_150 = arith.constant 0 : i32
      %dma_wait3A_151 = arith.constant 0 : i32
      %dma_wait3A_152 = arith.constant 0 : i32
      %dma_wait3A_153 = arith.constant 0 : i32
      %dma_wait3A_154 = arith.constant 0 : i32
      %dma_wait3A_155 = tpu.memref_slice %arg11[%dma_wait3A_150, %dma_wait3A_151, %dma_wait3A_152, %dma_wait3A_153, %dma_wait3A_154] : memref<2x2x4x4x512xf32, #tpu.memory_space<vmem>> -> memref<1x2x4x4x512xf32, #tpu.memory_space<vmem>>
      %dma_wait3A_156 = tpu.memref_squeeze %dma_wait3A_155 : memref<1x2x4x4x512xf32, #tpu.memory_space<vmem>> -> memref<2x4x4x512xf32, #tpu.memory_space<vmem>>
      %dma_wait3A_157 = arith.constant 0 : i32
      %dma_wait3A_158 = arith.constant 0 : i32
      %dma_wait3A_159 = arith.constant 0 : i32
      %dma_wait3A_160 = tpu.memref_slice %arg5[%add3A_149, %dma_wait3A_157, %dma_wait3A_158, %dma_wait3A_159] : memref<1024x4x4x512xf32, #tpu.memory_space<hbm>> -> memref<2x4x4x512xf32, #tpu.memory_space<hbm>>
      %dma_wait3A_161 = arith.constant 0 : i32
      %dma_wait3A_162 = arith.constant 0 : i32
      %dma_wait3A_163 = arith.constant 0 : i32
      %dma_wait3A_164 = arith.constant 0 : i32
      %dma_wait3A_165 = tpu.memref_slice %arg11[%dma_wait3A_150, %dma_wait3A_161, %dma_wait3A_162, %dma_wait3A_163, %dma_wait3A_164] : memref<2x2x4x4x512xf32, #tpu.memory_space<vmem>> -> memref<1x2x4x4x512xf32, #tpu.memory_space<vmem>>
      %dma_wait3A_166 = tpu.memref_squeeze %dma_wait3A_165 : memref<1x2x4x4x512xf32, #tpu.memory_space<vmem>> -> memref<2x4x4x512xf32, #tpu.memory_space<vmem>>
      %dma_wait3A_167 = arith.constant 0 : i32
      %dma_wait3A_168 = arith.constant 0 : i32
      %dma_wait3A_169 = arith.constant 0 : i32
      %dma_wait3A_170 = tpu.memref_slice %arg5[%add3A_149, %dma_wait3A_167, %dma_wait3A_168, %dma_wait3A_169] : memref<1024x4x4x512xf32, #tpu.memory_space<hbm>> -> memref<2x4x4x512xf32, #tpu.memory_space<hbm>>
      tpu.wait_dma2 semaphore(%arg13 : memref<!tpu.dma_semaphore, #tpu.memory_space<semaphore_mem>>) src(%dma_wait3A_170 : memref<2x4x4x512xf32, #tpu.memory_space<hbm>>) dst(%dma_wait3A_166 : memref<2x4x4x512xf32, #tpu.memory_space<vmem>>)
      %dma_wait3A_171 = arith.constant 0 : i32
      %dma_wait3A_172 = arith.constant 0 : i32
      %dma_wait3A_173 = arith.constant 0 : i32
      %dma_wait3A_174 = arith.constant 0 : i32
      %dma_wait3A_175 = arith.constant 0 : i32
      %dma_wait3A_176 = tpu.memref_slice %arg12[%dma_wait3A_171, %dma_wait3A_172, %dma_wait3A_173, %dma_wait3A_174, %dma_wait3A_175] : memref<2x2x4x4x512xf32, #tpu.memory_space<vmem>> -> memref<1x2x4x4x512xf32, #tpu.memory_space<vmem>>
      %dma_wait3A_177 = tpu.memref_squeeze %dma_wait3A_176 : memref<1x2x4x4x512xf32, #tpu.memory_space<vmem>> -> memref<2x4x4x512xf32, #tpu.memory_space<vmem>>
      %dma_wait3A_178 = arith.constant 0 : i32
      %dma_wait3A_179 = arith.constant 0 : i32
      %dma_wait3A_180 = arith.constant 0 : i32
      %dma_wait3A_181 = tpu.memref_slice %arg6[%add3A_149, %dma_wait3A_178, %dma_wait3A_179, %dma_wait3A_180] : memref<1024x4x4x512xf32, #tpu.memory_space<hbm>> -> memref<2x4x4x512xf32, #tpu.memory_space<hbm>>
      %dma_wait3A_182 = arith.constant 0 : i32
      %dma_wait3A_183 = arith.constant 0 : i32
      %dma_wait3A_184 = arith.constant 0 : i32
      %dma_wait3A_185 = arith.constant 0 : i32
      %dma_wait3A_186 = tpu.memref_slice %arg12[%dma_wait3A_171, %dma_wait3A_182, %dma_wait3A_183, %dma_wait3A_184, %dma_wait3A_185] : memref<2x2x4x4x512xf32, #tpu.memory_space<vmem>> -> memref<1x2x4x4x512xf32, #tpu.memory_space<vmem>>
      %dma_wait3A_187 = tpu.memref_squeeze %dma_wait3A_186 : memref<1x2x4x4x512xf32, #tpu.memory_space<vmem>> -> memref<2x4x4x512xf32, #tpu.memory_space<vmem>>
      %dma_wait3A_188 = arith.constant 0 : i32
      %dma_wait3A_189 = arith.constant 0 : i32
      %dma_wait3A_190 = arith.constant 0 : i32
      %dma_wait3A_191 = tpu.memref_slice %arg6[%add3A_149, %dma_wait3A_188, %dma_wait3A_189, %dma_wait3A_190] : memref<1024x4x4x512xf32, #tpu.memory_space<hbm>> -> memref<2x4x4x512xf32, #tpu.memory_space<hbm>>
      tpu.wait_dma2 semaphore(%arg14 : memref<!tpu.dma_semaphore, #tpu.memory_space<semaphore_mem>>) src(%dma_wait3A_191 : memref<2x4x4x512xf32, #tpu.memory_space<hbm>>) dst(%dma_wait3A_187 : memref<2x4x4x512xf32, #tpu.memory_space<vmem>>)
      %scan3A_192 = arith.constant 0 : i32
      %scan3A_193 = arith.constant 0 : i32
      %scan3A_194 = arith.constant 2 : i32
      %scan3A_195 = arith.addi %scan3A_193, %scan3A_194 : i32
      %scan3A_196 = arith.constant 1 : i32
      %scan3A_197 = scf.for %scan3A_311 = %scan3A_193 to %scan3A_195 step %scan3A_196 iter_args(%scan3A_312 = %scan3A_192) -> (i32)  : i32 {
        %mul3A_313 = arith.constant 2 : i32
        %mul3A_314 = arith.muli %add3A_146, %mul3A_313 : i32
        %add3A_315 = arith.addi %mul3A_314, %scan3A_311 : i32
        %get3A = arith.index_cast %add3A_315 : i32 to index
        %get3A_316 = tpu.vector_load %arg10[%get3A] {strides = array<i32>} : memref<48xi32, #tpu.memory_space<vmem>>, vector<16xi32>,
        %get3A_317 = vector.shape_cast %get3A_316 : vector<16xi32> to vector<16xi32>
        %slice3A = vector.extract_strided_slice %get3A_317 {offsets = [0], sizes = [1], strides = [1]} : vector<16xi32> to vector<1xi32>
        %squeeze3A = vector.extract %slice3A[0] : i32 from vector<1xi32>
        %get3A_318 = arith.index_cast %squeeze3A : i32 to index
        %get3A_319 = tpu.vector_load %arg8[%get3A_318] {strides = array<i32>} : memref<224xf32, #tpu.memory_space<vmem>>, vector<16xf32>,
        %get3A_320 = vector.shape_cast %get3A_319 : vector<16xf32> to vector<16xf32>
        %slice3A_321 = vector.extract_strided_slice %get3A_320 {offsets = [0], sizes = [1], strides = [1]} : vector<16xf32> to vector<1xf32>
        %squeeze3A_322 = vector.extract %slice3A_321[0] : f32 from vector<1xf32>
        %broadcast_in_dim3A = vector.broadcast %squeeze3A_322 : f32 to vector<16xf32>
        %get3A_323 = arith.index_cast %squeeze3A : i32 to index
        %get3A_324 = tpu.vector_load %arg9[%get3A_323] {strides = array<i32>} : memref<224xf32, #tpu.memory_space<vmem>>, vector<16xf32>,
        %get3A_325 = vector.shape_cast %get3A_324 : vector<16xf32> to vector<16xf32>
        %slice3A_326 = vector.extract_strided_slice %get3A_325 {offsets = [0], sizes = [1], strides = [1]} : vector<16xf32> to vector<1xf32>
        %squeeze3A_327 = vector.extract %slice3A_326[0] : f32 from vector<1xf32>
        %broadcast_in_dim3A_328 = vector.broadcast %squeeze3A_327 : f32 to vector<16xf32>
        %scan3A_329 = arith.constant 0 : i32
        %scan3A_330 = arith.constant 0 : i32
        %scan3A_331 = arith.constant 16 : i32
        %scan3A_332 = arith.addi %scan3A_330, %scan3A_331 : i32
        %scan3A_333 = arith.constant 1 : i32
        %scan3A_334 = scf.for %scan3A_337 = %scan3A_330 to %scan3A_332 step %scan3A_333 iter_args(%scan3A_338 = %scan3A_329) -> (i32)  : i32 {
          %jit3A = arith.constant 4 : i32
          %div3A = arith.divsi %scan3A_337, %jit3A : i32
          %sign3A = arith.constant 0 : i32
          %sign3A_339 = arith.cmpi sgt, %scan3A_337, %sign3A : i32
          %sign3A_340 = arith.extui %sign3A_339 : i1 to i32
          %sign3A_341 = arith.constant 0 : i32
          %sign3A_342 = arith.cmpi slt, %scan3A_337, %sign3A_341 : i32
          %sign3A_343 = arith.extui %sign3A_342 : i1 to i32
          %sign3A_344 = arith.subi %sign3A_340, %sign3A_343 : i32
          %sign3A_345 = arith.constant 0 : i32
          %sign3A_346 = arith.cmpi sgt, %jit3A, %sign3A_345 : i32
          %sign3A_347 = arith.extui %sign3A_346 : i1 to i32
          %sign3A_348 = arith.constant 0 : i32
          %sign3A_349 = arith.cmpi slt, %jit3A, %sign3A_348 : i32
          %sign3A_350 = arith.extui %sign3A_349 : i1 to i32
          %sign3A_351 = arith.subi %sign3A_347, %sign3A_350 : i32
          %ne3A = arith.cmpi ne, %sign3A_344, %sign3A_351 : i32
          %rem3A = arith.remsi %scan3A_337, %jit3A : i32
          %ne3A_352 = arith.constant 0 : i32
          %ne3A_353 = arith.cmpi ne, %rem3A, %ne3A_352 : i32
          %and3A = arith.andi %ne3A, %ne3A_353 : i1
          %sub3A = arith.constant 1 : i32
          %sub3A_354 = arith.subi %div3A, %sub3A : i32
          %select_n3A = arith.select %and3A, %sub3A_354, %div3A : i32
          %jit3A_355 = arith.constant 4 : i32
          %eq3A = arith.constant 0 : i32
          %eq3A_356 = arith.cmpi eq, %jit3A_355, %eq3A : i32
          %jit3A_357 = arith.constant 1 : i32
          %select_n3A_358 = arith.select %eq3A_356, %jit3A_357, %jit3A_355 : i32
          %rem3A_359 = arith.remsi %scan3A_337, %select_n3A_358 : i32
          %ne3A_360 = arith.constant 0 : i32
          %ne3A_361 = arith.cmpi ne, %rem3A_359, %ne3A_360 : i32
          %lt3A_362 = arith.constant 0 : i32
          %lt3A_363 = arith.cmpi slt, %rem3A_359, %lt3A_362 : i32
          %lt3A_364 = arith.constant 0 : i32
          %lt3A_365 = arith.cmpi slt, %select_n3A_358, %lt3A_364 : i32
          %ne3A_366 = arith.xori %lt3A_363, %lt3A_365 : i1
          %and3A_367 = arith.andi %ne3A_366, %ne3A_361 : i1
          %add3A_368 = arith.addi %rem3A_359, %select_n3A_358 : i32
          %select_n3A_369 = arith.select %and3A_367, %add3A_368, %rem3A_359 : i32
          %get3A_370 = arith.constant 0 : i32
          %get3A_371 = arith.index_cast %get3A_370 : i32 to index
          %get3A_372 = arith.index_cast %scan3A_311 : i32 to index
          %get3A_373 = arith.index_cast %select_n3A : i32 to index
          %get3A_374 = arith.index_cast %select_n3A_369 : i32 to index
          %get3A_375 = arith.constant 0 : index
          %get3A_376 = tpu.vector_load %arg11[%get3A_371, %get3A_372, %get3A_373, %get3A_374, %get3A_375] {strides = array<i32>} : memref<2x2x4x4x512xf32, #tpu.memory_space<vmem>>, vector<1x1x1x1x16xf32>,
          %get3A_377 = vector.shape_cast %get3A_376 : vector<1x1x1x1x16xf32> to vector<16xf32>
          %mul3A_378 = arith.mulf %broadcast_in_dim3A, %get3A_377 : vector<16xf32>
          %get3A_379 = arith.constant 0 : i32
          %get3A_380 = arith.index_cast %get3A_379 : i32 to index
          %get3A_381 = arith.index_cast %scan3A_311 : i32 to index
          %get3A_382 = arith.index_cast %select_n3A : i32 to index
          %get3A_383 = arith.index_cast %select_n3A_369 : i32 to index
          %get3A_384 = arith.constant 0 : index
          %get3A_385 = tpu.vector_load %arg12[%get3A_380, %get3A_381, %get3A_382, %get3A_383, %get3A_384] {strides = array<i32>} : memref<2x2x4x4x512xf32, #tpu.memory_space<vmem>>, vector<1x1x1x1x16xf32>,
          %get3A_386 = vector.shape_cast %get3A_385 : vector<1x1x1x1x16xf32> to vector<16xf32>
          %mul3A_387 = arith.mulf %broadcast_in_dim3A_328, %get3A_386 : vector<16xf32>
          %add3A_388 = arith.addf %mul3A_378, %mul3A_387 : vector<16xf32>
          %swap3A = arith.constant 0 : i32
          %swap3A_389 = arith.index_cast %swap3A : i32 to index
          %swap3A_390 = arith.index_cast %scan3A_311 : i32 to index
          %swap3A_391 = arith.index_cast %select_n3A : i32 to index
          %swap3A_392 = arith.index_cast %select_n3A_369 : i32 to index
          %swap3A_393 = arith.constant 0 : index
          %swap3A_394 = tpu.vector_load %arg11[%swap3A_389, %swap3A_390, %swap3A_391, %swap3A_392, %swap3A_393] {strides = array<i32>} : memref<2x2x4x4x512xf32, #tpu.memory_space<vmem>>, vector<1x1x1x1x16xf32>,
          %swap3A_395 = vector.shape_cast %swap3A_394 : vector<1x1x1x1x16xf32> to vector<16xf32>
          %swap3A_396 = vector.shape_cast %add3A_388 : vector<16xf32> to vector<1x1x1x1x16xf32>
          tpu.vector_store %arg11[%swap3A_389, %swap3A_390, %swap3A_391, %swap3A_392, %swap3A_393], %swap3A_396 {strides = array<i32>} : memref<2x2x4x4x512xf32, #tpu.memory_space<vmem>>, vector<1x1x1x1x16xf32>,
          %get3A_397 = arith.constant 0 : i32
          %get3A_398 = arith.index_cast %get3A_397 : i32 to index
          %get3A_399 = arith.index_cast %scan3A_311 : i32 to index
          %get3A_400 = arith.index_cast %select_n3A : i32 to index
          %get3A_401 = arith.index_cast %select_n3A_369 : i32 to index
          %get3A_402 = arith.constant 16 : index
          %get3A_403 = tpu.vector_load %arg11[%get3A_398, %get3A_399, %get3A_400, %get3A_401, %get3A_402] {strides = array<i32>} : memref<2x2x4x4x512xf32, #tpu.memory_space<vmem>>, vector<1x1x1x1x16xf32>,
          %get3A_404 = vector.shape_cast %get3A_403 : vector<1x1x1x1x16xf32> to vector<16xf32>
          %mul3A_405 = arith.mulf %broadcast_in_dim3A, %get3A_404 : vector<16xf32>
          %get3A_406 = arith.constant 0 : i32
          %get3A_407 = arith.index_cast %get3A_406 : i32 to index
          %get3A_408 = arith.index_cast %scan3A_311 : i32 to index
          %get3A_409 = arith.index_cast %select_n3A : i32 to index
          %get3A_410 = arith.index_cast %select_n3A_369 : i32 to index
          %get3A_411 = arith.constant 16 : index
          %get3A_412 = tpu.vector_load %arg12[%get3A_407, %get3A_408, %get3A_409, %get3A_410, %get3A_411] {strides = array<i32>} : memref<2x2x4x4x512xf32, #tpu.memory_space<vmem>>, vector<1x1x1x1x16xf32>,
          %get3A_413 = vector.shape_cast %get3A_412 : vector<1x1x1x1x16xf32> to vector<16xf32>
          %mul3A_414 = arith.mulf %broadcast_in_dim3A_328, %get3A_413 : vector<16xf32>
          %add3A_415 = arith.addf %mul3A_405, %mul3A_414 : vector<16xf32>
          %swap3A_416 = arith.constant 0 : i32
          %swap3A_417 = arith.index_cast %swap3A_416 : i32 to index
          %swap3A_418 = arith.index_cast %scan3A_311 : i32 to index
          %swap3A_419 = arith.index_cast %select_n3A : i32 to index
          %swap3A_420 = arith.index_cast %select_n3A_369 : i32 to index
          %swap3A_421 = arith.constant 16 : index
          %swap3A_422 = tpu.vector_load %arg11[%swap3A_417, %swap3A_418, %swap3A_419, %swap3A_420, %swap3A_421] {strides = array<i32>} : memref<2x2x4x4x512xf32, #tpu.memory_space<vmem>>, vector<1x1x1x1x16xf32>,
          %swap3A_423 = vector.shape_cast %swap3A_422 : vector<1x1x1x1x16xf32> to vector<16xf32>
          %swap3A_424 = vector.shape_cast %add3A_415 : vector<16xf32> to vector<1x1x1x1x16xf32>
          tpu.vector_store %arg11[%swap3A_417, %swap3A_418, %swap3A_419, %swap3A_420, %swap3A_421], %swap3A_424 {strides = array<i32>} : memref<2x2x4x4x512xf32, #tpu.memory_space<vmem>>, vector<1x1x1x1x16xf32>,
          %get3A_425 = arith.constant 0 : i32
          %get3A_426 = arith.index_cast %get3A_425 : i32 to index
          %get3A_427 = arith.index_cast %scan3A_311 : i32 to index
          %get3A_428 = arith.index_cast %select_n3A : i32 to index
          %get3A_429 = arith.index_cast %select_n3A_369 : i32 to index
          %get3A_430 = arith.constant 32 : index
          %get3A_431 = tpu.vector_load %arg11[%get3A_426, %get3A_427, %get3A_428, %get3A_429, %get3A_430] {strides = array<i32>} : memref<2x2x4x4x512xf32, #tpu.memory_space<vmem>>, vector<1x1x1x1x16xf32>,
          %get3A_432 = vector.shape_cast %get3A_431 : vector<1x1x1x1x16xf32> to vector<16xf32>
          %mul3A_433 = arith.mulf %broadcast_in_dim3A, %get3A_432 : vector<16xf32>
          %get3A_434 = arith.constant 0 : i32
          %get3A_435 = arith.index_cast %get3A_434 : i32 to index
          %get3A_436 = arith.index_cast %scan3A_311 : i32 to index
          %get3A_437 = arith.index_cast %select_n3A : i32 to index
          %get3A_438 = arith.index_cast %select_n3A_369 : i32 to index
          %get3A_439 = arith.constant 32 : index
          %get3A_440 = tpu.vector_load %arg12[%get3A_435, %get3A_436, %get3A_437, %get3A_438, %get3A_439] {strides = array<i32>} : memref<2x2x4x4x512xf32, #tpu.memory_space<vmem>>, vector<1x1x1x1x16xf32>,
          %get3A_441 = vector.shape_cast %get3A_440 : vector<1x1x1x1x16xf32> to vector<16xf32>
          %mul3A_442 = arith.mulf %broadcast_in_dim3A_328, %get3A_441 : vector<16xf32>
          %add3A_443 = arith.addf %mul3A_433, %mul3A_442 : vector<16xf32>
          %swap3A_444 = arith.constant 0 : i32
          %swap3A_445 = arith.index_cast %swap3A_444 : i32 to index
          %swap3A_446 = arith.index_cast %scan3A_311 : i32 to index
          %swap3A_447 = arith.index_cast %select_n3A : i32 to index
          %swap3A_448 = arith.index_cast %select_n3A_369 : i32 to index
          %swap3A_449 = arith.constant 32 : index
          %swap3A_450 = tpu.vector_load %arg11[%swap3A_445, %swap3A_446, %swap3A_447, %swap3A_448, %swap3A_449] {strides = array<i32>} : memref<2x2x4x4x512xf32, #tpu.memory_space<vmem>>, vector<1x1x1x1x16xf32>,
          %swap3A_451 = vector.shape_cast %swap3A_450 : vector<1x1x1x1x16xf32> to vector<16xf32>
          %swap3A_452 = vector.shape_cast %add3A_443 : vector<16xf32> to vector<1x1x1x1x16xf32>
          tpu.vector_store %arg11[%swap3A_445, %swap3A_446, %swap3A_447, %swap3A_448, %swap3A_449], %swap3A_452 {strides = array<i32>} : memref<2x2x4x4x512xf32, #tpu.memory_space<vmem>>, vector<1x1x1x1x16xf32>,
          %get3A_453 = arith.constant 0 : i32
          %get3A_454 = arith.index_cast %get3A_453 : i32 to index
          %get3A_455 = arith.index_cast %scan3A_311 : i32 to index
          %get3A_456 = arith.index_cast %select_n3A : i32 to index
          %get3A_457 = arith.index_cast %select_n3A_369 : i32 to index
          %get3A_458 = arith.constant 48 : index
          %get3A_459 = tpu.vector_load %arg11[%get3A_454, %get3A_455, %get3A_456, %get3A_457, %get3A_458] {strides = array<i32>} : memref<2x2x4x4x512xf32, #tpu.memory_space<vmem>>, vector<1x1x1x1x16xf32>,
          %get3A_460 = vector.shape_cast %get3A_459 : vector<1x1x1x1x16xf32> to vector<16xf32>
          %mul3A_461 = arith.mulf %broadcast_in_dim3A, %get3A_460 : vector<16xf32>
          %get3A_462 = arith.constant 0 : i32
          %get3A_463 = arith.index_cast %get3A_462 : i32 to index
          %get3A_464 = arith.index_cast %scan3A_311 : i32 to index
          %get3A_465 = arith.index_cast %select_n3A : i32 to index
          %get3A_466 = arith.index_cast %select_n3A_369 : i32 to index
          %get3A_467 = arith.constant 48 : index
          %get3A_468 = tpu.vector_load %arg12[%get3A_463, %get3A_464, %get3A_465, %get3A_466, %get3A_467] {strides = array<i32>} : memref<2x2x4x4x512xf32, #tpu.memory_space<vmem>>, vector<1x1x1x1x16xf32>,
          %get3A_469 = vector.shape_cast %get3A_468 : vector<1x1x1x1x16xf32> to vector<16xf32>
          %mul3A_470 = arith.mulf %broadcast_in_dim3A_328, %get3A_469 : vector<16xf32>
          %add3A_471 = arith.addf %mul3A_461, %mul3A_470 : vector<16xf32>
          %swap3A_472 = arith.constant 0 : i32
          %swap3A_473 = arith.index_cast %swap3A_472 : i32 to index
          %swap3A_474 = arith.index_cast %scan3A_311 : i32 to index
          %swap3A_475 = arith.index_cast %select_n3A : i32 to index
          %swap3A_476 = arith.index_cast %select_n3A_369 : i32 to index
          %swap3A_477 = arith.constant 48 : index
          %swap3A_478 = tpu.vector_load %arg11[%swap3A_473, %swap3A_474, %swap3A_475, %swap3A_476, %swap3A_477] {strides = array<i32>} : memref<2x2x4x4x512xf32, #tpu.memory_space<vmem>>, vector<1x1x1x1x16xf32>,
          %swap3A_479 = vector.shape_cast %swap3A_478 : vector<1x1x1x1x16xf32> to vector<16xf32>
          %swap3A_480 = vector.shape_cast %add3A_471 : vector<16xf32> to vector<1x1x1x1x16xf32>
          tpu.vector_store %arg11[%swap3A_473, %swap3A_474, %swap3A_475, %swap3A_476, %swap3A_477], %swap3A_480 {strides = array<i32>} : memref<2x2x4x4x512xf32, #tpu.memory_space<vmem>>, vector<1x1x1x1x16xf32>,
          %get3A_481 = arith.constant 0 : i32
          %get3A_482 = arith.index_cast %get3A_481 : i32 to index
          %get3A_483 = arith.index_cast %scan3A_311 : i32 to index
          %get3A_484 = arith.index_cast %select_n3A : i32 to index
          %get3A_485 = arith.index_cast %select_n3A_369 : i32 to index
          %get3A_486 = arith.constant 64 : index
          %get3A_487 = tpu.vector_load %arg11[%get3A_482, %get3A_483, %get3A_484, %get3A_485, %get3A_486] {strides = array<i32>} : memref<2x2x4x4x512xf32, #tpu.memory_space<vmem>>, vector<1x1x1x1x16xf32>,
          %get3A_488 = vector.shape_cast %get3A_487 : vector<1x1x1x1x16xf32> to vector<16xf32>
          %mul3A_489 = arith.mulf %broadcast_in_dim3A, %get3A_488 : vector<16xf32>
          %get3A_490 = arith.constant 0 : i32
          %get3A_491 = arith.index_cast %get3A_490 : i32 to index
          %get3A_492 = arith.index_cast %scan3A_311 : i32 to index
          %get3A_493 = arith.index_cast %select_n3A : i32 to index
          %get3A_494 = arith.index_cast %select_n3A_369 : i32 to index
          %get3A_495 = arith.constant 64 : index
          %get3A_496 = tpu.vector_load %arg12[%get3A_491, %get3A_492, %get3A_493, %get3A_494, %get3A_495] {strides = array<i32>} : memref<2x2x4x4x512xf32, #tpu.memory_space<vmem>>, vector<1x1x1x1x16xf32>,
          %get3A_497 = vector.shape_cast %get3A_496 : vector<1x1x1x1x16xf32> to vector<16xf32>
          %mul3A_498 = arith.mulf %broadcast_in_dim3A_328, %get3A_497 : vector<16xf32>
          %add3A_499 = arith.addf %mul3A_489, %mul3A_498 : vector<16xf32>
          %swap3A_500 = arith.constant 0 : i32
          %swap3A_501 = arith.index_cast %swap3A_500 : i32 to index
          %swap3A_502 = arith.index_cast %scan3A_311 : i32 to index
          %swap3A_503 = arith.index_cast %select_n3A : i32 to index
          %swap3A_504 = arith.index_cast %select_n3A_369 : i32 to index
          %swap3A_505 = arith.constant 64 : index
          %swap3A_506 = tpu.vector_load %arg11[%swap3A_501, %swap3A_502, %swap3A_503, %swap3A_504, %swap3A_505] {strides = array<i32>} : memref<2x2x4x4x512xf32, #tpu.memory_space<vmem>>, vector<1x1x1x1x16xf32>,
          %swap3A_507 = vector.shape_cast %swap3A_506 : vector<1x1x1x1x16xf32> to vector<16xf32>
          %swap3A_508 = vector.shape_cast %add3A_499 : vector<16xf32> to vector<1x1x1x1x16xf32>
          tpu.vector_store %arg11[%swap3A_501, %swap3A_502, %swap3A_503, %swap3A_504, %swap3A_505], %swap3A_508 {strides = array<i32>} : memref<2x2x4x4x512xf32, #tpu.memory_space<vmem>>, vector<1x1x1x1x16xf32>,
          %get3A_509 = arith.constant 0 : i32
          %get3A_510 = arith.index_cast %get3A_509 : i32 to index
          %get3A_511 = arith.index_cast %scan3A_311 : i32 to index
          %get3A_512 = arith.index_cast %select_n3A : i32 to index
          %get3A_513 = arith.index_cast %select_n3A_369 : i32 to index
          %get3A_514 = arith.constant 80 : index
          %get3A_515 = tpu.vector_load %arg11[%get3A_510, %get3A_511, %get3A_512, %get3A_513, %get3A_514] {strides = array<i32>} : memref<2x2x4x4x512xf32, #tpu.memory_space<vmem>>, vector<1x1x1x1x16xf32>,
          %get3A_516 = vector.shape_cast %get3A_515 : vector<1x1x1x1x16xf32> to vector<16xf32>
          %mul3A_517 = arith.mulf %broadcast_in_dim3A, %get3A_516 : vector<16xf32>
          %get3A_518 = arith.constant 0 : i32
          %get3A_519 = arith.index_cast %get3A_518 : i32 to index
          %get3A_520 = arith.index_cast %scan3A_311 : i32 to index
          %get3A_521 = arith.index_cast %select_n3A : i32 to index
          %get3A_522 = arith.index_cast %select_n3A_369 : i32 to index
          %get3A_523 = arith.constant 80 : index
          %get3A_524 = tpu.vector_load %arg12[%get3A_519, %get3A_520, %get3A_521, %get3A_522, %get3A_523] {strides = array<i32>} : memref<2x2x4x4x512xf32, #tpu.memory_space<vmem>>, vector<1x1x1x1x16xf32>,
          %get3A_525 = vector.shape_cast %get3A_524 : vector<1x1x1x1x16xf32> to vector<16xf32>
          %mul3A_526 = arith.mulf %broadcast_in_dim3A_328, %get3A_525 : vector<16xf32>
          %add3A_527 = arith.addf %mul3A_517, %mul3A_526 : vector<16xf32>
          %swap3A_528 = arith.constant 0 : i32
          %swap3A_529 = arith.index_cast %swap3A_528 : i32 to index
          %swap3A_530 = arith.index_cast %scan3A_311 : i32 to index
          %swap3A_531 = arith.index_cast %select_n3A : i32 to index
          %swap3A_532 = arith.index_cast %select_n3A_369 : i32 to index
          %swap3A_533 = arith.constant 80 : index
          %swap3A_534 = tpu.vector_load %arg11[%swap3A_529, %swap3A_530, %swap3A_531, %swap3A_532, %swap3A_533] {strides = array<i32>} : memref<2x2x4x4x512xf32, #tpu.memory_space<vmem>>, vector<1x1x1x1x16xf32>,
          %swap3A_535 = vector.shape_cast %swap3A_534 : vector<1x1x1x1x16xf32> to vector<16xf32>
          %swap3A_536 = vector.shape_cast %add3A_527 : vector<16xf32> to vector<1x1x1x1x16xf32>
          tpu.vector_store %arg11[%swap3A_529, %swap3A_530, %swap3A_531, %swap3A_532, %swap3A_533], %swap3A_536 {strides = array<i32>} : memref<2x2x4x4x512xf32, #tpu.memory_space<vmem>>, vector<1x1x1x1x16xf32>,
          %get3A_537 = arith.constant 0 : i32
          %get3A_538 = arith.index_cast %get3A_537 : i32 to index
          %get3A_539 = arith.index_cast %scan3A_311 : i32 to index
          %get3A_540 = arith.index_cast %select_n3A : i32 to index
          %get3A_541 = arith.index_cast %select_n3A_369 : i32 to index
          %get3A_542 = arith.constant 96 : index
          %get3A_543 = tpu.vector_load %arg11[%get3A_538, %get3A_539, %get3A_540, %get3A_541, %get3A_542] {strides = array<i32>} : memref<2x2x4x4x512xf32, #tpu.memory_space<vmem>>, vector<1x1x1x1x16xf32>,
          %get3A_544 = vector.shape_cast %get3A_543 : vector<1x1x1x1x16xf32> to vector<16xf32>
          %mul3A_545 = arith.mulf %broadcast_in_dim3A, %get3A_544 : vector<16xf32>
          %get3A_546 = arith.constant 0 : i32
          %get3A_547 = arith.index_cast %get3A_546 : i32 to index
          %get3A_548 = arith.index_cast %scan3A_311 : i32 to index
          %get3A_549 = arith.index_cast %select_n3A : i32 to index
          %get3A_550 = arith.index_cast %select_n3A_369 : i32 to index
          %get3A_551 = arith.constant 96 : index
          %get3A_552 = tpu.vector_load %arg12[%get3A_547, %get3A_548, %get3A_549, %get3A_550, %get3A_551] {strides = array<i32>} : memref<2x2x4x4x512xf32, #tpu.memory_space<vmem>>, vector<1x1x1x1x16xf32>,
          %get3A_553 = vector.shape_cast %get3A_552 : vector<1x1x1x1x16xf32> to vector<16xf32>
          %mul3A_554 = arith.mulf %broadcast_in_dim3A_328, %get3A_553 : vector<16xf32>
          %add3A_555 = arith.addf %mul3A_545, %mul3A_554 : vector<16xf32>
          %swap3A_556 = arith.constant 0 : i32
          %swap3A_557 = arith.index_cast %swap3A_556 : i32 to index
          %swap3A_558 = arith.index_cast %scan3A_311 : i32 to index
          %swap3A_559 = arith.index_cast %select_n3A : i32 to index
          %swap3A_560 = arith.index_cast %select_n3A_369 : i32 to index
          %swap3A_561 = arith.constant 96 : index
          %swap3A_562 = tpu.vector_load %arg11[%swap3A_557, %swap3A_558, %swap3A_559, %swap3A_560, %swap3A_561] {strides = array<i32>} : memref<2x2x4x4x512xf32, #tpu.memory_space<vmem>>, vector<1x1x1x1x16xf32>,
          %swap3A_563 = vector.shape_cast %swap3A_562 : vector<1x1x1x1x16xf32> to vector<16xf32>
          %swap3A_564 = vector.shape_cast %add3A_555 : vector<16xf32> to vector<1x1x1x1x16xf32>
          tpu.vector_store %arg11[%swap3A_557, %swap3A_558, %swap3A_559, %swap3A_560, %swap3A_561], %swap3A_564 {strides = array<i32>} : memref<2x2x4x4x512xf32, #tpu.memory_space<vmem>>, vector<1x1x1x1x16xf32>,
          %get3A_565 = arith.constant 0 : i32
          %get3A_566 = arith.index_cast %get3A_565 : i32 to index
          %get3A_567 = arith.index_cast %scan3A_311 : i32 to index
          %get3A_568 = arith.index_cast %select_n3A : i32 to index
          %get3A_569 = arith.index_cast %select_n3A_369 : i32 to index
          %get3A_570 = arith.constant 112 : index
          %get3A_571 = tpu.vector_load %arg11[%get3A_566, %get3A_567, %get3A_568, %get3A_569, %get3A_570] {strides = array<i32>} : memref<2x2x4x4x512xf32, #tpu.memory_space<vmem>>, vector<1x1x1x1x16xf32>,
          %get3A_572 = vector.shape_cast %get3A_571 : vector<1x1x1x1x16xf32> to vector<16xf32>
          %mul3A_573 = arith.mulf %broadcast_in_dim3A, %get3A_572 : vector<16xf32>
          %get3A_574 = arith.constant 0 : i32
          %get3A_575 = arith.index_cast %get3A_574 : i32 to index
          %get3A_576 = arith.index_cast %scan3A_311 : i32 to index
          %get3A_577 = arith.index_cast %select_n3A : i32 to index
          %get3A_578 = arith.index_cast %select_n3A_369 : i32 to index
          %get3A_579 = arith.constant 112 : index
          %get3A_580 = tpu.vector_load %arg12[%get3A_575, %get3A_576, %get3A_577, %get3A_578, %get3A_579] {strides = array<i32>} : memref<2x2x4x4x512xf32, #tpu.memory_space<vmem>>, vector<1x1x1x1x16xf32>,
          %get3A_581 = vector.shape_cast %get3A_580 : vector<1x1x1x1x16xf32> to vector<16xf32>
          %mul3A_582 = arith.mulf %broadcast_in_dim3A_328, %get3A_581 : vector<16xf32>
          %add3A_583 = arith.addf %mul3A_573, %mul3A_582 : vector<16xf32>
          %swap3A_584 = arith.constant 0 : i32
          %swap3A_585 = arith.index_cast %swap3A_584 : i32 to index
          %swap3A_586 = arith.index_cast %scan3A_311 : i32 to index
          %swap3A_587 = arith.index_cast %select_n3A : i32 to index
          %swap3A_588 = arith.index_cast %select_n3A_369 : i32 to index
          %swap3A_589 = arith.constant 112 : index
          %swap3A_590 = tpu.vector_load %arg11[%swap3A_585, %swap3A_586, %swap3A_587, %swap3A_588, %swap3A_589] {strides = array<i32>} : memref<2x2x4x4x512xf32, #tpu.memory_space<vmem>>, vector<1x1x1x1x16xf32>,
          %swap3A_591 = vector.shape_cast %swap3A_590 : vector<1x1x1x1x16xf32> to vector<16xf32>
          %swap3A_592 = vector.shape_cast %add3A_583 : vector<16xf32> to vector<1x1x1x1x16xf32>
          tpu.vector_store %arg11[%swap3A_585, %swap3A_586, %swap3A_587, %swap3A_588, %swap3A_589], %swap3A_592 {strides = array<i32>} : memref<2x2x4x4x512xf32, #tpu.memory_space<vmem>>, vector<1x1x1x1x16xf32>,
          %get3A_593 = arith.constant 0 : i32
          %get3A_594 = arith.index_cast %get3A_593 : i32 to index
          %get3A_595 = arith.index_cast %scan3A_311 : i32 to index
          %get3A_596 = arith.index_cast %select_n3A : i32 to index
          %get3A_597 = arith.index_cast %select_n3A_369 : i32 to index
          %get3A_598 = arith.constant 128 : index
          %get3A_599 = tpu.vector_load %arg11[%get3A_594, %get3A_595, %get3A_596, %get3A_597, %get3A_598] {strides = array<i32>} : memref<2x2x4x4x512xf32, #tpu.memory_space<vmem>>, vector<1x1x1x1x16xf32>,
          %get3A_600 = vector.shape_cast %get3A_599 : vector<1x1x1x1x16xf32> to vector<16xf32>
          %mul3A_601 = arith.mulf %broadcast_in_dim3A, %get3A_600 : vector<16xf32>
          %get3A_602 = arith.constant 0 : i32
          %get3A_603 = arith.index_cast %get3A_602 : i32 to index
          %get3A_604 = arith.index_cast %scan3A_311 : i32 to index
          %get3A_605 = arith.index_cast %select_n3A : i32 to index
          %get3A_606 = arith.index_cast %select_n3A_369 : i32 to index
          %get3A_607 = arith.constant 128 : index
          %get3A_608 = tpu.vector_load %arg12[%get3A_603, %get3A_604, %get3A_605, %get3A_606, %get3A_607] {strides = array<i32>} : memref<2x2x4x4x512xf32, #tpu.memory_space<vmem>>, vector<1x1x1x1x16xf32>,
          %get3A_609 = vector.shape_cast %get3A_608 : vector<1x1x1x1x16xf32> to vector<16xf32>
          %mul3A_610 = arith.mulf %broadcast_in_dim3A_328, %get3A_609 : vector<16xf32>
          %add3A_611 = arith.addf %mul3A_601, %mul3A_610 : vector<16xf32>
          %swap3A_612 = arith.constant 0 : i32
          %swap3A_613 = arith.index_cast %swap3A_612 : i32 to index
          %swap3A_614 = arith.index_cast %scan3A_311 : i32 to index
          %swap3A_615 = arith.index_cast %select_n3A : i32 to index
          %swap3A_616 = arith.index_cast %select_n3A_369 : i32 to index
          %swap3A_617 = arith.constant 128 : index
          %swap3A_618 = tpu.vector_load %arg11[%swap3A_613, %swap3A_614, %swap3A_615, %swap3A_616, %swap3A_617] {strides = array<i32>} : memref<2x2x4x4x512xf32, #tpu.memory_space<vmem>>, vector<1x1x1x1x16xf32>,
          %swap3A_619 = vector.shape_cast %swap3A_618 : vector<1x1x1x1x16xf32> to vector<16xf32>
          %swap3A_620 = vector.shape_cast %add3A_611 : vector<16xf32> to vector<1x1x1x1x16xf32>
          tpu.vector_store %arg11[%swap3A_613, %swap3A_614, %swap3A_615, %swap3A_616, %swap3A_617], %swap3A_620 {strides = array<i32>} : memref<2x2x4x4x512xf32, #tpu.memory_space<vmem>>, vector<1x1x1x1x16xf32>,
          %get3A_621 = arith.constant 0 : i32
          %get3A_622 = arith.index_cast %get3A_621 : i32 to index
          %get3A_623 = arith.index_cast %scan3A_311 : i32 to index
          %get3A_624 = arith.index_cast %select_n3A : i32 to index
          %get3A_625 = arith.index_cast %select_n3A_369 : i32 to index
          %get3A_626 = arith.constant 144 : index
          %get3A_627 = tpu.vector_load %arg11[%get3A_622, %get3A_623, %get3A_624, %get3A_625, %get3A_626] {strides = array<i32>} : memref<2x2x4x4x512xf32, #tpu.memory_space<vmem>>, vector<1x1x1x1x16xf32>,
          %get3A_628 = vector.shape_cast %get3A_627 : vector<1x1x1x1x16xf32> to vector<16xf32>
          %mul3A_629 = arith.mulf %broadcast_in_dim3A, %get3A_628 : vector<16xf32>
          %get3A_630 = arith.constant 0 : i32
          %get3A_631 = arith.index_cast %get3A_630 : i32 to index
          %get3A_632 = arith.index_cast %scan3A_311 : i32 to index
          %get3A_633 = arith.index_cast %select_n3A : i32 to index
          %get3A_634 = arith.index_cast %select_n3A_369 : i32 to index
          %get3A_635 = arith.constant 144 : index
          %get3A_636 = tpu.vector_load %arg12[%get3A_631, %get3A_632, %get3A_633, %get3A_634, %get3A_635] {strides = array<i32>} : memref<2x2x4x4x512xf32, #tpu.memory_space<vmem>>, vector<1x1x1x1x16xf32>,
          %get3A_637 = vector.shape_cast %get3A_636 : vector<1x1x1x1x16xf32> to vector<16xf32>
          %mul3A_638 = arith.mulf %broadcast_in_dim3A_328, %get3A_637 : vector<16xf32>
          %add3A_639 = arith.addf %mul3A_629, %mul3A_638 : vector<16xf32>
          %swap3A_640 = arith.constant 0 : i32
          %swap3A_641 = arith.index_cast %swap3A_640 : i32 to index
          %swap3A_642 = arith.index_cast %scan3A_311 : i32 to index
          %swap3A_643 = arith.index_cast %select_n3A : i32 to index
          %swap3A_644 = arith.index_cast %select_n3A_369 : i32 to index
          %swap3A_645 = arith.constant 144 : index
          %swap3A_646 = tpu.vector_load %arg11[%swap3A_641, %swap3A_642, %swap3A_643, %swap3A_644, %swap3A_645] {strides = array<i32>} : memref<2x2x4x4x512xf32, #tpu.memory_space<vmem>>, vector<1x1x1x1x16xf32>,
          %swap3A_647 = vector.shape_cast %swap3A_646 : vector<1x1x1x1x16xf32> to vector<16xf32>
          %swap3A_648 = vector.shape_cast %add3A_639 : vector<16xf32> to vector<1x1x1x1x16xf32>
          tpu.vector_store %arg11[%swap3A_641, %swap3A_642, %swap3A_643, %swap3A_644, %swap3A_645], %swap3A_648 {strides = array<i32>} : memref<2x2x4x4x512xf32, #tpu.memory_space<vmem>>, vector<1x1x1x1x16xf32>,
          %get3A_649 = arith.constant 0 : i32
          %get3A_650 = arith.index_cast %get3A_649 : i32 to index
          %get3A_651 = arith.index_cast %scan3A_311 : i32 to index
          %get3A_652 = arith.index_cast %select_n3A : i32 to index
          %get3A_653 = arith.index_cast %select_n3A_369 : i32 to index
          %get3A_654 = arith.constant 160 : index
          %get3A_655 = tpu.vector_load %arg11[%get3A_650, %get3A_651, %get3A_652, %get3A_653, %get3A_654] {strides = array<i32>} : memref<2x2x4x4x512xf32, #tpu.memory_space<vmem>>, vector<1x1x1x1x16xf32>,
          %get3A_656 = vector.shape_cast %get3A_655 : vector<1x1x1x1x16xf32> to vector<16xf32>
          %mul3A_657 = arith.mulf %broadcast_in_dim3A, %get3A_656 : vector<16xf32>
          %get3A_658 = arith.constant 0 : i32
          %get3A_659 = arith.index_cast %get3A_658 : i32 to index
          %get3A_660 = arith.index_cast %scan3A_311 : i32 to index
          %get3A_661 = arith.index_cast %select_n3A : i32 to index
          %get3A_662 = arith.index_cast %select_n3A_369 : i32 to index
          %get3A_663 = arith.constant 160 : index
          %get3A_664 = tpu.vector_load %arg12[%get3A_659, %get3A_660, %get3A_661, %get3A_662, %get3A_663] {strides = array<i32>} : memref<2x2x4x4x512xf32, #tpu.memory_space<vmem>>, vector<1x1x1x1x16xf32>,
          %get3A_665 = vector.shape_cast %get3A_664 : vector<1x1x1x1x16xf32> to vector<16xf32>
          %mul3A_666 = arith.mulf %broadcast_in_dim3A_328, %get3A_665 : vector<16xf32>
          %add3A_667 = arith.addf %mul3A_657, %mul3A_666 : vector<16xf32>
          %swap3A_668 = arith.constant 0 : i32
          %swap3A_669 = arith.index_cast %swap3A_668 : i32 to index
          %swap3A_670 = arith.index_cast %scan3A_311 : i32 to index
          %swap3A_671 = arith.index_cast %select_n3A : i32 to index
          %swap3A_672 = arith.index_cast %select_n3A_369 : i32 to index
          %swap3A_673 = arith.constant 160 : index
          %swap3A_674 = tpu.vector_load %arg11[%swap3A_669, %swap3A_670, %swap3A_671, %swap3A_672, %swap3A_673] {strides = array<i32>} : memref<2x2x4x4x512xf32, #tpu.memory_space<vmem>>, vector<1x1x1x1x16xf32>,
          %swap3A_675 = vector.shape_cast %swap3A_674 : vector<1x1x1x1x16xf32> to vector<16xf32>
          %swap3A_676 = vector.shape_cast %add3A_667 : vector<16xf32> to vector<1x1x1x1x16xf32>
          tpu.vector_store %arg11[%swap3A_669, %swap3A_670, %swap3A_671, %swap3A_672, %swap3A_673], %swap3A_676 {strides = array<i32>} : memref<2x2x4x4x512xf32, #tpu.memory_space<vmem>>, vector<1x1x1x1x16xf32>,
          %get3A_677 = arith.constant 0 : i32
          %get3A_678 = arith.index_cast %get3A_677 : i32 to index
          %get3A_679 = arith.index_cast %scan3A_311 : i32 to index
          %get3A_680 = arith.index_cast %select_n3A : i32 to index
          %get3A_681 = arith.index_cast %select_n3A_369 : i32 to index
          %get3A_682 = arith.constant 176 : index
          %get3A_683 = tpu.vector_load %arg11[%get3A_678, %get3A_679, %get3A_680, %get3A_681, %get3A_682] {strides = array<i32>} : memref<2x2x4x4x512xf32, #tpu.memory_space<vmem>>, vector<1x1x1x1x16xf32>,
          %get3A_684 = vector.shape_cast %get3A_683 : vector<1x1x1x1x16xf32> to vector<16xf32>
          %mul3A_685 = arith.mulf %broadcast_in_dim3A, %get3A_684 : vector<16xf32>
          %get3A_686 = arith.constant 0 : i32
          %get3A_687 = arith.index_cast %get3A_686 : i32 to index
          %get3A_688 = arith.index_cast %scan3A_311 : i32 to index
          %get3A_689 = arith.index_cast %select_n3A : i32 to index
          %get3A_690 = arith.index_cast %select_n3A_369 : i32 to index
          %get3A_691 = arith.constant 176 : index
          %get3A_692 = tpu.vector_load %arg12[%get3A_687, %get3A_688, %get3A_689, %get3A_690, %get3A_691] {strides = array<i32>} : memref<2x2x4x4x512xf32, #tpu.memory_space<vmem>>, vector<1x1x1x1x16xf32>,
          %get3A_693 = vector.shape_cast %get3A_692 : vector<1x1x1x1x16xf32> to vector<16xf32>
          %mul3A_694 = arith.mulf %broadcast_in_dim3A_328, %get3A_693 : vector<16xf32>
          %add3A_695 = arith.addf %mul3A_685, %mul3A_694 : vector<16xf32>
          %swap3A_696 = arith.constant 0 : i32
          %swap3A_697 = arith.index_cast %swap3A_696 : i32 to index
          %swap3A_698 = arith.index_cast %scan3A_311 : i32 to index
          %swap3A_699 = arith.index_cast %select_n3A : i32 to index
          %swap3A_700 = arith.index_cast %select_n3A_369 : i32 to index
          %swap3A_701 = arith.constant 176 : index
          %swap3A_702 = tpu.vector_load %arg11[%swap3A_697, %swap3A_698, %swap3A_699, %swap3A_700, %swap3A_701] {strides = array<i32>} : memref<2x2x4x4x512xf32, #tpu.memory_space<vmem>>, vector<1x1x1x1x16xf32>,
          %swap3A_703 = vector.shape_cast %swap3A_702 : vector<1x1x1x1x16xf32> to vector<16xf32>
          %swap3A_704 = vector.shape_cast %add3A_695 : vector<16xf32> to vector<1x1x1x1x16xf32>
          tpu.vector_store %arg11[%swap3A_697, %swap3A_698, %swap3A_699, %swap3A_700, %swap3A_701], %swap3A_704 {strides = array<i32>} : memref<2x2x4x4x512xf32, #tpu.memory_space<vmem>>, vector<1x1x1x1x16xf32>,
          %get3A_705 = arith.constant 0 : i32
          %get3A_706 = arith.index_cast %get3A_705 : i32 to index
          %get3A_707 = arith.index_cast %scan3A_311 : i32 to index
          %get3A_708 = arith.index_cast %select_n3A : i32 to index
          %get3A_709 = arith.index_cast %select_n3A_369 : i32 to index
          %get3A_710 = arith.constant 192 : index
          %get3A_711 = tpu.vector_load %arg11[%get3A_706, %get3A_707, %get3A_708, %get3A_709, %get3A_710] {strides = array<i32>} : memref<2x2x4x4x512xf32, #tpu.memory_space<vmem>>, vector<1x1x1x1x16xf32>,
          %get3A_712 = vector.shape_cast %get3A_711 : vector<1x1x1x1x16xf32> to vector<16xf32>
          %mul3A_713 = arith.mulf %broadcast_in_dim3A, %get3A_712 : vector<16xf32>
          %get3A_714 = arith.constant 0 : i32
          %get3A_715 = arith.index_cast %get3A_714 : i32 to index
          %get3A_716 = arith.index_cast %scan3A_311 : i32 to index
          %get3A_717 = arith.index_cast %select_n3A : i32 to index
          %get3A_718 = arith.index_cast %select_n3A_369 : i32 to index
          %get3A_719 = arith.constant 192 : index
          %get3A_720 = tpu.vector_load %arg12[%get3A_715, %get3A_716, %get3A_717, %get3A_718, %get3A_719] {strides = array<i32>} : memref<2x2x4x4x512xf32, #tpu.memory_space<vmem>>, vector<1x1x1x1x16xf32>,
          %get3A_721 = vector.shape_cast %get3A_720 : vector<1x1x1x1x16xf32> to vector<16xf32>
          %mul3A_722 = arith.mulf %broadcast_in_dim3A_328, %get3A_721 : vector<16xf32>
          %add3A_723 = arith.addf %mul3A_713, %mul3A_722 : vector<16xf32>
          %swap3A_724 = arith.constant 0 : i32
          %swap3A_725 = arith.index_cast %swap3A_724 : i32 to index
          %swap3A_726 = arith.index_cast %scan3A_311 : i32 to index
          %swap3A_727 = arith.index_cast %select_n3A : i32 to index
          %swap3A_728 = arith.index_cast %select_n3A_369 : i32 to index
          %swap3A_729 = arith.constant 192 : index
          %swap3A_730 = tpu.vector_load %arg11[%swap3A_725, %swap3A_726, %swap3A_727, %swap3A_728, %swap3A_729] {strides = array<i32>} : memref<2x2x4x4x512xf32, #tpu.memory_space<vmem>>, vector<1x1x1x1x16xf32>,
          %swap3A_731 = vector.shape_cast %swap3A_730 : vector<1x1x1x1x16xf32> to vector<16xf32>
          %swap3A_732 = vector.shape_cast %add3A_723 : vector<16xf32> to vector<1x1x1x1x16xf32>
          tpu.vector_store %arg11[%swap3A_725, %swap3A_726, %swap3A_727, %swap3A_728, %swap3A_729], %swap3A_732 {strides = array<i32>} : memref<2x2x4x4x512xf32, #tpu.memory_space<vmem>>, vector<1x1x1x1x16xf32>,
          %get3A_733 = arith.constant 0 : i32
          %get3A_734 = arith.index_cast %get3A_733 : i32 to index
          %get3A_735 = arith.index_cast %scan3A_311 : i32 to index
          %get3A_736 = arith.index_cast %select_n3A : i32 to index
          %get3A_737 = arith.index_cast %select_n3A_369 : i32 to index
          %get3A_738 = arith.constant 208 : index
          %get3A_739 = tpu.vector_load %arg11[%get3A_734, %get3A_735, %get3A_736, %get3A_737, %get3A_738] {strides = array<i32>} : memref<2x2x4x4x512xf32, #tpu.memory_space<vmem>>, vector<1x1x1x1x16xf32>,
          %get3A_740 = vector.shape_cast %get3A_739 : vector<1x1x1x1x16xf32> to vector<16xf32>
          %mul3A_741 = arith.mulf %broadcast_in_dim3A, %get3A_740 : vector<16xf32>
          %get3A_742 = arith.constant 0 : i32
          %get3A_743 = arith.index_cast %get3A_742 : i32 to index
          %get3A_744 = arith.index_cast %scan3A_311 : i32 to index
          %get3A_745 = arith.index_cast %select_n3A : i32 to index
          %get3A_746 = arith.index_cast %select_n3A_369 : i32 to index
          %get3A_747 = arith.constant 208 : index
          %get3A_748 = tpu.vector_load %arg12[%get3A_743, %get3A_744, %get3A_745, %get3A_746, %get3A_747] {strides = array<i32>} : memref<2x2x4x4x512xf32, #tpu.memory_space<vmem>>, vector<1x1x1x1x16xf32>,
          %get3A_749 = vector.shape_cast %get3A_748 : vector<1x1x1x1x16xf32> to vector<16xf32>
          %mul3A_750 = arith.mulf %broadcast_in_dim3A_328, %get3A_749 : vector<16xf32>
          %add3A_751 = arith.addf %mul3A_741, %mul3A_750 : vector<16xf32>
          %swap3A_752 = arith.constant 0 : i32
          %swap3A_753 = arith.index_cast %swap3A_752 : i32 to index
          %swap3A_754 = arith.index_cast %scan3A_311 : i32 to index
          %swap3A_755 = arith.index_cast %select_n3A : i32 to index
          %swap3A_756 = arith.index_cast %select_n3A_369 : i32 to index
          %swap3A_757 = arith.constant 208 : index
          %swap3A_758 = tpu.vector_load %arg11[%swap3A_753, %swap3A_754, %swap3A_755, %swap3A_756, %swap3A_757] {strides = array<i32>} : memref<2x2x4x4x512xf32, #tpu.memory_space<vmem>>, vector<1x1x1x1x16xf32>,
          %swap3A_759 = vector.shape_cast %swap3A_758 : vector<1x1x1x1x16xf32> to vector<16xf32>
          %swap3A_760 = vector.shape_cast %add3A_751 : vector<16xf32> to vector<1x1x1x1x16xf32>
          tpu.vector_store %arg11[%swap3A_753, %swap3A_754, %swap3A_755, %swap3A_756, %swap3A_757], %swap3A_760 {strides = array<i32>} : memref<2x2x4x4x512xf32, #tpu.memory_space<vmem>>, vector<1x1x1x1x16xf32>,
          %get3A_761 = arith.constant 0 : i32
          %get3A_762 = arith.index_cast %get3A_761 : i32 to index
          %get3A_763 = arith.index_cast %scan3A_311 : i32 to index
          %get3A_764 = arith.index_cast %select_n3A : i32 to index
          %get3A_765 = arith.index_cast %select_n3A_369 : i32 to index
          %get3A_766 = arith.constant 224 : index
          %get3A_767 = tpu.vector_load %arg11[%get3A_762, %get3A_763, %get3A_764, %get3A_765, %get3A_766] {strides = array<i32>} : memref<2x2x4x4x512xf32, #tpu.memory_space<vmem>>, vector<1x1x1x1x16xf32>,
          %get3A_768 = vector.shape_cast %get3A_767 : vector<1x1x1x1x16xf32> to vector<16xf32>
          %mul3A_769 = arith.mulf %broadcast_in_dim3A, %get3A_768 : vector<16xf32>
          %get3A_770 = arith.constant 0 : i32
          %get3A_771 = arith.index_cast %get3A_770 : i32 to index
          %get3A_772 = arith.index_cast %scan3A_311 : i32 to index
          %get3A_773 = arith.index_cast %select_n3A : i32 to index
          %get3A_774 = arith.index_cast %select_n3A_369 : i32 to index
          %get3A_775 = arith.constant 224 : index
          %get3A_776 = tpu.vector_load %arg12[%get3A_771, %get3A_772, %get3A_773, %get3A_774, %get3A_775] {strides = array<i32>} : memref<2x2x4x4x512xf32, #tpu.memory_space<vmem>>, vector<1x1x1x1x16xf32>,
          %get3A_777 = vector.shape_cast %get3A_776 : vector<1x1x1x1x16xf32> to vector<16xf32>
          %mul3A_778 = arith.mulf %broadcast_in_dim3A_328, %get3A_777 : vector<16xf32>
          %add3A_779 = arith.addf %mul3A_769, %mul3A_778 : vector<16xf32>
          %swap3A_780 = arith.constant 0 : i32
          %swap3A_781 = arith.index_cast %swap3A_780 : i32 to index
          %swap3A_782 = arith.index_cast %scan3A_311 : i32 to index
          %swap3A_783 = arith.index_cast %select_n3A : i32 to index
          %swap3A_784 = arith.index_cast %select_n3A_369 : i32 to index
          %swap3A_785 = arith.constant 224 : index
          %swap3A_786 = tpu.vector_load %arg11[%swap3A_781, %swap3A_782, %swap3A_783, %swap3A_784, %swap3A_785] {strides = array<i32>} : memref<2x2x4x4x512xf32, #tpu.memory_space<vmem>>, vector<1x1x1x1x16xf32>,
          %swap3A_787 = vector.shape_cast %swap3A_786 : vector<1x1x1x1x16xf32> to vector<16xf32>
          %swap3A_788 = vector.shape_cast %add3A_779 : vector<16xf32> to vector<1x1x1x1x16xf32>
          tpu.vector_store %arg11[%swap3A_781, %swap3A_782, %swap3A_783, %swap3A_784, %swap3A_785], %swap3A_788 {strides = array<i32>} : memref<2x2x4x4x512xf32, #tpu.memory_space<vmem>>, vector<1x1x1x1x16xf32>,
          %get3A_789 = arith.constant 0 : i32
          %get3A_790 = arith.index_cast %get3A_789 : i32 to index
          %get3A_791 = arith.index_cast %scan3A_311 : i32 to index
          %get3A_792 = arith.index_cast %select_n3A : i32 to index
          %get3A_793 = arith.index_cast %select_n3A_369 : i32 to index
          %get3A_794 = arith.constant 240 : index
          %get3A_795 = tpu.vector_load %arg11[%get3A_790, %get3A_791, %get3A_792, %get3A_793, %get3A_794] {strides = array<i32>} : memref<2x2x4x4x512xf32, #tpu.memory_space<vmem>>, vector<1x1x1x1x16xf32>,
          %get3A_796 = vector.shape_cast %get3A_795 : vector<1x1x1x1x16xf32> to vector<16xf32>
          %mul3A_797 = arith.mulf %broadcast_in_dim3A, %get3A_796 : vector<16xf32>
          %get3A_798 = arith.constant 0 : i32
          %get3A_799 = arith.index_cast %get3A_798 : i32 to index
          %get3A_800 = arith.index_cast %scan3A_311 : i32 to index
          %get3A_801 = arith.index_cast %select_n3A : i32 to index
          %get3A_802 = arith.index_cast %select_n3A_369 : i32 to index
          %get3A_803 = arith.constant 240 : index
          %get3A_804 = tpu.vector_load %arg12[%get3A_799, %get3A_800, %get3A_801, %get3A_802, %get3A_803] {strides = array<i32>} : memref<2x2x4x4x512xf32, #tpu.memory_space<vmem>>, vector<1x1x1x1x16xf32>,
          %get3A_805 = vector.shape_cast %get3A_804 : vector<1x1x1x1x16xf32> to vector<16xf32>
          %mul3A_806 = arith.mulf %broadcast_in_dim3A_328, %get3A_805 : vector<16xf32>
          %add3A_807 = arith.addf %mul3A_797, %mul3A_806 : vector<16xf32>
          %swap3A_808 = arith.constant 0 : i32
          %swap3A_809 = arith.index_cast %swap3A_808 : i32 to index
          %swap3A_810 = arith.index_cast %scan3A_311 : i32 to index
          %swap3A_811 = arith.index_cast %select_n3A : i32 to index
          %swap3A_812 = arith.index_cast %select_n3A_369 : i32 to index
          %swap3A_813 = arith.constant 240 : index
          %swap3A_814 = tpu.vector_load %arg11[%swap3A_809, %swap3A_810, %swap3A_811, %swap3A_812, %swap3A_813] {strides = array<i32>} : memref<2x2x4x4x512xf32, #tpu.memory_space<vmem>>, vector<1x1x1x1x16xf32>,
          %swap3A_815 = vector.shape_cast %swap3A_814 : vector<1x1x1x1x16xf32> to vector<16xf32>
          %swap3A_816 = vector.shape_cast %add3A_807 : vector<16xf32> to vector<1x1x1x1x16xf32>
          tpu.vector_store %arg11[%swap3A_809, %swap3A_810, %swap3A_811, %swap3A_812, %swap3A_813], %swap3A_816 {strides = array<i32>} : memref<2x2x4x4x512xf32, #tpu.memory_space<vmem>>, vector<1x1x1x1x16xf32>,
          %get3A_817 = arith.constant 0 : i32
          %get3A_818 = arith.index_cast %get3A_817 : i32 to index
          %get3A_819 = arith.index_cast %scan3A_311 : i32 to index
          %get3A_820 = arith.index_cast %select_n3A : i32 to index
          %get3A_821 = arith.index_cast %select_n3A_369 : i32 to index
          %get3A_822 = arith.constant 256 : index
          %get3A_823 = tpu.vector_load %arg11[%get3A_818, %get3A_819, %get3A_820, %get3A_821, %get3A_822] {strides = array<i32>} : memref<2x2x4x4x512xf32, #tpu.memory_space<vmem>>, vector<1x1x1x1x16xf32>,
          %get3A_824 = vector.shape_cast %get3A_823 : vector<1x1x1x1x16xf32> to vector<16xf32>
          %mul3A_825 = arith.mulf %broadcast_in_dim3A, %get3A_824 : vector<16xf32>
          %get3A_826 = arith.constant 0 : i32
          %get3A_827 = arith.index_cast %get3A_826 : i32 to index
          %get3A_828 = arith.index_cast %scan3A_311 : i32 to index
          %get3A_829 = arith.index_cast %select_n3A : i32 to index
          %get3A_830 = arith.index_cast %select_n3A_369 : i32 to index
          %get3A_831 = arith.constant 256 : index
          %get3A_832 = tpu.vector_load %arg12[%get3A_827, %get3A_828, %get3A_829, %get3A_830, %get3A_831] {strides = array<i32>} : memref<2x2x4x4x512xf32, #tpu.memory_space<vmem>>, vector<1x1x1x1x16xf32>,
          %get3A_833 = vector.shape_cast %get3A_832 : vector<1x1x1x1x16xf32> to vector<16xf32>
          %mul3A_834 = arith.mulf %broadcast_in_dim3A_328, %get3A_833 : vector<16xf32>
          %add3A_835 = arith.addf %mul3A_825, %mul3A_834 : vector<16xf32>
          %swap3A_836 = arith.constant 0 : i32
          %swap3A_837 = arith.index_cast %swap3A_836 : i32 to index
          %swap3A_838 = arith.index_cast %scan3A_311 : i32 to index
          %swap3A_839 = arith.index_cast %select_n3A : i32 to index
          %swap3A_840 = arith.index_cast %select_n3A_369 : i32 to index
          %swap3A_841 = arith.constant 256 : index
          %swap3A_842 = tpu.vector_load %arg11[%swap3A_837, %swap3A_838, %swap3A_839, %swap3A_840, %swap3A_841] {strides = array<i32>} : memref<2x2x4x4x512xf32, #tpu.memory_space<vmem>>, vector<1x1x1x1x16xf32>,
          %swap3A_843 = vector.shape_cast %swap3A_842 : vector<1x1x1x1x16xf32> to vector<16xf32>
          %swap3A_844 = vector.shape_cast %add3A_835 : vector<16xf32> to vector<1x1x1x1x16xf32>
          tpu.vector_store %arg11[%swap3A_837, %swap3A_838, %swap3A_839, %swap3A_840, %swap3A_841], %swap3A_844 {strides = array<i32>} : memref<2x2x4x4x512xf32, #tpu.memory_space<vmem>>, vector<1x1x1x1x16xf32>,
          %get3A_845 = arith.constant 0 : i32
          %get3A_846 = arith.index_cast %get3A_845 : i32 to index
          %get3A_847 = arith.index_cast %scan3A_311 : i32 to index
          %get3A_848 = arith.index_cast %select_n3A : i32 to index
          %get3A_849 = arith.index_cast %select_n3A_369 : i32 to index
          %get3A_850 = arith.constant 272 : index
          %get3A_851 = tpu.vector_load %arg11[%get3A_846, %get3A_847, %get3A_848, %get3A_849, %get3A_850] {strides = array<i32>} : memref<2x2x4x4x512xf32, #tpu.memory_space<vmem>>, vector<1x1x1x1x16xf32>,
          %get3A_852 = vector.shape_cast %get3A_851 : vector<1x1x1x1x16xf32> to vector<16xf32>
          %mul3A_853 = arith.mulf %broadcast_in_dim3A, %get3A_852 : vector<16xf32>
          %get3A_854 = arith.constant 0 : i32
          %get3A_855 = arith.index_cast %get3A_854 : i32 to index
          %get3A_856 = arith.index_cast %scan3A_311 : i32 to index
          %get3A_857 = arith.index_cast %select_n3A : i32 to index
          %get3A_858 = arith.index_cast %select_n3A_369 : i32 to index
          %get3A_859 = arith.constant 272 : index
          %get3A_860 = tpu.vector_load %arg12[%get3A_855, %get3A_856, %get3A_857, %get3A_858, %get3A_859] {strides = array<i32>} : memref<2x2x4x4x512xf32, #tpu.memory_space<vmem>>, vector<1x1x1x1x16xf32>,
          %get3A_861 = vector.shape_cast %get3A_860 : vector<1x1x1x1x16xf32> to vector<16xf32>
          %mul3A_862 = arith.mulf %broadcast_in_dim3A_328, %get3A_861 : vector<16xf32>
          %add3A_863 = arith.addf %mul3A_853, %mul3A_862 : vector<16xf32>
          %swap3A_864 = arith.constant 0 : i32
          %swap3A_865 = arith.index_cast %swap3A_864 : i32 to index
          %swap3A_866 = arith.index_cast %scan3A_311 : i32 to index
          %swap3A_867 = arith.index_cast %select_n3A : i32 to index
          %swap3A_868 = arith.index_cast %select_n3A_369 : i32 to index
          %swap3A_869 = arith.constant 272 : index
          %swap3A_870 = tpu.vector_load %arg11[%swap3A_865, %swap3A_866, %swap3A_867, %swap3A_868, %swap3A_869] {strides = array<i32>} : memref<2x2x4x4x512xf32, #tpu.memory_space<vmem>>, vector<1x1x1x1x16xf32>,
          %swap3A_871 = vector.shape_cast %swap3A_870 : vector<1x1x1x1x16xf32> to vector<16xf32>
          %swap3A_872 = vector.shape_cast %add3A_863 : vector<16xf32> to vector<1x1x1x1x16xf32>
          tpu.vector_store %arg11[%swap3A_865, %swap3A_866, %swap3A_867, %swap3A_868, %swap3A_869], %swap3A_872 {strides = array<i32>} : memref<2x2x4x4x512xf32, #tpu.memory_space<vmem>>, vector<1x1x1x1x16xf32>,
          %get3A_873 = arith.constant 0 : i32
          %get3A_874 = arith.index_cast %get3A_873 : i32 to index
          %get3A_875 = arith.index_cast %scan3A_311 : i32 to index
          %get3A_876 = arith.index_cast %select_n3A : i32 to index
          %get3A_877 = arith.index_cast %select_n3A_369 : i32 to index
          %get3A_878 = arith.constant 288 : index
          %get3A_879 = tpu.vector_load %arg11[%get3A_874, %get3A_875, %get3A_876, %get3A_877, %get3A_878] {strides = array<i32>} : memref<2x2x4x4x512xf32, #tpu.memory_space<vmem>>, vector<1x1x1x1x16xf32>,
          %get3A_880 = vector.shape_cast %get3A_879 : vector<1x1x1x1x16xf32> to vector<16xf32>
          %mul3A_881 = arith.mulf %broadcast_in_dim3A, %get3A_880 : vector<16xf32>
          %get3A_882 = arith.constant 0 : i32
          %get3A_883 = arith.index_cast %get3A_882 : i32 to index
          %get3A_884 = arith.index_cast %scan3A_311 : i32 to index
          %get3A_885 = arith.index_cast %select_n3A : i32 to index
          %get3A_886 = arith.index_cast %select_n3A_369 : i32 to index
          %get3A_887 = arith.constant 288 : index
          %get3A_888 = tpu.vector_load %arg12[%get3A_883, %get3A_884, %get3A_885, %get3A_886, %get3A_887] {strides = array<i32>} : memref<2x2x4x4x512xf32, #tpu.memory_space<vmem>>, vector<1x1x1x1x16xf32>,
          %get3A_889 = vector.shape_cast %get3A_888 : vector<1x1x1x1x16xf32> to vector<16xf32>
          %mul3A_890 = arith.mulf %broadcast_in_dim3A_328, %get3A_889 : vector<16xf32>
          %add3A_891 = arith.addf %mul3A_881, %mul3A_890 : vector<16xf32>
          %swap3A_892 = arith.constant 0 : i32
          %swap3A_893 = arith.index_cast %swap3A_892 : i32 to index
          %swap3A_894 = arith.index_cast %scan3A_311 : i32 to index
          %swap3A_895 = arith.index_cast %select_n3A : i32 to index
          %swap3A_896 = arith.index_cast %select_n3A_369 : i32 to index
          %swap3A_897 = arith.constant 288 : index
          %swap3A_898 = tpu.vector_load %arg11[%swap3A_893, %swap3A_894, %swap3A_895, %swap3A_896, %swap3A_897] {strides = array<i32>} : memref<2x2x4x4x512xf32, #tpu.memory_space<vmem>>, vector<1x1x1x1x16xf32>,
          %swap3A_899 = vector.shape_cast %swap3A_898 : vector<1x1x1x1x16xf32> to vector<16xf32>
          %swap3A_900 = vector.shape_cast %add3A_891 : vector<16xf32> to vector<1x1x1x1x16xf32>
          tpu.vector_store %arg11[%swap3A_893, %swap3A_894, %swap3A_895, %swap3A_896, %swap3A_897], %swap3A_900 {strides = array<i32>} : memref<2x2x4x4x512xf32, #tpu.memory_space<vmem>>, vector<1x1x1x1x16xf32>,
          %get3A_901 = arith.constant 0 : i32
          %get3A_902 = arith.index_cast %get3A_901 : i32 to index
          %get3A_903 = arith.index_cast %scan3A_311 : i32 to index
          %get3A_904 = arith.index_cast %select_n3A : i32 to index
          %get3A_905 = arith.index_cast %select_n3A_369 : i32 to index
          %get3A_906 = arith.constant 304 : index
          %get3A_907 = tpu.vector_load %arg11[%get3A_902, %get3A_903, %get3A_904, %get3A_905, %get3A_906] {strides = array<i32>} : memref<2x2x4x4x512xf32, #tpu.memory_space<vmem>>, vector<1x1x1x1x16xf32>,
          %get3A_908 = vector.shape_cast %get3A_907 : vector<1x1x1x1x16xf32> to vector<16xf32>
          %mul3A_909 = arith.mulf %broadcast_in_dim3A, %get3A_908 : vector<16xf32>
          %get3A_910 = arith.constant 0 : i32
          %get3A_911 = arith.index_cast %get3A_910 : i32 to index
          %get3A_912 = arith.index_cast %scan3A_311 : i32 to index
          %get3A_913 = arith.index_cast %select_n3A : i32 to index
          %get3A_914 = arith.index_cast %select_n3A_369 : i32 to index
          %get3A_915 = arith.constant 304 : index
          %get3A_916 = tpu.vector_load %arg12[%get3A_911, %get3A_912, %get3A_913, %get3A_914, %get3A_915] {strides = array<i32>} : memref<2x2x4x4x512xf32, #tpu.memory_space<vmem>>, vector<1x1x1x1x16xf32>,
          %get3A_917 = vector.shape_cast %get3A_916 : vector<1x1x1x1x16xf32> to vector<16xf32>
          %mul3A_918 = arith.mulf %broadcast_in_dim3A_328, %get3A_917 : vector<16xf32>
          %add3A_919 = arith.addf %mul3A_909, %mul3A_918 : vector<16xf32>
          %swap3A_920 = arith.constant 0 : i32
          %swap3A_921 = arith.index_cast %swap3A_920 : i32 to index
          %swap3A_922 = arith.index_cast %scan3A_311 : i32 to index
          %swap3A_923 = arith.index_cast %select_n3A : i32 to index
          %swap3A_924 = arith.index_cast %select_n3A_369 : i32 to index
          %swap3A_925 = arith.constant 304 : index
          %swap3A_926 = tpu.vector_load %arg11[%swap3A_921, %swap3A_922, %swap3A_923, %swap3A_924, %swap3A_925] {strides = array<i32>} : memref<2x2x4x4x512xf32, #tpu.memory_space<vmem>>, vector<1x1x1x1x16xf32>,
          %swap3A_927 = vector.shape_cast %swap3A_926 : vector<1x1x1x1x16xf32> to vector<16xf32>
          %swap3A_928 = vector.shape_cast %add3A_919 : vector<16xf32> to vector<1x1x1x1x16xf32>
          tpu.vector_store %arg11[%swap3A_921, %swap3A_922, %swap3A_923, %swap3A_924, %swap3A_925], %swap3A_928 {strides = array<i32>} : memref<2x2x4x4x512xf32, #tpu.memory_space<vmem>>, vector<1x1x1x1x16xf32>,
          %get3A_929 = arith.constant 0 : i32
          %get3A_930 = arith.index_cast %get3A_929 : i32 to index
          %get3A_931 = arith.index_cast %scan3A_311 : i32 to index
          %get3A_932 = arith.index_cast %select_n3A : i32 to index
          %get3A_933 = arith.index_cast %select_n3A_369 : i32 to index
          %get3A_934 = arith.constant 320 : index
          %get3A_935 = tpu.vector_load %arg11[%get3A_930, %get3A_931, %get3A_932, %get3A_933, %get3A_934] {strides = array<i32>} : memref<2x2x4x4x512xf32, #tpu.memory_space<vmem>>, vector<1x1x1x1x16xf32>,
          %get3A_936 = vector.shape_cast %get3A_935 : vector<1x1x1x1x16xf32> to vector<16xf32>
          %mul3A_937 = arith.mulf %broadcast_in_dim3A, %get3A_936 : vector<16xf32>
          %get3A_938 = arith.constant 0 : i32
          %get3A_939 = arith.index_cast %get3A_938 : i32 to index
          %get3A_940 = arith.index_cast %scan3A_311 : i32 to index
          %get3A_941 = arith.index_cast %select_n3A : i32 to index
          %get3A_942 = arith.index_cast %select_n3A_369 : i32 to index
          %get3A_943 = arith.constant 320 : index
          %get3A_944 = tpu.vector_load %arg12[%get3A_939, %get3A_940, %get3A_941, %get3A_942, %get3A_943] {strides = array<i32>} : memref<2x2x4x4x512xf32, #tpu.memory_space<vmem>>, vector<1x1x1x1x16xf32>,
          %get3A_945 = vector.shape_cast %get3A_944 : vector<1x1x1x1x16xf32> to vector<16xf32>
          %mul3A_946 = arith.mulf %broadcast_in_dim3A_328, %get3A_945 : vector<16xf32>
          %add3A_947 = arith.addf %mul3A_937, %mul3A_946 : vector<16xf32>
          %swap3A_948 = arith.constant 0 : i32
          %swap3A_949 = arith.index_cast %swap3A_948 : i32 to index
          %swap3A_950 = arith.index_cast %scan3A_311 : i32 to index
          %swap3A_951 = arith.index_cast %select_n3A : i32 to index
          %swap3A_952 = arith.index_cast %select_n3A_369 : i32 to index
          %swap3A_953 = arith.constant 320 : index
          %swap3A_954 = tpu.vector_load %arg11[%swap3A_949, %swap3A_950, %swap3A_951, %swap3A_952, %swap3A_953] {strides = array<i32>} : memref<2x2x4x4x512xf32, #tpu.memory_space<vmem>>, vector<1x1x1x1x16xf32>,
          %swap3A_955 = vector.shape_cast %swap3A_954 : vector<1x1x1x1x16xf32> to vector<16xf32>
          %swap3A_956 = vector.shape_cast %add3A_947 : vector<16xf32> to vector<1x1x1x1x16xf32>
          tpu.vector_store %arg11[%swap3A_949, %swap3A_950, %swap3A_951, %swap3A_952, %swap3A_953], %swap3A_956 {strides = array<i32>} : memref<2x2x4x4x512xf32, #tpu.memory_space<vmem>>, vector<1x1x1x1x16xf32>,
          %get3A_957 = arith.constant 0 : i32
          %get3A_958 = arith.index_cast %get3A_957 : i32 to index
          %get3A_959 = arith.index_cast %scan3A_311 : i32 to index
          %get3A_960 = arith.index_cast %select_n3A : i32 to index
          %get3A_961 = arith.index_cast %select_n3A_369 : i32 to index
          %get3A_962 = arith.constant 336 : index
          %get3A_963 = tpu.vector_load %arg11[%get3A_958, %get3A_959, %get3A_960, %get3A_961, %get3A_962] {strides = array<i32>} : memref<2x2x4x4x512xf32, #tpu.memory_space<vmem>>, vector<1x1x1x1x16xf32>,
          %get3A_964 = vector.shape_cast %get3A_963 : vector<1x1x1x1x16xf32> to vector<16xf32>
          %mul3A_965 = arith.mulf %broadcast_in_dim3A, %get3A_964 : vector<16xf32>
          %get3A_966 = arith.constant 0 : i32
          %get3A_967 = arith.index_cast %get3A_966 : i32 to index
          %get3A_968 = arith.index_cast %scan3A_311 : i32 to index
          %get3A_969 = arith.index_cast %select_n3A : i32 to index
          %get3A_970 = arith.index_cast %select_n3A_369 : i32 to index
          %get3A_971 = arith.constant 336 : index
          %get3A_972 = tpu.vector_load %arg12[%get3A_967, %get3A_968, %get3A_969, %get3A_970, %get3A_971] {strides = array<i32>} : memref<2x2x4x4x512xf32, #tpu.memory_space<vmem>>, vector<1x1x1x1x16xf32>,
          %get3A_973 = vector.shape_cast %get3A_972 : vector<1x1x1x1x16xf32> to vector<16xf32>
          %mul3A_974 = arith.mulf %broadcast_in_dim3A_328, %get3A_973 : vector<16xf32>
          %add3A_975 = arith.addf %mul3A_965, %mul3A_974 : vector<16xf32>
          %swap3A_976 = arith.constant 0 : i32
          %swap3A_977 = arith.index_cast %swap3A_976 : i32 to index
          %swap3A_978 = arith.index_cast %scan3A_311 : i32 to index
          %swap3A_979 = arith.index_cast %select_n3A : i32 to index
          %swap3A_980 = arith.index_cast %select_n3A_369 : i32 to index
          %swap3A_981 = arith.constant 336 : index
          %swap3A_982 = tpu.vector_load %arg11[%swap3A_977, %swap3A_978, %swap3A_979, %swap3A_980, %swap3A_981] {strides = array<i32>} : memref<2x2x4x4x512xf32, #tpu.memory_space<vmem>>, vector<1x1x1x1x16xf32>,
          %swap3A_983 = vector.shape_cast %swap3A_982 : vector<1x1x1x1x16xf32> to vector<16xf32>
          %swap3A_984 = vector.shape_cast %add3A_975 : vector<16xf32> to vector<1x1x1x1x16xf32>
          tpu.vector_store %arg11[%swap3A_977, %swap3A_978, %swap3A_979, %swap3A_980, %swap3A_981], %swap3A_984 {strides = array<i32>} : memref<2x2x4x4x512xf32, #tpu.memory_space<vmem>>, vector<1x1x1x1x16xf32>,
          %get3A_985 = arith.constant 0 : i32
          %get3A_986 = arith.index_cast %get3A_985 : i32 to index
          %get3A_987 = arith.index_cast %scan3A_311 : i32 to index
          %get3A_988 = arith.index_cast %select_n3A : i32 to index
          %get3A_989 = arith.index_cast %select_n3A_369 : i32 to index
          %get3A_990 = arith.constant 352 : index
          %get3A_991 = tpu.vector_load %arg11[%get3A_986, %get3A_987, %get3A_988, %get3A_989, %get3A_990] {strides = array<i32>} : memref<2x2x4x4x512xf32, #tpu.memory_space<vmem>>, vector<1x1x1x1x16xf32>,
          %get3A_992 = vector.shape_cast %get3A_991 : vector<1x1x1x1x16xf32> to vector<16xf32>
          %mul3A_993 = arith.mulf %broadcast_in_dim3A, %get3A_992 : vector<16xf32>
          %get3A_994 = arith.constant 0 : i32
          %get3A_995 = arith.index_cast %get3A_994 : i32 to index
          %get3A_996 = arith.index_cast %scan3A_311 : i32 to index
          %get3A_997 = arith.index_cast %select_n3A : i32 to index
          %get3A_998 = arith.index_cast %select_n3A_369 : i32 to index
          %get3A_999 = arith.constant 352 : index
          %get3A_1000 = tpu.vector_load %arg12[%get3A_995, %get3A_996, %get3A_997, %get3A_998, %get3A_999] {strides = array<i32>} : memref<2x2x4x4x512xf32, #tpu.memory_space<vmem>>, vector<1x1x1x1x16xf32>,
          %get3A_1001 = vector.shape_cast %get3A_1000 : vector<1x1x1x1x16xf32> to vector<16xf32>
          %mul3A_1002 = arith.mulf %broadcast_in_dim3A_328, %get3A_1001 : vector<16xf32>
          %add3A_1003 = arith.addf %mul3A_993, %mul3A_1002 : vector<16xf32>
          %swap3A_1004 = arith.constant 0 : i32
          %swap3A_1005 = arith.index_cast %swap3A_1004 : i32 to index
          %swap3A_1006 = arith.index_cast %scan3A_311 : i32 to index
          %swap3A_1007 = arith.index_cast %select_n3A : i32 to index
          %swap3A_1008 = arith.index_cast %select_n3A_369 : i32 to index
          %swap3A_1009 = arith.constant 352 : index
          %swap3A_1010 = tpu.vector_load %arg11[%swap3A_1005, %swap3A_1006, %swap3A_1007, %swap3A_1008, %swap3A_1009] {strides = array<i32>} : memref<2x2x4x4x512xf32, #tpu.memory_space<vmem>>, vector<1x1x1x1x16xf32>,
          %swap3A_1011 = vector.shape_cast %swap3A_1010 : vector<1x1x1x1x16xf32> to vector<16xf32>
          %swap3A_1012 = vector.shape_cast %add3A_1003 : vector<16xf32> to vector<1x1x1x1x16xf32>
          tpu.vector_store %arg11[%swap3A_1005, %swap3A_1006, %swap3A_1007, %swap3A_1008, %swap3A_1009], %swap3A_1012 {strides = array<i32>} : memref<2x2x4x4x512xf32, #tpu.memory_space<vmem>>, vector<1x1x1x1x16xf32>,
          %get3A_1013 = arith.constant 0 : i32
          %get3A_1014 = arith.index_cast %get3A_1013 : i32 to index
          %get3A_1015 = arith.index_cast %scan3A_311 : i32 to index
          %get3A_1016 = arith.index_cast %select_n3A : i32 to index
          %get3A_1017 = arith.index_cast %select_n3A_369 : i32 to index
          %get3A_1018 = arith.constant 368 : index
          %get3A_1019 = tpu.vector_load %arg11[%get3A_1014, %get3A_1015, %get3A_1016, %get3A_1017, %get3A_1018] {strides = array<i32>} : memref<2x2x4x4x512xf32, #tpu.memory_space<vmem>>, vector<1x1x1x1x16xf32>,
          %get3A_1020 = vector.shape_cast %get3A_1019 : vector<1x1x1x1x16xf32> to vector<16xf32>
          %mul3A_1021 = arith.mulf %broadcast_in_dim3A, %get3A_1020 : vector<16xf32>
          %get3A_1022 = arith.constant 0 : i32
          %get3A_1023 = arith.index_cast %get3A_1022 : i32 to index
          %get3A_1024 = arith.index_cast %scan3A_311 : i32 to index
          %get3A_1025 = arith.index_cast %select_n3A : i32 to index
          %get3A_1026 = arith.index_cast %select_n3A_369 : i32 to index
          %get3A_1027 = arith.constant 368 : index
          %get3A_1028 = tpu.vector_load %arg12[%get3A_1023, %get3A_1024, %get3A_1025, %get3A_1026, %get3A_1027] {strides = array<i32>} : memref<2x2x4x4x512xf32, #tpu.memory_space<vmem>>, vector<1x1x1x1x16xf32>,
          %get3A_1029 = vector.shape_cast %get3A_1028 : vector<1x1x1x1x16xf32> to vector<16xf32>
          %mul3A_1030 = arith.mulf %broadcast_in_dim3A_328, %get3A_1029 : vector<16xf32>
          %add3A_1031 = arith.addf %mul3A_1021, %mul3A_1030 : vector<16xf32>
          %swap3A_1032 = arith.constant 0 : i32
          %swap3A_1033 = arith.index_cast %swap3A_1032 : i32 to index
          %swap3A_1034 = arith.index_cast %scan3A_311 : i32 to index
          %swap3A_1035 = arith.index_cast %select_n3A : i32 to index
          %swap3A_1036 = arith.index_cast %select_n3A_369 : i32 to index
          %swap3A_1037 = arith.constant 368 : index
          %swap3A_1038 = tpu.vector_load %arg11[%swap3A_1033, %swap3A_1034, %swap3A_1035, %swap3A_1036, %swap3A_1037] {strides = array<i32>} : memref<2x2x4x4x512xf32, #tpu.memory_space<vmem>>, vector<1x1x1x1x16xf32>,
          %swap3A_1039 = vector.shape_cast %swap3A_1038 : vector<1x1x1x1x16xf32> to vector<16xf32>
          %swap3A_1040 = vector.shape_cast %add3A_1031 : vector<16xf32> to vector<1x1x1x1x16xf32>
          tpu.vector_store %arg11[%swap3A_1033, %swap3A_1034, %swap3A_1035, %swap3A_1036, %swap3A_1037], %swap3A_1040 {strides = array<i32>} : memref<2x2x4x4x512xf32, #tpu.memory_space<vmem>>, vector<1x1x1x1x16xf32>,
          %get3A_1041 = arith.constant 0 : i32
          %get3A_1042 = arith.index_cast %get3A_1041 : i32 to index
          %get3A_1043 = arith.index_cast %scan3A_311 : i32 to index
          %get3A_1044 = arith.index_cast %select_n3A : i32 to index
          %get3A_1045 = arith.index_cast %select_n3A_369 : i32 to index
          %get3A_1046 = arith.constant 384 : index
          %get3A_1047 = tpu.vector_load %arg11[%get3A_1042, %get3A_1043, %get3A_1044, %get3A_1045, %get3A_1046] {strides = array<i32>} : memref<2x2x4x4x512xf32, #tpu.memory_space<vmem>>, vector<1x1x1x1x16xf32>,
          %get3A_1048 = vector.shape_cast %get3A_1047 : vector<1x1x1x1x16xf32> to vector<16xf32>
          %mul3A_1049 = arith.mulf %broadcast_in_dim3A, %get3A_1048 : vector<16xf32>
          %get3A_1050 = arith.constant 0 : i32
          %get3A_1051 = arith.index_cast %get3A_1050 : i32 to index
          %get3A_1052 = arith.index_cast %scan3A_311 : i32 to index
          %get3A_1053 = arith.index_cast %select_n3A : i32 to index
          %get3A_1054 = arith.index_cast %select_n3A_369 : i32 to index
          %get3A_1055 = arith.constant 384 : index
          %get3A_1056 = tpu.vector_load %arg12[%get3A_1051, %get3A_1052, %get3A_1053, %get3A_1054, %get3A_1055] {strides = array<i32>} : memref<2x2x4x4x512xf32, #tpu.memory_space<vmem>>, vector<1x1x1x1x16xf32>,
          %get3A_1057 = vector.shape_cast %get3A_1056 : vector<1x1x1x1x16xf32> to vector<16xf32>
          %mul3A_1058 = arith.mulf %broadcast_in_dim3A_328, %get3A_1057 : vector<16xf32>
          %add3A_1059 = arith.addf %mul3A_1049, %mul3A_1058 : vector<16xf32>
          %swap3A_1060 = arith.constant 0 : i32
          %swap3A_1061 = arith.index_cast %swap3A_1060 : i32 to index
          %swap3A_1062 = arith.index_cast %scan3A_311 : i32 to index
          %swap3A_1063 = arith.index_cast %select_n3A : i32 to index
          %swap3A_1064 = arith.index_cast %select_n3A_369 : i32 to index
          %swap3A_1065 = arith.constant 384 : index
          %swap3A_1066 = tpu.vector_load %arg11[%swap3A_1061, %swap3A_1062, %swap3A_1063, %swap3A_1064, %swap3A_1065] {strides = array<i32>} : memref<2x2x4x4x512xf32, #tpu.memory_space<vmem>>, vector<1x1x1x1x16xf32>,
          %swap3A_1067 = vector.shape_cast %swap3A_1066 : vector<1x1x1x1x16xf32> to vector<16xf32>
          %swap3A_1068 = vector.shape_cast %add3A_1059 : vector<16xf32> to vector<1x1x1x1x16xf32>
          tpu.vector_store %arg11[%swap3A_1061, %swap3A_1062, %swap3A_1063, %swap3A_1064, %swap3A_1065], %swap3A_1068 {strides = array<i32>} : memref<2x2x4x4x512xf32, #tpu.memory_space<vmem>>, vector<1x1x1x1x16xf32>,
          %get3A_1069 = arith.constant 0 : i32
          %get3A_1070 = arith.index_cast %get3A_1069 : i32 to index
          %get3A_1071 = arith.index_cast %scan3A_311 : i32 to index
          %get3A_1072 = arith.index_cast %select_n3A : i32 to index
          %get3A_1073 = arith.index_cast %select_n3A_369 : i32 to index
          %get3A_1074 = arith.constant 400 : index
          %get3A_1075 = tpu.vector_load %arg11[%get3A_1070, %get3A_1071, %get3A_1072, %get3A_1073, %get3A_1074] {strides = array<i32>} : memref<2x2x4x4x512xf32, #tpu.memory_space<vmem>>, vector<1x1x1x1x16xf32>,
          %get3A_1076 = vector.shape_cast %get3A_1075 : vector<1x1x1x1x16xf32> to vector<16xf32>
          %mul3A_1077 = arith.mulf %broadcast_in_dim3A, %get3A_1076 : vector<16xf32>
          %get3A_1078 = arith.constant 0 : i32
          %get3A_1079 = arith.index_cast %get3A_1078 : i32 to index
          %get3A_1080 = arith.index_cast %scan3A_311 : i32 to index
          %get3A_1081 = arith.index_cast %select_n3A : i32 to index
          %get3A_1082 = arith.index_cast %select_n3A_369 : i32 to index
          %get3A_1083 = arith.constant 400 : index
          %get3A_1084 = tpu.vector_load %arg12[%get3A_1079, %get3A_1080, %get3A_1081, %get3A_1082, %get3A_1083] {strides = array<i32>} : memref<2x2x4x4x512xf32, #tpu.memory_space<vmem>>, vector<1x1x1x1x16xf32>,
          %get3A_1085 = vector.shape_cast %get3A_1084 : vector<1x1x1x1x16xf32> to vector<16xf32>
          %mul3A_1086 = arith.mulf %broadcast_in_dim3A_328, %get3A_1085 : vector<16xf32>
          %add3A_1087 = arith.addf %mul3A_1077, %mul3A_1086 : vector<16xf32>
          %swap3A_1088 = arith.constant 0 : i32
          %swap3A_1089 = arith.index_cast %swap3A_1088 : i32 to index
          %swap3A_1090 = arith.index_cast %scan3A_311 : i32 to index
          %swap3A_1091 = arith.index_cast %select_n3A : i32 to index
          %swap3A_1092 = arith.index_cast %select_n3A_369 : i32 to index
          %swap3A_1093 = arith.constant 400 : index
          %swap3A_1094 = tpu.vector_load %arg11[%swap3A_1089, %swap3A_1090, %swap3A_1091, %swap3A_1092, %swap3A_1093] {strides = array<i32>} : memref<2x2x4x4x512xf32, #tpu.memory_space<vmem>>, vector<1x1x1x1x16xf32>,
          %swap3A_1095 = vector.shape_cast %swap3A_1094 : vector<1x1x1x1x16xf32> to vector<16xf32>
          %swap3A_1096 = vector.shape_cast %add3A_1087 : vector<16xf32> to vector<1x1x1x1x16xf32>
          tpu.vector_store %arg11[%swap3A_1089, %swap3A_1090, %swap3A_1091, %swap3A_1092, %swap3A_1093], %swap3A_1096 {strides = array<i32>} : memref<2x2x4x4x512xf32, #tpu.memory_space<vmem>>, vector<1x1x1x1x16xf32>,
          %get3A_1097 = arith.constant 0 : i32
          %get3A_1098 = arith.index_cast %get3A_1097 : i32 to index
          %get3A_1099 = arith.index_cast %scan3A_311 : i32 to index
          %get3A_1100 = arith.index_cast %select_n3A : i32 to index
          %get3A_1101 = arith.index_cast %select_n3A_369 : i32 to index
          %get3A_1102 = arith.constant 416 : index
          %get3A_1103 = tpu.vector_load %arg11[%get3A_1098, %get3A_1099, %get3A_1100, %get3A_1101, %get3A_1102] {strides = array<i32>} : memref<2x2x4x4x512xf32, #tpu.memory_space<vmem>>, vector<1x1x1x1x16xf32>,
          %get3A_1104 = vector.shape_cast %get3A_1103 : vector<1x1x1x1x16xf32> to vector<16xf32>
          %mul3A_1105 = arith.mulf %broadcast_in_dim3A, %get3A_1104 : vector<16xf32>
          %get3A_1106 = arith.constant 0 : i32
          %get3A_1107 = arith.index_cast %get3A_1106 : i32 to index
          %get3A_1108 = arith.index_cast %scan3A_311 : i32 to index
          %get3A_1109 = arith.index_cast %select_n3A : i32 to index
          %get3A_1110 = arith.index_cast %select_n3A_369 : i32 to index
          %get3A_1111 = arith.constant 416 : index
          %get3A_1112 = tpu.vector_load %arg12[%get3A_1107, %get3A_1108, %get3A_1109, %get3A_1110, %get3A_1111] {strides = array<i32>} : memref<2x2x4x4x512xf32, #tpu.memory_space<vmem>>, vector<1x1x1x1x16xf32>,
          %get3A_1113 = vector.shape_cast %get3A_1112 : vector<1x1x1x1x16xf32> to vector<16xf32>
          %mul3A_1114 = arith.mulf %broadcast_in_dim3A_328, %get3A_1113 : vector<16xf32>
          %add3A_1115 = arith.addf %mul3A_1105, %mul3A_1114 : vector<16xf32>
          %swap3A_1116 = arith.constant 0 : i32
          %swap3A_1117 = arith.index_cast %swap3A_1116 : i32 to index
          %swap3A_1118 = arith.index_cast %scan3A_311 : i32 to index
          %swap3A_1119 = arith.index_cast %select_n3A : i32 to index
          %swap3A_1120 = arith.index_cast %select_n3A_369 : i32 to index
          %swap3A_1121 = arith.constant 416 : index
          %swap3A_1122 = tpu.vector_load %arg11[%swap3A_1117, %swap3A_1118, %swap3A_1119, %swap3A_1120, %swap3A_1121] {strides = array<i32>} : memref<2x2x4x4x512xf32, #tpu.memory_space<vmem>>, vector<1x1x1x1x16xf32>,
          %swap3A_1123 = vector.shape_cast %swap3A_1122 : vector<1x1x1x1x16xf32> to vector<16xf32>
          %swap3A_1124 = vector.shape_cast %add3A_1115 : vector<16xf32> to vector<1x1x1x1x16xf32>
          tpu.vector_store %arg11[%swap3A_1117, %swap3A_1118, %swap3A_1119, %swap3A_1120, %swap3A_1121], %swap3A_1124 {strides = array<i32>} : memref<2x2x4x4x512xf32, #tpu.memory_space<vmem>>, vector<1x1x1x1x16xf32>,
          %get3A_1125 = arith.constant 0 : i32
          %get3A_1126 = arith.index_cast %get3A_1125 : i32 to index
          %get3A_1127 = arith.index_cast %scan3A_311 : i32 to index
          %get3A_1128 = arith.index_cast %select_n3A : i32 to index
          %get3A_1129 = arith.index_cast %select_n3A_369 : i32 to index
          %get3A_1130 = arith.constant 432 : index
          %get3A_1131 = tpu.vector_load %arg11[%get3A_1126, %get3A_1127, %get3A_1128, %get3A_1129, %get3A_1130] {strides = array<i32>} : memref<2x2x4x4x512xf32, #tpu.memory_space<vmem>>, vector<1x1x1x1x16xf32>,
          %get3A_1132 = vector.shape_cast %get3A_1131 : vector<1x1x1x1x16xf32> to vector<16xf32>
          %mul3A_1133 = arith.mulf %broadcast_in_dim3A, %get3A_1132 : vector<16xf32>
          %get3A_1134 = arith.constant 0 : i32
          %get3A_1135 = arith.index_cast %get3A_1134 : i32 to index
          %get3A_1136 = arith.index_cast %scan3A_311 : i32 to index
          %get3A_1137 = arith.index_cast %select_n3A : i32 to index
          %get3A_1138 = arith.index_cast %select_n3A_369 : i32 to index
          %get3A_1139 = arith.constant 432 : index
          %get3A_1140 = tpu.vector_load %arg12[%get3A_1135, %get3A_1136, %get3A_1137, %get3A_1138, %get3A_1139] {strides = array<i32>} : memref<2x2x4x4x512xf32, #tpu.memory_space<vmem>>, vector<1x1x1x1x16xf32>,
          %get3A_1141 = vector.shape_cast %get3A_1140 : vector<1x1x1x1x16xf32> to vector<16xf32>
          %mul3A_1142 = arith.mulf %broadcast_in_dim3A_328, %get3A_1141 : vector<16xf32>
          %add3A_1143 = arith.addf %mul3A_1133, %mul3A_1142 : vector<16xf32>
          %swap3A_1144 = arith.constant 0 : i32
          %swap3A_1145 = arith.index_cast %swap3A_1144 : i32 to index
          %swap3A_1146 = arith.index_cast %scan3A_311 : i32 to index
          %swap3A_1147 = arith.index_cast %select_n3A : i32 to index
          %swap3A_1148 = arith.index_cast %select_n3A_369 : i32 to index
          %swap3A_1149 = arith.constant 432 : index
          %swap3A_1150 = tpu.vector_load %arg11[%swap3A_1145, %swap3A_1146, %swap3A_1147, %swap3A_1148, %swap3A_1149] {strides = array<i32>} : memref<2x2x4x4x512xf32, #tpu.memory_space<vmem>>, vector<1x1x1x1x16xf32>,
          %swap3A_1151 = vector.shape_cast %swap3A_1150 : vector<1x1x1x1x16xf32> to vector<16xf32>
          %swap3A_1152 = vector.shape_cast %add3A_1143 : vector<16xf32> to vector<1x1x1x1x16xf32>
          tpu.vector_store %arg11[%swap3A_1145, %swap3A_1146, %swap3A_1147, %swap3A_1148, %swap3A_1149], %swap3A_1152 {strides = array<i32>} : memref<2x2x4x4x512xf32, #tpu.memory_space<vmem>>, vector<1x1x1x1x16xf32>,
          %get3A_1153 = arith.constant 0 : i32
          %get3A_1154 = arith.index_cast %get3A_1153 : i32 to index
          %get3A_1155 = arith.index_cast %scan3A_311 : i32 to index
          %get3A_1156 = arith.index_cast %select_n3A : i32 to index
          %get3A_1157 = arith.index_cast %select_n3A_369 : i32 to index
          %get3A_1158 = arith.constant 448 : index
          %get3A_1159 = tpu.vector_load %arg11[%get3A_1154, %get3A_1155, %get3A_1156, %get3A_1157, %get3A_1158] {strides = array<i32>} : memref<2x2x4x4x512xf32, #tpu.memory_space<vmem>>, vector<1x1x1x1x16xf32>,
          %get3A_1160 = vector.shape_cast %get3A_1159 : vector<1x1x1x1x16xf32> to vector<16xf32>
          %mul3A_1161 = arith.mulf %broadcast_in_dim3A, %get3A_1160 : vector<16xf32>
          %get3A_1162 = arith.constant 0 : i32
          %get3A_1163 = arith.index_cast %get3A_1162 : i32 to index
          %get3A_1164 = arith.index_cast %scan3A_311 : i32 to index
          %get3A_1165 = arith.index_cast %select_n3A : i32 to index
          %get3A_1166 = arith.index_cast %select_n3A_369 : i32 to index
          %get3A_1167 = arith.constant 448 : index
          %get3A_1168 = tpu.vector_load %arg12[%get3A_1163, %get3A_1164, %get3A_1165, %get3A_1166, %get3A_1167] {strides = array<i32>} : memref<2x2x4x4x512xf32, #tpu.memory_space<vmem>>, vector<1x1x1x1x16xf32>,
          %get3A_1169 = vector.shape_cast %get3A_1168 : vector<1x1x1x1x16xf32> to vector<16xf32>
          %mul3A_1170 = arith.mulf %broadcast_in_dim3A_328, %get3A_1169 : vector<16xf32>
          %add3A_1171 = arith.addf %mul3A_1161, %mul3A_1170 : vector<16xf32>
          %swap3A_1172 = arith.constant 0 : i32
          %swap3A_1173 = arith.index_cast %swap3A_1172 : i32 to index
          %swap3A_1174 = arith.index_cast %scan3A_311 : i32 to index
          %swap3A_1175 = arith.index_cast %select_n3A : i32 to index
          %swap3A_1176 = arith.index_cast %select_n3A_369 : i32 to index
          %swap3A_1177 = arith.constant 448 : index
          %swap3A_1178 = tpu.vector_load %arg11[%swap3A_1173, %swap3A_1174, %swap3A_1175, %swap3A_1176, %swap3A_1177] {strides = array<i32>} : memref<2x2x4x4x512xf32, #tpu.memory_space<vmem>>, vector<1x1x1x1x16xf32>,
          %swap3A_1179 = vector.shape_cast %swap3A_1178 : vector<1x1x1x1x16xf32> to vector<16xf32>
          %swap3A_1180 = vector.shape_cast %add3A_1171 : vector<16xf32> to vector<1x1x1x1x16xf32>
          tpu.vector_store %arg11[%swap3A_1173, %swap3A_1174, %swap3A_1175, %swap3A_1176, %swap3A_1177], %swap3A_1180 {strides = array<i32>} : memref<2x2x4x4x512xf32, #tpu.memory_space<vmem>>, vector<1x1x1x1x16xf32>,
          %get3A_1181 = arith.constant 0 : i32
          %get3A_1182 = arith.index_cast %get3A_1181 : i32 to index
          %get3A_1183 = arith.index_cast %scan3A_311 : i32 to index
          %get3A_1184 = arith.index_cast %select_n3A : i32 to index
          %get3A_1185 = arith.index_cast %select_n3A_369 : i32 to index
          %get3A_1186 = arith.constant 464 : index
          %get3A_1187 = tpu.vector_load %arg11[%get3A_1182, %get3A_1183, %get3A_1184, %get3A_1185, %get3A_1186] {strides = array<i32>} : memref<2x2x4x4x512xf32, #tpu.memory_space<vmem>>, vector<1x1x1x1x16xf32>,
          %get3A_1188 = vector.shape_cast %get3A_1187 : vector<1x1x1x1x16xf32> to vector<16xf32>
          %mul3A_1189 = arith.mulf %broadcast_in_dim3A, %get3A_1188 : vector<16xf32>
          %get3A_1190 = arith.constant 0 : i32
          %get3A_1191 = arith.index_cast %get3A_1190 : i32 to index
          %get3A_1192 = arith.index_cast %scan3A_311 : i32 to index
          %get3A_1193 = arith.index_cast %select_n3A : i32 to index
          %get3A_1194 = arith.index_cast %select_n3A_369 : i32 to index
          %get3A_1195 = arith.constant 464 : index
          %get3A_1196 = tpu.vector_load %arg12[%get3A_1191, %get3A_1192, %get3A_1193, %get3A_1194, %get3A_1195] {strides = array<i32>} : memref<2x2x4x4x512xf32, #tpu.memory_space<vmem>>, vector<1x1x1x1x16xf32>,
          %get3A_1197 = vector.shape_cast %get3A_1196 : vector<1x1x1x1x16xf32> to vector<16xf32>
          %mul3A_1198 = arith.mulf %broadcast_in_dim3A_328, %get3A_1197 : vector<16xf32>
          %add3A_1199 = arith.addf %mul3A_1189, %mul3A_1198 : vector<16xf32>
          %swap3A_1200 = arith.constant 0 : i32
          %swap3A_1201 = arith.index_cast %swap3A_1200 : i32 to index
          %swap3A_1202 = arith.index_cast %scan3A_311 : i32 to index
          %swap3A_1203 = arith.index_cast %select_n3A : i32 to index
          %swap3A_1204 = arith.index_cast %select_n3A_369 : i32 to index
          %swap3A_1205 = arith.constant 464 : index
          %swap3A_1206 = tpu.vector_load %arg11[%swap3A_1201, %swap3A_1202, %swap3A_1203, %swap3A_1204, %swap3A_1205] {strides = array<i32>} : memref<2x2x4x4x512xf32, #tpu.memory_space<vmem>>, vector<1x1x1x1x16xf32>,
          %swap3A_1207 = vector.shape_cast %swap3A_1206 : vector<1x1x1x1x16xf32> to vector<16xf32>
          %swap3A_1208 = vector.shape_cast %add3A_1199 : vector<16xf32> to vector<1x1x1x1x16xf32>
          tpu.vector_store %arg11[%swap3A_1201, %swap3A_1202, %swap3A_1203, %swap3A_1204, %swap3A_1205], %swap3A_1208 {strides = array<i32>} : memref<2x2x4x4x512xf32, #tpu.memory_space<vmem>>, vector<1x1x1x1x16xf32>,
          %get3A_1209 = arith.constant 0 : i32
          %get3A_1210 = arith.index_cast %get3A_1209 : i32 to index
          %get3A_1211 = arith.index_cast %scan3A_311 : i32 to index
          %get3A_1212 = arith.index_cast %select_n3A : i32 to index
          %get3A_1213 = arith.index_cast %select_n3A_369 : i32 to index
          %get3A_1214 = arith.constant 480 : index
          %get3A_1215 = tpu.vector_load %arg11[%get3A_1210, %get3A_1211, %get3A_1212, %get3A_1213, %get3A_1214] {strides = array<i32>} : memref<2x2x4x4x512xf32, #tpu.memory_space<vmem>>, vector<1x1x1x1x16xf32>,
          %get3A_1216 = vector.shape_cast %get3A_1215 : vector<1x1x1x1x16xf32> to vector<16xf32>
          %mul3A_1217 = arith.mulf %broadcast_in_dim3A, %get3A_1216 : vector<16xf32>
          %get3A_1218 = arith.constant 0 : i32
          %get3A_1219 = arith.index_cast %get3A_1218 : i32 to index
          %get3A_1220 = arith.index_cast %scan3A_311 : i32 to index
          %get3A_1221 = arith.index_cast %select_n3A : i32 to index
          %get3A_1222 = arith.index_cast %select_n3A_369 : i32 to index
          %get3A_1223 = arith.constant 480 : index
          %get3A_1224 = tpu.vector_load %arg12[%get3A_1219, %get3A_1220, %get3A_1221, %get3A_1222, %get3A_1223] {strides = array<i32>} : memref<2x2x4x4x512xf32, #tpu.memory_space<vmem>>, vector<1x1x1x1x16xf32>,
          %get3A_1225 = vector.shape_cast %get3A_1224 : vector<1x1x1x1x16xf32> to vector<16xf32>
          %mul3A_1226 = arith.mulf %broadcast_in_dim3A_328, %get3A_1225 : vector<16xf32>
          %add3A_1227 = arith.addf %mul3A_1217, %mul3A_1226 : vector<16xf32>
          %swap3A_1228 = arith.constant 0 : i32
          %swap3A_1229 = arith.index_cast %swap3A_1228 : i32 to index
          %swap3A_1230 = arith.index_cast %scan3A_311 : i32 to index
          %swap3A_1231 = arith.index_cast %select_n3A : i32 to index
          %swap3A_1232 = arith.index_cast %select_n3A_369 : i32 to index
          %swap3A_1233 = arith.constant 480 : index
          %swap3A_1234 = tpu.vector_load %arg11[%swap3A_1229, %swap3A_1230, %swap3A_1231, %swap3A_1232, %swap3A_1233] {strides = array<i32>} : memref<2x2x4x4x512xf32, #tpu.memory_space<vmem>>, vector<1x1x1x1x16xf32>,
          %swap3A_1235 = vector.shape_cast %swap3A_1234 : vector<1x1x1x1x16xf32> to vector<16xf32>
          %swap3A_1236 = vector.shape_cast %add3A_1227 : vector<16xf32> to vector<1x1x1x1x16xf32>
          tpu.vector_store %arg11[%swap3A_1229, %swap3A_1230, %swap3A_1231, %swap3A_1232, %swap3A_1233], %swap3A_1236 {strides = array<i32>} : memref<2x2x4x4x512xf32, #tpu.memory_space<vmem>>, vector<1x1x1x1x16xf32>,
          %get3A_1237 = arith.constant 0 : i32
          %get3A_1238 = arith.index_cast %get3A_1237 : i32 to index
          %get3A_1239 = arith.index_cast %scan3A_311 : i32 to index
          %get3A_1240 = arith.index_cast %select_n3A : i32 to index
          %get3A_1241 = arith.index_cast %select_n3A_369 : i32 to index
          %get3A_1242 = arith.constant 496 : index
          %get3A_1243 = tpu.vector_load %arg11[%get3A_1238, %get3A_1239, %get3A_1240, %get3A_1241, %get3A_1242] {strides = array<i32>} : memref<2x2x4x4x512xf32, #tpu.memory_space<vmem>>, vector<1x1x1x1x16xf32>,
          %get3A_1244 = vector.shape_cast %get3A_1243 : vector<1x1x1x1x16xf32> to vector<16xf32>
          %mul3A_1245 = arith.mulf %broadcast_in_dim3A, %get3A_1244 : vector<16xf32>
          %get3A_1246 = arith.constant 0 : i32
          %get3A_1247 = arith.index_cast %get3A_1246 : i32 to index
          %get3A_1248 = arith.index_cast %scan3A_311 : i32 to index
          %get3A_1249 = arith.index_cast %select_n3A : i32 to index
          %get3A_1250 = arith.index_cast %select_n3A_369 : i32 to index
          %get3A_1251 = arith.constant 496 : index
          %get3A_1252 = tpu.vector_load %arg12[%get3A_1247, %get3A_1248, %get3A_1249, %get3A_1250, %get3A_1251] {strides = array<i32>} : memref<2x2x4x4x512xf32, #tpu.memory_space<vmem>>, vector<1x1x1x1x16xf32>,
          %get3A_1253 = vector.shape_cast %get3A_1252 : vector<1x1x1x1x16xf32> to vector<16xf32>
          %mul3A_1254 = arith.mulf %broadcast_in_dim3A_328, %get3A_1253 : vector<16xf32>
          %add3A_1255 = arith.addf %mul3A_1245, %mul3A_1254 : vector<16xf32>
          %swap3A_1256 = arith.constant 0 : i32
          %swap3A_1257 = arith.index_cast %swap3A_1256 : i32 to index
          %swap3A_1258 = arith.index_cast %scan3A_311 : i32 to index
          %swap3A_1259 = arith.index_cast %select_n3A : i32 to index
          %swap3A_1260 = arith.index_cast %select_n3A_369 : i32 to index
          %swap3A_1261 = arith.constant 496 : index
          %swap3A_1262 = tpu.vector_load %arg11[%swap3A_1257, %swap3A_1258, %swap3A_1259, %swap3A_1260, %swap3A_1261] {strides = array<i32>} : memref<2x2x4x4x512xf32, #tpu.memory_space<vmem>>, vector<1x1x1x1x16xf32>,
          %swap3A_1263 = vector.shape_cast %swap3A_1262 : vector<1x1x1x1x16xf32> to vector<16xf32>
          %swap3A_1264 = vector.shape_cast %add3A_1255 : vector<16xf32> to vector<1x1x1x1x16xf32>
          tpu.vector_store %arg11[%swap3A_1257, %swap3A_1258, %swap3A_1259, %swap3A_1260, %swap3A_1261], %swap3A_1264 {strides = array<i32>} : memref<2x2x4x4x512xf32, #tpu.memory_space<vmem>>, vector<1x1x1x1x16xf32>,
          %scan3A_1265 = arith.constant 0 : i32
          scf.yield %scan3A_1265 : i32
        }
        %scan3A_335 = arith.constant 16 : i32
        %scan3A_336 = arith.constant 0 : i32
        scf.yield %scan3A_336 : i32
      }
      %scan3A_198 = arith.constant 2 : i32
      %mul3A_199 = arith.constant 2 : i32
      %mul3A_200 = arith.muli %add3A_146, %mul3A_199 : i32
      %add3A_201 = arith.addi %mul3A_2, %mul3A_200 : i32
      %dma_start3A_202 = arith.constant 0 : i32
      %dma_start3A_203 = arith.constant 0 : i32
      %dma_start3A_204 = arith.constant 0 : i32
      %dma_start3A_205 = arith.constant 0 : i32
      %dma_start3A_206 = arith.constant 0 : i32
      %dma_start3A_207 = tpu.memref_slice %arg11[%dma_start3A_202, %dma_start3A_203, %dma_start3A_204, %dma_start3A_205, %dma_start3A_206] : memref<2x2x4x4x512xf32, #tpu.memory_space<vmem>> -> memref<1x2x4x4x512xf32, #tpu.memory_space<vmem>>
      %dma_start3A_208 = tpu.memref_squeeze %dma_start3A_207 : memref<1x2x4x4x512xf32, #tpu.memory_space<vmem>> -> memref<2x4x4x512xf32, #tpu.memory_space<vmem>>
      %dma_start3A_209 = arith.constant 0 : i32
      %dma_start3A_210 = arith.constant 0 : i32
      %dma_start3A_211 = arith.constant 0 : i32
      %dma_start3A_212 = tpu.memref_slice %arg7[%add3A_201, %dma_start3A_209, %dma_start3A_210, %dma_start3A_211] : memref<1024x4x4x512xf32, #tpu.memory_space<hbm>> -> memref<2x4x4x512xf32, #tpu.memory_space<hbm>>
      %dma_start3A_213 = arith.constant 0 : i32
      %dma_start3A_214 = arith.constant 0 : i32
      %dma_start3A_215 = arith.constant 0 : i32
      %dma_start3A_216 = tpu.memref_slice %arg7[%add3A_201, %dma_start3A_213, %dma_start3A_214, %dma_start3A_215] : memref<1024x4x4x512xf32, #tpu.memory_space<hbm>> -> memref<2x4x4x512xf32, #tpu.memory_space<hbm>>
      %dma_start3A_217 = arith.constant 0 : i32
      %dma_start3A_218 = arith.constant 0 : i32
      %dma_start3A_219 = arith.constant 0 : i32
      %dma_start3A_220 = arith.constant 0 : i32
      %dma_start3A_221 = tpu.memref_slice %arg11[%dma_start3A_202, %dma_start3A_217, %dma_start3A_218, %dma_start3A_219, %dma_start3A_220] : memref<2x2x4x4x512xf32, #tpu.memory_space<vmem>> -> memref<1x2x4x4x512xf32, #tpu.memory_space<vmem>>
      %dma_start3A_222 = tpu.memref_squeeze %dma_start3A_221 : memref<1x2x4x4x512xf32, #tpu.memory_space<vmem>> -> memref<2x4x4x512xf32, #tpu.memory_space<vmem>>
      tpu.enqueue_dma source(%dma_start3A_222 : memref<2x4x4x512xf32, #tpu.memory_space<vmem>>) target(%dma_start3A_216 : memref<2x4x4x512xf32, #tpu.memory_space<hbm>>) target_semaphore(%arg15 : memref<!tpu.dma_semaphore, #tpu.memory_space<semaphore_mem>>)
      %lt3A = arith.constant 7 : i32
      %lt3A_223 = arith.cmpi slt, %scan3A_141, %lt3A : i32
      %convert_element_type3A = arith.extui %lt3A_223 : i1 to i32
      %cond3A = arith.constant 0 : i32
      %cond3A_224 = arith.cmpi ne, %convert_element_type3A, %cond3A : i32
      scf.if %cond3A_224 {
        %mul3A_311 = arith.constant 2 : i32
        %mul3A_312 = arith.muli %add3A_146, %mul3A_311 : i32
        %add3A_313 = arith.addi %mul3A_2, %mul3A_312 : i32
        %dma_wait3A_314 = arith.constant 0 : i32
        %dma_wait3A_315 = arith.constant 0 : i32
        %dma_wait3A_316 = arith.constant 0 : i32
        %dma_wait3A_317 = arith.constant 0 : i32
        %dma_wait3A_318 = arith.constant 0 : i32
        %dma_wait3A_319 = tpu.memref_slice %arg11[%dma_wait3A_314, %dma_wait3A_315, %dma_wait3A_316, %dma_wait3A_317, %dma_wait3A_318] : memref<2x2x4x4x512xf32, #tpu.memory_space<vmem>> -> memref<1x2x4x4x512xf32, #tpu.memory_space<vmem>>
        %dma_wait3A_320 = tpu.memref_squeeze %dma_wait3A_319 : memref<1x2x4x4x512xf32, #tpu.memory_space<vmem>> -> memref<2x4x4x512xf32, #tpu.memory_space<vmem>>
        %dma_wait3A_321 = arith.constant 0 : i32
        %dma_wait3A_322 = arith.constant 0 : i32
        %dma_wait3A_323 = arith.constant 0 : i32
        %dma_wait3A_324 = tpu.memref_slice %arg7[%add3A_313, %dma_wait3A_321, %dma_wait3A_322, %dma_wait3A_323] : memref<1024x4x4x512xf32, #tpu.memory_space<hbm>> -> memref<2x4x4x512xf32, #tpu.memory_space<hbm>>
        %dma_wait3A_325 = arith.constant 0 : i32
        %dma_wait3A_326 = arith.constant 0 : i32
        %dma_wait3A_327 = arith.constant 0 : i32
        %dma_wait3A_328 = tpu.memref_slice %arg7[%add3A_313, %dma_wait3A_325, %dma_wait3A_326, %dma_wait3A_327] : memref<1024x4x4x512xf32, #tpu.memory_space<hbm>> -> memref<2x4x4x512xf32, #tpu.memory_space<hbm>>
        %dma_wait3A_329 = arith.constant 0 : i32
        %dma_wait3A_330 = arith.constant 0 : i32
        %dma_wait3A_331 = arith.constant 0 : i32
        %dma_wait3A_332 = arith.constant 0 : i32
        %dma_wait3A_333 = tpu.memref_slice %arg11[%dma_wait3A_314, %dma_wait3A_329, %dma_wait3A_330, %dma_wait3A_331, %dma_wait3A_332] : memref<2x2x4x4x512xf32, #tpu.memory_space<vmem>> -> memref<1x2x4x4x512xf32, #tpu.memory_space<vmem>>
        %dma_wait3A_334 = tpu.memref_squeeze %dma_wait3A_333 : memref<1x2x4x4x512xf32, #tpu.memory_space<vmem>> -> memref<2x4x4x512xf32, #tpu.memory_space<vmem>>
        tpu.wait_dma2 semaphore(%arg15 : memref<!tpu.dma_semaphore, #tpu.memory_space<semaphore_mem>>) src(%dma_wait3A_334 : memref<2x4x4x512xf32, #tpu.memory_space<vmem>>) dst(%dma_wait3A_328 : memref<2x4x4x512xf32, #tpu.memory_space<hbm>>)
        %add3A_335 = arith.constant 2 : i32
        %add3A_336 = arith.addi %add3A_146, %add3A_335 : i32
        %mul3A_337 = arith.constant 2 : i32
        %mul3A_338 = arith.muli %add3A_336, %mul3A_337 : i32
        %add3A_339 = arith.addi %mul3A_2, %mul3A_338 : i32
        %dma_start3A_340 = arith.constant 0 : i32
        %dma_start3A_341 = arith.constant 0 : i32
        %dma_start3A_342 = arith.constant 0 : i32
        %dma_start3A_343 = arith.constant 0 : i32
        %dma_start3A_344 = arith.constant 0 : i32
        %dma_start3A_345 = tpu.memref_slice %arg11[%dma_start3A_340, %dma_start3A_341, %dma_start3A_342, %dma_start3A_343, %dma_start3A_344] : memref<2x2x4x4x512xf32, #tpu.memory_space<vmem>> -> memref<1x2x4x4x512xf32, #tpu.memory_space<vmem>>
        %dma_start3A_346 = tpu.memref_squeeze %dma_start3A_345 : memref<1x2x4x4x512xf32, #tpu.memory_space<vmem>> -> memref<2x4x4x512xf32, #tpu.memory_space<vmem>>
        %dma_start3A_347 = arith.constant 0 : i32
        %dma_start3A_348 = arith.constant 0 : i32
        %dma_start3A_349 = arith.constant 0 : i32
        %dma_start3A_350 = tpu.memref_slice %arg5[%add3A_339, %dma_start3A_347, %dma_start3A_348, %dma_start3A_349] : memref<1024x4x4x512xf32, #tpu.memory_space<hbm>> -> memref<2x4x4x512xf32, #tpu.memory_space<hbm>>
        %dma_start3A_351 = arith.constant 0 : i32
        %dma_start3A_352 = arith.constant 0 : i32
        %dma_start3A_353 = arith.constant 0 : i32
        %dma_start3A_354 = arith.constant 0 : i32
        %dma_start3A_355 = tpu.memref_slice %arg11[%dma_start3A_340, %dma_start3A_351, %dma_start3A_352, %dma_start3A_353, %dma_start3A_354] : memref<2x2x4x4x512xf32, #tpu.memory_space<vmem>> -> memref<1x2x4x4x512xf32, #tpu.memory_space<vmem>>
        %dma_start3A_356 = tpu.memref_squeeze %dma_start3A_355 : memref<1x2x4x4x512xf32, #tpu.memory_space<vmem>> -> memref<2x4x4x512xf32, #tpu.memory_space<vmem>>
        %dma_start3A_357 = arith.constant 0 : i32
        %dma_start3A_358 = arith.constant 0 : i32
        %dma_start3A_359 = arith.constant 0 : i32
        %dma_start3A_360 = tpu.memref_slice %arg5[%add3A_339, %dma_start3A_357, %dma_start3A_358, %dma_start3A_359] : memref<1024x4x4x512xf32, #tpu.memory_space<hbm>> -> memref<2x4x4x512xf32, #tpu.memory_space<hbm>>
        tpu.enqueue_dma source(%dma_start3A_360 : memref<2x4x4x512xf32, #tpu.memory_space<hbm>>) target(%dma_start3A_356 : memref<2x4x4x512xf32, #tpu.memory_space<vmem>>) target_semaphore(%arg13 : memref<!tpu.dma_semaphore, #tpu.memory_space<semaphore_mem>>)
        %dma_start3A_361 = arith.constant 0 : i32
        %dma_start3A_362 = arith.constant 0 : i32
        %dma_start3A_363 = arith.constant 0 : i32
        %dma_start3A_364 = arith.constant 0 : i32
        %dma_start3A_365 = arith.constant 0 : i32
        %dma_start3A_366 = tpu.memref_slice %arg12[%dma_start3A_361, %dma_start3A_362, %dma_start3A_363, %dma_start3A_364, %dma_start3A_365] : memref<2x2x4x4x512xf32, #tpu.memory_space<vmem>> -> memref<1x2x4x4x512xf32, #tpu.memory_space<vmem>>
        %dma_start3A_367 = tpu.memref_squeeze %dma_start3A_366 : memref<1x2x4x4x512xf32, #tpu.memory_space<vmem>> -> memref<2x4x4x512xf32, #tpu.memory_space<vmem>>
        %dma_start3A_368 = arith.constant 0 : i32
        %dma_start3A_369 = arith.constant 0 : i32
        %dma_start3A_370 = arith.constant 0 : i32
        %dma_start3A_371 = tpu.memref_slice %arg6[%add3A_339, %dma_start3A_368, %dma_start3A_369, %dma_start3A_370] : memref<1024x4x4x512xf32, #tpu.memory_space<hbm>> -> memref<2x4x4x512xf32, #tpu.memory_space<hbm>>
        %dma_start3A_372 = arith.constant 0 : i32
        %dma_start3A_373 = arith.constant 0 : i32
        %dma_start3A_374 = arith.constant 0 : i32
        %dma_start3A_375 = arith.constant 0 : i32
        %dma_start3A_376 = tpu.memref_slice %arg12[%dma_start3A_361, %dma_start3A_372, %dma_start3A_373, %dma_start3A_374, %dma_start3A_375] : memref<2x2x4x4x512xf32, #tpu.memory_space<vmem>> -> memref<1x2x4x4x512xf32, #tpu.memory_space<vmem>>
        %dma_start3A_377 = tpu.memref_squeeze %dma_start3A_376 : memref<1x2x4x4x512xf32, #tpu.memory_space<vmem>> -> memref<2x4x4x512xf32, #tpu.memory_space<vmem>>
        %dma_start3A_378 = arith.constant 0 : i32
        %dma_start3A_379 = arith.constant 0 : i32
        %dma_start3A_380 = arith.constant 0 : i32
        %dma_start3A_381 = tpu.memref_slice %arg6[%add3A_339, %dma_start3A_378, %dma_start3A_379, %dma_start3A_380] : memref<1024x4x4x512xf32, #tpu.memory_space<hbm>> -> memref<2x4x4x512xf32, #tpu.memory_space<hbm>>
        tpu.enqueue_dma source(%dma_start3A_381 : memref<2x4x4x512xf32, #tpu.memory_space<hbm>>) target(%dma_start3A_377 : memref<2x4x4x512xf32, #tpu.memory_space<vmem>>) target_semaphore(%arg14 : memref<!tpu.dma_semaphore, #tpu.memory_space<semaphore_mem>>)
      } else {
      }
      %mul3A_225 = arith.constant 2 : i32
      %mul3A_226 = arith.muli %scan3A_141, %mul3A_225 : i32
      %add3A_227 = arith.constant 1 : i32
      %add3A_228 = arith.addi %mul3A_226, %add3A_227 : i32
      %mul3A_229 = arith.constant 2 : i32
      %mul3A_230 = arith.muli %add3A_228, %mul3A_229 : i32
      %add3A_231 = arith.addi %mul3A_2, %mul3A_230 : i32
      %dma_wait3A_232 = arith.constant 1 : i32
      %dma_wait3A_233 = arith.constant 0 : i32
      %dma_wait3A_234 = arith.constant 0 : i32
      %dma_wait3A_235 = arith.constant 0 : i32
      %dma_wait3A_236 = arith.constant 0 : i32
      %dma_wait3A_237 = tpu.memref_slice %arg11[%dma_wait3A_232, %dma_wait3A_233, %dma_wait3A_234, %dma_wait3A_235, %dma_wait3A_236] : memref<2x2x4x4x512xf32, #tpu.memory_space<vmem>> -> memref<1x2x4x4x512xf32, #tpu.memory_space<vmem>>
      %dma_wait3A_238 = tpu.memref_squeeze %dma_wait3A_237 : memref<1x2x4x4x512xf32, #tpu.memory_space<vmem>> -> memref<2x4x4x512xf32, #tpu.memory_space<vmem>>
      %dma_wait3A_239 = arith.constant 0 : i32
      %dma_wait3A_240 = arith.constant 0 : i32
      %dma_wait3A_241 = arith.constant 0 : i32
      %dma_wait3A_242 = tpu.memref_slice %arg5[%add3A_231, %dma_wait3A_239, %dma_wait3A_240, %dma_wait3A_241] : memref<1024x4x4x512xf32, #tpu.memory_space<hbm>> -> memref<2x4x4x512xf32, #tpu.memory_space<hbm>>
      %dma_wait3A_243 = arith.constant 0 : i32
      %dma_wait3A_244 = arith.constant 0 : i32
      %dma_wait3A_245 = arith.constant 0 : i32
      %dma_wait3A_246 = arith.constant 0 : i32
      %dma_wait3A_247 = tpu.memref_slice %arg11[%dma_wait3A_232, %dma_wait3A_243, %dma_wait3A_244, %dma_wait3A_245, %dma_wait3A_246] : memref<2x2x4x4x512xf32, #tpu.memory_space<vmem>> -> memref<1x2x4x4x512xf32, #tpu.memory_space<vmem>>
      %dma_wait3A_248 = tpu.memref_squeeze %dma_wait3A_247 : memref<1x2x4x4x512xf32, #tpu.memory_space<vmem>> -> memref<2x4x4x512xf32, #tpu.memory_space<vmem>>
      %dma_wait3A_249 = arith.constant 0 : i32
      %dma_wait3A_250 = arith.constant 0 : i32
      %dma_wait3A_251 = arith.constant 0 : i32
      %dma_wait3A_252 = tpu.memref_slice %arg5[%add3A_231, %dma_wait3A_249, %dma_wait3A_250, %dma_wait3A_251] : memref<1024x4x4x512xf32, #tpu.memory_space<hbm>> -> memref<2x4x4x512xf32, #tpu.memory_space<hbm>>
      tpu.wait_dma2 semaphore(%arg16 : memref<!tpu.dma_semaphore, #tpu.memory_space<semaphore_mem>>) src(%dma_wait3A_252 : memref<2x4x4x512xf32, #tpu.memory_space<hbm>>) dst(%dma_wait3A_248 : memref<2x4x4x512xf32, #tpu.memory_space<vmem>>)
      %dma_wait3A_253 = arith.constant 1 : i32
      %dma_wait3A_254 = arith.constant 0 : i32
      %dma_wait3A_255 = arith.constant 0 : i32
      %dma_wait3A_256 = arith.constant 0 : i32
      %dma_wait3A_257 = arith.constant 0 : i32
      %dma_wait3A_258 = tpu.memref_slice %arg12[%dma_wait3A_253, %dma_wait3A_254, %dma_wait3A_255, %dma_wait3A_256, %dma_wait3A_257] : memref<2x2x4x4x512xf32, #tpu.memory_space<vmem>> -> memref<1x2x4x4x512xf32, #tpu.memory_space<vmem>>
      %dma_wait3A_259 = tpu.memref_squeeze %dma_wait3A_258 : memref<1x2x4x4x512xf32, #tpu.memory_space<vmem>> -> memref<2x4x4x512xf32, #tpu.memory_space<vmem>>
      %dma_wait3A_260 = arith.constant 0 : i32
      %dma_wait3A_261 = arith.constant 0 : i32
      %dma_wait3A_262 = arith.constant 0 : i32
      %dma_wait3A_263 = tpu.memref_slice %arg6[%add3A_231, %dma_wait3A_260, %dma_wait3A_261, %dma_wait3A_262] : memref<1024x4x4x512xf32, #tpu.memory_space<hbm>> -> memref<2x4x4x512xf32, #tpu.memory_space<hbm>>
      %dma_wait3A_264 = arith.constant 0 : i32
      %dma_wait3A_265 = arith.constant 0 : i32
      %dma_wait3A_266 = arith.constant 0 : i32
      %dma_wait3A_267 = arith.constant 0 : i32
      %dma_wait3A_268 = tpu.memref_slice %arg12[%dma_wait3A_253, %dma_wait3A_264, %dma_wait3A_265, %dma_wait3A_266, %dma_wait3A_267] : memref<2x2x4x4x512xf32, #tpu.memory_space<vmem>> -> memref<1x2x4x4x512xf32, #tpu.memory_space<vmem>>
      %dma_wait3A_269 = tpu.memref_squeeze %dma_wait3A_268 : memref<1x2x4x4x512xf32, #tpu.memory_space<vmem>> -> memref<2x4x4x512xf32, #tpu.memory_space<vmem>>
      %dma_wait3A_270 = arith.constant 0 : i32
      %dma_wait3A_271 = arith.constant 0 : i32
      %dma_wait3A_272 = arith.constant 0 : i32
      %dma_wait3A_273 = tpu.memref_slice %arg6[%add3A_231, %dma_wait3A_270, %dma_wait3A_271, %dma_wait3A_272] : memref<1024x4x4x512xf32, #tpu.memory_space<hbm>> -> memref<2x4x4x512xf32, #tpu.memory_space<hbm>>
      tpu.wait_dma2 semaphore(%arg17 : memref<!tpu.dma_semaphore, #tpu.memory_space<semaphore_mem>>) src(%dma_wait3A_273 : memref<2x4x4x512xf32, #tpu.memory_space<hbm>>) dst(%dma_wait3A_269 : memref<2x4x4x512xf32, #tpu.memory_space<vmem>>)
      %scan3A_274 = arith.constant 0 : i32
      %scan3A_275 = arith.constant 0 : i32
      %scan3A_276 = arith.constant 2 : i32
      %scan3A_277 = arith.addi %scan3A_275, %scan3A_276 : i32
      %scan3A_278 = arith.constant 1 : i32
      %scan3A_279 = scf.for %scan3A_311 = %scan3A_275 to %scan3A_277 step %scan3A_278 iter_args(%scan3A_312 = %scan3A_274) -> (i32)  : i32 {
        %mul3A_313 = arith.constant 2 : i32
        %mul3A_314 = arith.muli %add3A_228, %mul3A_313 : i32
        %add3A_315 = arith.addi %mul3A_314, %scan3A_311 : i32
        %get3A = arith.index_cast %add3A_315 : i32 to index
        %get3A_316 = tpu.vector_load %arg10[%get3A] {strides = array<i32>} : memref<48xi32, #tpu.memory_space<vmem>>, vector<16xi32>,
        %get3A_317 = vector.shape_cast %get3A_316 : vector<16xi32> to vector<16xi32>
        %slice3A = vector.extract_strided_slice %get3A_317 {offsets = [0], sizes = [1], strides = [1]} : vector<16xi32> to vector<1xi32>
        %squeeze3A = vector.extract %slice3A[0] : i32 from vector<1xi32>
        %get3A_318 = arith.index_cast %squeeze3A : i32 to index
        %get3A_319 = tpu.vector_load %arg8[%get3A_318] {strides = array<i32>} : memref<224xf32, #tpu.memory_space<vmem>>, vector<16xf32>,
        %get3A_320 = vector.shape_cast %get3A_319 : vector<16xf32> to vector<16xf32>
        %slice3A_321 = vector.extract_strided_slice %get3A_320 {offsets = [0], sizes = [1], strides = [1]} : vector<16xf32> to vector<1xf32>
        %squeeze3A_322 = vector.extract %slice3A_321[0] : f32 from vector<1xf32>
        %broadcast_in_dim3A = vector.broadcast %squeeze3A_322 : f32 to vector<16xf32>
        %get3A_323 = arith.index_cast %squeeze3A : i32 to index
        %get3A_324 = tpu.vector_load %arg9[%get3A_323] {strides = array<i32>} : memref<224xf32, #tpu.memory_space<vmem>>, vector<16xf32>,
        %get3A_325 = vector.shape_cast %get3A_324 : vector<16xf32> to vector<16xf32>
        %slice3A_326 = vector.extract_strided_slice %get3A_325 {offsets = [0], sizes = [1], strides = [1]} : vector<16xf32> to vector<1xf32>
        %squeeze3A_327 = vector.extract %slice3A_326[0] : f32 from vector<1xf32>
        %broadcast_in_dim3A_328 = vector.broadcast %squeeze3A_327 : f32 to vector<16xf32>
        %scan3A_329 = arith.constant 0 : i32
        %scan3A_330 = arith.constant 0 : i32
        %scan3A_331 = arith.constant 16 : i32
        %scan3A_332 = arith.addi %scan3A_330, %scan3A_331 : i32
        %scan3A_333 = arith.constant 1 : i32
        %scan3A_334 = scf.for %scan3A_337 = %scan3A_330 to %scan3A_332 step %scan3A_333 iter_args(%scan3A_338 = %scan3A_329) -> (i32)  : i32 {
          %jit3A = arith.constant 4 : i32
          %div3A = arith.divsi %scan3A_337, %jit3A : i32
          %sign3A = arith.constant 0 : i32
          %sign3A_339 = arith.cmpi sgt, %scan3A_337, %sign3A : i32
          %sign3A_340 = arith.extui %sign3A_339 : i1 to i32
          %sign3A_341 = arith.constant 0 : i32
          %sign3A_342 = arith.cmpi slt, %scan3A_337, %sign3A_341 : i32
          %sign3A_343 = arith.extui %sign3A_342 : i1 to i32
          %sign3A_344 = arith.subi %sign3A_340, %sign3A_343 : i32
          %sign3A_345 = arith.constant 0 : i32
          %sign3A_346 = arith.cmpi sgt, %jit3A, %sign3A_345 : i32
          %sign3A_347 = arith.extui %sign3A_346 : i1 to i32
          %sign3A_348 = arith.constant 0 : i32
          %sign3A_349 = arith.cmpi slt, %jit3A, %sign3A_348 : i32
          %sign3A_350 = arith.extui %sign3A_349 : i1 to i32
          %sign3A_351 = arith.subi %sign3A_347, %sign3A_350 : i32
          %ne3A = arith.cmpi ne, %sign3A_344, %sign3A_351 : i32
          %rem3A = arith.remsi %scan3A_337, %jit3A : i32
          %ne3A_352 = arith.constant 0 : i32
          %ne3A_353 = arith.cmpi ne, %rem3A, %ne3A_352 : i32
          %and3A = arith.andi %ne3A, %ne3A_353 : i1
          %sub3A = arith.constant 1 : i32
          %sub3A_354 = arith.subi %div3A, %sub3A : i32
          %select_n3A = arith.select %and3A, %sub3A_354, %div3A : i32
          %jit3A_355 = arith.constant 4 : i32
          %eq3A = arith.constant 0 : i32
          %eq3A_356 = arith.cmpi eq, %jit3A_355, %eq3A : i32
          %jit3A_357 = arith.constant 1 : i32
          %select_n3A_358 = arith.select %eq3A_356, %jit3A_357, %jit3A_355 : i32
          %rem3A_359 = arith.remsi %scan3A_337, %select_n3A_358 : i32
          %ne3A_360 = arith.constant 0 : i32
          %ne3A_361 = arith.cmpi ne, %rem3A_359, %ne3A_360 : i32
          %lt3A_362 = arith.constant 0 : i32
          %lt3A_363 = arith.cmpi slt, %rem3A_359, %lt3A_362 : i32
          %lt3A_364 = arith.constant 0 : i32
          %lt3A_365 = arith.cmpi slt, %select_n3A_358, %lt3A_364 : i32
          %ne3A_366 = arith.xori %lt3A_363, %lt3A_365 : i1
          %and3A_367 = arith.andi %ne3A_366, %ne3A_361 : i1
          %add3A_368 = arith.addi %rem3A_359, %select_n3A_358 : i32
          %select_n3A_369 = arith.select %and3A_367, %add3A_368, %rem3A_359 : i32
          %get3A_370 = arith.constant 1 : i32
          %get3A_371 = arith.index_cast %get3A_370 : i32 to index
          %get3A_372 = arith.index_cast %scan3A_311 : i32 to index
          %get3A_373 = arith.index_cast %select_n3A : i32 to index
          %get3A_374 = arith.index_cast %select_n3A_369 : i32 to index
          %get3A_375 = arith.constant 0 : index
          %get3A_376 = tpu.vector_load %arg11[%get3A_371, %get3A_372, %get3A_373, %get3A_374, %get3A_375] {strides = array<i32>} : memref<2x2x4x4x512xf32, #tpu.memory_space<vmem>>, vector<1x1x1x1x16xf32>,
          %get3A_377 = vector.shape_cast %get3A_376 : vector<1x1x1x1x16xf32> to vector<16xf32>
          %mul3A_378 = arith.mulf %broadcast_in_dim3A, %get3A_377 : vector<16xf32>
          %get3A_379 = arith.constant 1 : i32
          %get3A_380 = arith.index_cast %get3A_379 : i32 to index
          %get3A_381 = arith.index_cast %scan3A_311 : i32 to index
          %get3A_382 = arith.index_cast %select_n3A : i32 to index
          %get3A_383 = arith.index_cast %select_n3A_369 : i32 to index
          %get3A_384 = arith.constant 0 : index
          %get3A_385 = tpu.vector_load %arg12[%get3A_380, %get3A_381, %get3A_382, %get3A_383, %get3A_384] {strides = array<i32>} : memref<2x2x4x4x512xf32, #tpu.memory_space<vmem>>, vector<1x1x1x1x16xf32>,
          %get3A_386 = vector.shape_cast %get3A_385 : vector<1x1x1x1x16xf32> to vector<16xf32>
          %mul3A_387 = arith.mulf %broadcast_in_dim3A_328, %get3A_386 : vector<16xf32>
          %add3A_388 = arith.addf %mul3A_378, %mul3A_387 : vector<16xf32>
          %swap3A = arith.constant 1 : i32
          %swap3A_389 = arith.index_cast %swap3A : i32 to index
          %swap3A_390 = arith.index_cast %scan3A_311 : i32 to index
          %swap3A_391 = arith.index_cast %select_n3A : i32 to index
          %swap3A_392 = arith.index_cast %select_n3A_369 : i32 to index
          %swap3A_393 = arith.constant 0 : index
          %swap3A_394 = tpu.vector_load %arg11[%swap3A_389, %swap3A_390, %swap3A_391, %swap3A_392, %swap3A_393] {strides = array<i32>} : memref<2x2x4x4x512xf32, #tpu.memory_space<vmem>>, vector<1x1x1x1x16xf32>,
          %swap3A_395 = vector.shape_cast %swap3A_394 : vector<1x1x1x1x16xf32> to vector<16xf32>
          %swap3A_396 = vector.shape_cast %add3A_388 : vector<16xf32> to vector<1x1x1x1x16xf32>
          tpu.vector_store %arg11[%swap3A_389, %swap3A_390, %swap3A_391, %swap3A_392, %swap3A_393], %swap3A_396 {strides = array<i32>} : memref<2x2x4x4x512xf32, #tpu.memory_space<vmem>>, vector<1x1x1x1x16xf32>,
          %get3A_397 = arith.constant 1 : i32
          %get3A_398 = arith.index_cast %get3A_397 : i32 to index
          %get3A_399 = arith.index_cast %scan3A_311 : i32 to index
          %get3A_400 = arith.index_cast %select_n3A : i32 to index
          %get3A_401 = arith.index_cast %select_n3A_369 : i32 to index
          %get3A_402 = arith.constant 16 : index
          %get3A_403 = tpu.vector_load %arg11[%get3A_398, %get3A_399, %get3A_400, %get3A_401, %get3A_402] {strides = array<i32>} : memref<2x2x4x4x512xf32, #tpu.memory_space<vmem>>, vector<1x1x1x1x16xf32>,
          %get3A_404 = vector.shape_cast %get3A_403 : vector<1x1x1x1x16xf32> to vector<16xf32>
          %mul3A_405 = arith.mulf %broadcast_in_dim3A, %get3A_404 : vector<16xf32>
          %get3A_406 = arith.constant 1 : i32
          %get3A_407 = arith.index_cast %get3A_406 : i32 to index
          %get3A_408 = arith.index_cast %scan3A_311 : i32 to index
          %get3A_409 = arith.index_cast %select_n3A : i32 to index
          %get3A_410 = arith.index_cast %select_n3A_369 : i32 to index
          %get3A_411 = arith.constant 16 : index
          %get3A_412 = tpu.vector_load %arg12[%get3A_407, %get3A_408, %get3A_409, %get3A_410, %get3A_411] {strides = array<i32>} : memref<2x2x4x4x512xf32, #tpu.memory_space<vmem>>, vector<1x1x1x1x16xf32>,
          %get3A_413 = vector.shape_cast %get3A_412 : vector<1x1x1x1x16xf32> to vector<16xf32>
          %mul3A_414 = arith.mulf %broadcast_in_dim3A_328, %get3A_413 : vector<16xf32>
          %add3A_415 = arith.addf %mul3A_405, %mul3A_414 : vector<16xf32>
          %swap3A_416 = arith.constant 1 : i32
          %swap3A_417 = arith.index_cast %swap3A_416 : i32 to index
          %swap3A_418 = arith.index_cast %scan3A_311 : i32 to index
          %swap3A_419 = arith.index_cast %select_n3A : i32 to index
          %swap3A_420 = arith.index_cast %select_n3A_369 : i32 to index
          %swap3A_421 = arith.constant 16 : index
          %swap3A_422 = tpu.vector_load %arg11[%swap3A_417, %swap3A_418, %swap3A_419, %swap3A_420, %swap3A_421] {strides = array<i32>} : memref<2x2x4x4x512xf32, #tpu.memory_space<vmem>>, vector<1x1x1x1x16xf32>,
          %swap3A_423 = vector.shape_cast %swap3A_422 : vector<1x1x1x1x16xf32> to vector<16xf32>
          %swap3A_424 = vector.shape_cast %add3A_415 : vector<16xf32> to vector<1x1x1x1x16xf32>
          tpu.vector_store %arg11[%swap3A_417, %swap3A_418, %swap3A_419, %swap3A_420, %swap3A_421], %swap3A_424 {strides = array<i32>} : memref<2x2x4x4x512xf32, #tpu.memory_space<vmem>>, vector<1x1x1x1x16xf32>,
          %get3A_425 = arith.constant 1 : i32
          %get3A_426 = arith.index_cast %get3A_425 : i32 to index
          %get3A_427 = arith.index_cast %scan3A_311 : i32 to index
          %get3A_428 = arith.index_cast %select_n3A : i32 to index
          %get3A_429 = arith.index_cast %select_n3A_369 : i32 to index
          %get3A_430 = arith.constant 32 : index
          %get3A_431 = tpu.vector_load %arg11[%get3A_426, %get3A_427, %get3A_428, %get3A_429, %get3A_430] {strides = array<i32>} : memref<2x2x4x4x512xf32, #tpu.memory_space<vmem>>, vector<1x1x1x1x16xf32>,
          %get3A_432 = vector.shape_cast %get3A_431 : vector<1x1x1x1x16xf32> to vector<16xf32>
          %mul3A_433 = arith.mulf %broadcast_in_dim3A, %get3A_432 : vector<16xf32>
          %get3A_434 = arith.constant 1 : i32
          %get3A_435 = arith.index_cast %get3A_434 : i32 to index
          %get3A_436 = arith.index_cast %scan3A_311 : i32 to index
          %get3A_437 = arith.index_cast %select_n3A : i32 to index
          %get3A_438 = arith.index_cast %select_n3A_369 : i32 to index
          %get3A_439 = arith.constant 32 : index
          %get3A_440 = tpu.vector_load %arg12[%get3A_435, %get3A_436, %get3A_437, %get3A_438, %get3A_439] {strides = array<i32>} : memref<2x2x4x4x512xf32, #tpu.memory_space<vmem>>, vector<1x1x1x1x16xf32>,
          %get3A_441 = vector.shape_cast %get3A_440 : vector<1x1x1x1x16xf32> to vector<16xf32>
          %mul3A_442 = arith.mulf %broadcast_in_dim3A_328, %get3A_441 : vector<16xf32>
          %add3A_443 = arith.addf %mul3A_433, %mul3A_442 : vector<16xf32>
          %swap3A_444 = arith.constant 1 : i32
          %swap3A_445 = arith.index_cast %swap3A_444 : i32 to index
          %swap3A_446 = arith.index_cast %scan3A_311 : i32 to index
          %swap3A_447 = arith.index_cast %select_n3A : i32 to index
          %swap3A_448 = arith.index_cast %select_n3A_369 : i32 to index
          %swap3A_449 = arith.constant 32 : index
          %swap3A_450 = tpu.vector_load %arg11[%swap3A_445, %swap3A_446, %swap3A_447, %swap3A_448, %swap3A_449] {strides = array<i32>} : memref<2x2x4x4x512xf32, #tpu.memory_space<vmem>>, vector<1x1x1x1x16xf32>,
          %swap3A_451 = vector.shape_cast %swap3A_450 : vector<1x1x1x1x16xf32> to vector<16xf32>
          %swap3A_452 = vector.shape_cast %add3A_443 : vector<16xf32> to vector<1x1x1x1x16xf32>
          tpu.vector_store %arg11[%swap3A_445, %swap3A_446, %swap3A_447, %swap3A_448, %swap3A_449], %swap3A_452 {strides = array<i32>} : memref<2x2x4x4x512xf32, #tpu.memory_space<vmem>>, vector<1x1x1x1x16xf32>,
          %get3A_453 = arith.constant 1 : i32
          %get3A_454 = arith.index_cast %get3A_453 : i32 to index
          %get3A_455 = arith.index_cast %scan3A_311 : i32 to index
          %get3A_456 = arith.index_cast %select_n3A : i32 to index
          %get3A_457 = arith.index_cast %select_n3A_369 : i32 to index
          %get3A_458 = arith.constant 48 : index
          %get3A_459 = tpu.vector_load %arg11[%get3A_454, %get3A_455, %get3A_456, %get3A_457, %get3A_458] {strides = array<i32>} : memref<2x2x4x4x512xf32, #tpu.memory_space<vmem>>, vector<1x1x1x1x16xf32>,
          %get3A_460 = vector.shape_cast %get3A_459 : vector<1x1x1x1x16xf32> to vector<16xf32>
          %mul3A_461 = arith.mulf %broadcast_in_dim3A, %get3A_460 : vector<16xf32>
          %get3A_462 = arith.constant 1 : i32
          %get3A_463 = arith.index_cast %get3A_462 : i32 to index
          %get3A_464 = arith.index_cast %scan3A_311 : i32 to index
          %get3A_465 = arith.index_cast %select_n3A : i32 to index
          %get3A_466 = arith.index_cast %select_n3A_369 : i32 to index
          %get3A_467 = arith.constant 48 : index
          %get3A_468 = tpu.vector_load %arg12[%get3A_463, %get3A_464, %get3A_465, %get3A_466, %get3A_467] {strides = array<i32>} : memref<2x2x4x4x512xf32, #tpu.memory_space<vmem>>, vector<1x1x1x1x16xf32>,
          %get3A_469 = vector.shape_cast %get3A_468 : vector<1x1x1x1x16xf32> to vector<16xf32>
          %mul3A_470 = arith.mulf %broadcast_in_dim3A_328, %get3A_469 : vector<16xf32>
          %add3A_471 = arith.addf %mul3A_461, %mul3A_470 : vector<16xf32>
          %swap3A_472 = arith.constant 1 : i32
          %swap3A_473 = arith.index_cast %swap3A_472 : i32 to index
          %swap3A_474 = arith.index_cast %scan3A_311 : i32 to index
          %swap3A_475 = arith.index_cast %select_n3A : i32 to index
          %swap3A_476 = arith.index_cast %select_n3A_369 : i32 to index
          %swap3A_477 = arith.constant 48 : index
          %swap3A_478 = tpu.vector_load %arg11[%swap3A_473, %swap3A_474, %swap3A_475, %swap3A_476, %swap3A_477] {strides = array<i32>} : memref<2x2x4x4x512xf32, #tpu.memory_space<vmem>>, vector<1x1x1x1x16xf32>,
          %swap3A_479 = vector.shape_cast %swap3A_478 : vector<1x1x1x1x16xf32> to vector<16xf32>
          %swap3A_480 = vector.shape_cast %add3A_471 : vector<16xf32> to vector<1x1x1x1x16xf32>
          tpu.vector_store %arg11[%swap3A_473, %swap3A_474, %swap3A_475, %swap3A_476, %swap3A_477], %swap3A_480 {strides = array<i32>} : memref<2x2x4x4x512xf32, #tpu.memory_space<vmem>>, vector<1x1x1x1x16xf32>,
          %get3A_481 = arith.constant 1 : i32
          %get3A_482 = arith.index_cast %get3A_481 : i32 to index
          %get3A_483 = arith.index_cast %scan3A_311 : i32 to index
          %get3A_484 = arith.index_cast %select_n3A : i32 to index
          %get3A_485 = arith.index_cast %select_n3A_369 : i32 to index
          %get3A_486 = arith.constant 64 : index
          %get3A_487 = tpu.vector_load %arg11[%get3A_482, %get3A_483, %get3A_484, %get3A_485, %get3A_486] {strides = array<i32>} : memref<2x2x4x4x512xf32, #tpu.memory_space<vmem>>, vector<1x1x1x1x16xf32>,
          %get3A_488 = vector.shape_cast %get3A_487 : vector<1x1x1x1x16xf32> to vector<16xf32>
          %mul3A_489 = arith.mulf %broadcast_in_dim3A, %get3A_488 : vector<16xf32>
          %get3A_490 = arith.constant 1 : i32
          %get3A_491 = arith.index_cast %get3A_490 : i32 to index
          %get3A_492 = arith.index_cast %scan3A_311 : i32 to index
          %get3A_493 = arith.index_cast %select_n3A : i32 to index
          %get3A_494 = arith.index_cast %select_n3A_369 : i32 to index
          %get3A_495 = arith.constant 64 : index
          %get3A_496 = tpu.vector_load %arg12[%get3A_491, %get3A_492, %get3A_493, %get3A_494, %get3A_495] {strides = array<i32>} : memref<2x2x4x4x512xf32, #tpu.memory_space<vmem>>, vector<1x1x1x1x16xf32>,
          %get3A_497 = vector.shape_cast %get3A_496 : vector<1x1x1x1x16xf32> to vector<16xf32>
          %mul3A_498 = arith.mulf %broadcast_in_dim3A_328, %get3A_497 : vector<16xf32>
          %add3A_499 = arith.addf %mul3A_489, %mul3A_498 : vector<16xf32>
          %swap3A_500 = arith.constant 1 : i32
          %swap3A_501 = arith.index_cast %swap3A_500 : i32 to index
          %swap3A_502 = arith.index_cast %scan3A_311 : i32 to index
          %swap3A_503 = arith.index_cast %select_n3A : i32 to index
          %swap3A_504 = arith.index_cast %select_n3A_369 : i32 to index
          %swap3A_505 = arith.constant 64 : index
          %swap3A_506 = tpu.vector_load %arg11[%swap3A_501, %swap3A_502, %swap3A_503, %swap3A_504, %swap3A_505] {strides = array<i32>} : memref<2x2x4x4x512xf32, #tpu.memory_space<vmem>>, vector<1x1x1x1x16xf32>,
          %swap3A_507 = vector.shape_cast %swap3A_506 : vector<1x1x1x1x16xf32> to vector<16xf32>
          %swap3A_508 = vector.shape_cast %add3A_499 : vector<16xf32> to vector<1x1x1x1x16xf32>
          tpu.vector_store %arg11[%swap3A_501, %swap3A_502, %swap3A_503, %swap3A_504, %swap3A_505], %swap3A_508 {strides = array<i32>} : memref<2x2x4x4x512xf32, #tpu.memory_space<vmem>>, vector<1x1x1x1x16xf32>,
          %get3A_509 = arith.constant 1 : i32
          %get3A_510 = arith.index_cast %get3A_509 : i32 to index
          %get3A_511 = arith.index_cast %scan3A_311 : i32 to index
          %get3A_512 = arith.index_cast %select_n3A : i32 to index
          %get3A_513 = arith.index_cast %select_n3A_369 : i32 to index
          %get3A_514 = arith.constant 80 : index
          %get3A_515 = tpu.vector_load %arg11[%get3A_510, %get3A_511, %get3A_512, %get3A_513, %get3A_514] {strides = array<i32>} : memref<2x2x4x4x512xf32, #tpu.memory_space<vmem>>, vector<1x1x1x1x16xf32>,
          %get3A_516 = vector.shape_cast %get3A_515 : vector<1x1x1x1x16xf32> to vector<16xf32>
          %mul3A_517 = arith.mulf %broadcast_in_dim3A, %get3A_516 : vector<16xf32>
          %get3A_518 = arith.constant 1 : i32
          %get3A_519 = arith.index_cast %get3A_518 : i32 to index
          %get3A_520 = arith.index_cast %scan3A_311 : i32 to index
          %get3A_521 = arith.index_cast %select_n3A : i32 to index
          %get3A_522 = arith.index_cast %select_n3A_369 : i32 to index
          %get3A_523 = arith.constant 80 : index
          %get3A_524 = tpu.vector_load %arg12[%get3A_519, %get3A_520, %get3A_521, %get3A_522, %get3A_523] {strides = array<i32>} : memref<2x2x4x4x512xf32, #tpu.memory_space<vmem>>, vector<1x1x1x1x16xf32>,
          %get3A_525 = vector.shape_cast %get3A_524 : vector<1x1x1x1x16xf32> to vector<16xf32>
          %mul3A_526 = arith.mulf %broadcast_in_dim3A_328, %get3A_525 : vector<16xf32>
          %add3A_527 = arith.addf %mul3A_517, %mul3A_526 : vector<16xf32>
          %swap3A_528 = arith.constant 1 : i32
          %swap3A_529 = arith.index_cast %swap3A_528 : i32 to index
          %swap3A_530 = arith.index_cast %scan3A_311 : i32 to index
          %swap3A_531 = arith.index_cast %select_n3A : i32 to index
          %swap3A_532 = arith.index_cast %select_n3A_369 : i32 to index
          %swap3A_533 = arith.constant 80 : index
          %swap3A_534 = tpu.vector_load %arg11[%swap3A_529, %swap3A_530, %swap3A_531, %swap3A_532, %swap3A_533] {strides = array<i32>} : memref<2x2x4x4x512xf32, #tpu.memory_space<vmem>>, vector<1x1x1x1x16xf32>,
          %swap3A_535 = vector.shape_cast %swap3A_534 : vector<1x1x1x1x16xf32> to vector<16xf32>
          %swap3A_536 = vector.shape_cast %add3A_527 : vector<16xf32> to vector<1x1x1x1x16xf32>
          tpu.vector_store %arg11[%swap3A_529, %swap3A_530, %swap3A_531, %swap3A_532, %swap3A_533], %swap3A_536 {strides = array<i32>} : memref<2x2x4x4x512xf32, #tpu.memory_space<vmem>>, vector<1x1x1x1x16xf32>,
          %get3A_537 = arith.constant 1 : i32
          %get3A_538 = arith.index_cast %get3A_537 : i32 to index
          %get3A_539 = arith.index_cast %scan3A_311 : i32 to index
          %get3A_540 = arith.index_cast %select_n3A : i32 to index
          %get3A_541 = arith.index_cast %select_n3A_369 : i32 to index
          %get3A_542 = arith.constant 96 : index
          %get3A_543 = tpu.vector_load %arg11[%get3A_538, %get3A_539, %get3A_540, %get3A_541, %get3A_542] {strides = array<i32>} : memref<2x2x4x4x512xf32, #tpu.memory_space<vmem>>, vector<1x1x1x1x16xf32>,
          %get3A_544 = vector.shape_cast %get3A_543 : vector<1x1x1x1x16xf32> to vector<16xf32>
          %mul3A_545 = arith.mulf %broadcast_in_dim3A, %get3A_544 : vector<16xf32>
          %get3A_546 = arith.constant 1 : i32
          %get3A_547 = arith.index_cast %get3A_546 : i32 to index
          %get3A_548 = arith.index_cast %scan3A_311 : i32 to index
          %get3A_549 = arith.index_cast %select_n3A : i32 to index
          %get3A_550 = arith.index_cast %select_n3A_369 : i32 to index
          %get3A_551 = arith.constant 96 : index
          %get3A_552 = tpu.vector_load %arg12[%get3A_547, %get3A_548, %get3A_549, %get3A_550, %get3A_551] {strides = array<i32>} : memref<2x2x4x4x512xf32, #tpu.memory_space<vmem>>, vector<1x1x1x1x16xf32>,
          %get3A_553 = vector.shape_cast %get3A_552 : vector<1x1x1x1x16xf32> to vector<16xf32>
          %mul3A_554 = arith.mulf %broadcast_in_dim3A_328, %get3A_553 : vector<16xf32>
          %add3A_555 = arith.addf %mul3A_545, %mul3A_554 : vector<16xf32>
          %swap3A_556 = arith.constant 1 : i32
          %swap3A_557 = arith.index_cast %swap3A_556 : i32 to index
          %swap3A_558 = arith.index_cast %scan3A_311 : i32 to index
          %swap3A_559 = arith.index_cast %select_n3A : i32 to index
          %swap3A_560 = arith.index_cast %select_n3A_369 : i32 to index
          %swap3A_561 = arith.constant 96 : index
          %swap3A_562 = tpu.vector_load %arg11[%swap3A_557, %swap3A_558, %swap3A_559, %swap3A_560, %swap3A_561] {strides = array<i32>} : memref<2x2x4x4x512xf32, #tpu.memory_space<vmem>>, vector<1x1x1x1x16xf32>,
          %swap3A_563 = vector.shape_cast %swap3A_562 : vector<1x1x1x1x16xf32> to vector<16xf32>
          %swap3A_564 = vector.shape_cast %add3A_555 : vector<16xf32> to vector<1x1x1x1x16xf32>
          tpu.vector_store %arg11[%swap3A_557, %swap3A_558, %swap3A_559, %swap3A_560, %swap3A_561], %swap3A_564 {strides = array<i32>} : memref<2x2x4x4x512xf32, #tpu.memory_space<vmem>>, vector<1x1x1x1x16xf32>,
          %get3A_565 = arith.constant 1 : i32
          %get3A_566 = arith.index_cast %get3A_565 : i32 to index
          %get3A_567 = arith.index_cast %scan3A_311 : i32 to index
          %get3A_568 = arith.index_cast %select_n3A : i32 to index
          %get3A_569 = arith.index_cast %select_n3A_369 : i32 to index
          %get3A_570 = arith.constant 112 : index
          %get3A_571 = tpu.vector_load %arg11[%get3A_566, %get3A_567, %get3A_568, %get3A_569, %get3A_570] {strides = array<i32>} : memref<2x2x4x4x512xf32, #tpu.memory_space<vmem>>, vector<1x1x1x1x16xf32>,
          %get3A_572 = vector.shape_cast %get3A_571 : vector<1x1x1x1x16xf32> to vector<16xf32>
          %mul3A_573 = arith.mulf %broadcast_in_dim3A, %get3A_572 : vector<16xf32>
          %get3A_574 = arith.constant 1 : i32
          %get3A_575 = arith.index_cast %get3A_574 : i32 to index
          %get3A_576 = arith.index_cast %scan3A_311 : i32 to index
          %get3A_577 = arith.index_cast %select_n3A : i32 to index
          %get3A_578 = arith.index_cast %select_n3A_369 : i32 to index
          %get3A_579 = arith.constant 112 : index
          %get3A_580 = tpu.vector_load %arg12[%get3A_575, %get3A_576, %get3A_577, %get3A_578, %get3A_579] {strides = array<i32>} : memref<2x2x4x4x512xf32, #tpu.memory_space<vmem>>, vector<1x1x1x1x16xf32>,
          %get3A_581 = vector.shape_cast %get3A_580 : vector<1x1x1x1x16xf32> to vector<16xf32>
          %mul3A_582 = arith.mulf %broadcast_in_dim3A_328, %get3A_581 : vector<16xf32>
          %add3A_583 = arith.addf %mul3A_573, %mul3A_582 : vector<16xf32>
          %swap3A_584 = arith.constant 1 : i32
          %swap3A_585 = arith.index_cast %swap3A_584 : i32 to index
          %swap3A_586 = arith.index_cast %scan3A_311 : i32 to index
          %swap3A_587 = arith.index_cast %select_n3A : i32 to index
          %swap3A_588 = arith.index_cast %select_n3A_369 : i32 to index
          %swap3A_589 = arith.constant 112 : index
          %swap3A_590 = tpu.vector_load %arg11[%swap3A_585, %swap3A_586, %swap3A_587, %swap3A_588, %swap3A_589] {strides = array<i32>} : memref<2x2x4x4x512xf32, #tpu.memory_space<vmem>>, vector<1x1x1x1x16xf32>,
          %swap3A_591 = vector.shape_cast %swap3A_590 : vector<1x1x1x1x16xf32> to vector<16xf32>
          %swap3A_592 = vector.shape_cast %add3A_583 : vector<16xf32> to vector<1x1x1x1x16xf32>
          tpu.vector_store %arg11[%swap3A_585, %swap3A_586, %swap3A_587, %swap3A_588, %swap3A_589], %swap3A_592 {strides = array<i32>} : memref<2x2x4x4x512xf32, #tpu.memory_space<vmem>>, vector<1x1x1x1x16xf32>,
          %get3A_593 = arith.constant 1 : i32
          %get3A_594 = arith.index_cast %get3A_593 : i32 to index
          %get3A_595 = arith.index_cast %scan3A_311 : i32 to index
          %get3A_596 = arith.index_cast %select_n3A : i32 to index
          %get3A_597 = arith.index_cast %select_n3A_369 : i32 to index
          %get3A_598 = arith.constant 128 : index
          %get3A_599 = tpu.vector_load %arg11[%get3A_594, %get3A_595, %get3A_596, %get3A_597, %get3A_598] {strides = array<i32>} : memref<2x2x4x4x512xf32, #tpu.memory_space<vmem>>, vector<1x1x1x1x16xf32>,
          %get3A_600 = vector.shape_cast %get3A_599 : vector<1x1x1x1x16xf32> to vector<16xf32>
          %mul3A_601 = arith.mulf %broadcast_in_dim3A, %get3A_600 : vector<16xf32>
          %get3A_602 = arith.constant 1 : i32
          %get3A_603 = arith.index_cast %get3A_602 : i32 to index
          %get3A_604 = arith.index_cast %scan3A_311 : i32 to index
          %get3A_605 = arith.index_cast %select_n3A : i32 to index
          %get3A_606 = arith.index_cast %select_n3A_369 : i32 to index
          %get3A_607 = arith.constant 128 : index
          %get3A_608 = tpu.vector_load %arg12[%get3A_603, %get3A_604, %get3A_605, %get3A_606, %get3A_607] {strides = array<i32>} : memref<2x2x4x4x512xf32, #tpu.memory_space<vmem>>, vector<1x1x1x1x16xf32>,
          %get3A_609 = vector.shape_cast %get3A_608 : vector<1x1x1x1x16xf32> to vector<16xf32>
          %mul3A_610 = arith.mulf %broadcast_in_dim3A_328, %get3A_609 : vector<16xf32>
          %add3A_611 = arith.addf %mul3A_601, %mul3A_610 : vector<16xf32>
          %swap3A_612 = arith.constant 1 : i32
          %swap3A_613 = arith.index_cast %swap3A_612 : i32 to index
          %swap3A_614 = arith.index_cast %scan3A_311 : i32 to index
          %swap3A_615 = arith.index_cast %select_n3A : i32 to index
          %swap3A_616 = arith.index_cast %select_n3A_369 : i32 to index
          %swap3A_617 = arith.constant 128 : index
          %swap3A_618 = tpu.vector_load %arg11[%swap3A_613, %swap3A_614, %swap3A_615, %swap3A_616, %swap3A_617] {strides = array<i32>} : memref<2x2x4x4x512xf32, #tpu.memory_space<vmem>>, vector<1x1x1x1x16xf32>,
          %swap3A_619 = vector.shape_cast %swap3A_618 : vector<1x1x1x1x16xf32> to vector<16xf32>
          %swap3A_620 = vector.shape_cast %add3A_611 : vector<16xf32> to vector<1x1x1x1x16xf32>
          tpu.vector_store %arg11[%swap3A_613, %swap3A_614, %swap3A_615, %swap3A_616, %swap3A_617], %swap3A_620 {strides = array<i32>} : memref<2x2x4x4x512xf32, #tpu.memory_space<vmem>>, vector<1x1x1x1x16xf32>,
          %get3A_621 = arith.constant 1 : i32
          %get3A_622 = arith.index_cast %get3A_621 : i32 to index
          %get3A_623 = arith.index_cast %scan3A_311 : i32 to index
          %get3A_624 = arith.index_cast %select_n3A : i32 to index
          %get3A_625 = arith.index_cast %select_n3A_369 : i32 to index
          %get3A_626 = arith.constant 144 : index
          %get3A_627 = tpu.vector_load %arg11[%get3A_622, %get3A_623, %get3A_624, %get3A_625, %get3A_626] {strides = array<i32>} : memref<2x2x4x4x512xf32, #tpu.memory_space<vmem>>, vector<1x1x1x1x16xf32>,
          %get3A_628 = vector.shape_cast %get3A_627 : vector<1x1x1x1x16xf32> to vector<16xf32>
          %mul3A_629 = arith.mulf %broadcast_in_dim3A, %get3A_628 : vector<16xf32>
          %get3A_630 = arith.constant 1 : i32
          %get3A_631 = arith.index_cast %get3A_630 : i32 to index
          %get3A_632 = arith.index_cast %scan3A_311 : i32 to index
          %get3A_633 = arith.index_cast %select_n3A : i32 to index
          %get3A_634 = arith.index_cast %select_n3A_369 : i32 to index
          %get3A_635 = arith.constant 144 : index
          %get3A_636 = tpu.vector_load %arg12[%get3A_631, %get3A_632, %get3A_633, %get3A_634, %get3A_635] {strides = array<i32>} : memref<2x2x4x4x512xf32, #tpu.memory_space<vmem>>, vector<1x1x1x1x16xf32>,
          %get3A_637 = vector.shape_cast %get3A_636 : vector<1x1x1x1x16xf32> to vector<16xf32>
          %mul3A_638 = arith.mulf %broadcast_in_dim3A_328, %get3A_637 : vector<16xf32>
          %add3A_639 = arith.addf %mul3A_629, %mul3A_638 : vector<16xf32>
          %swap3A_640 = arith.constant 1 : i32
          %swap3A_641 = arith.index_cast %swap3A_640 : i32 to index
          %swap3A_642 = arith.index_cast %scan3A_311 : i32 to index
          %swap3A_643 = arith.index_cast %select_n3A : i32 to index
          %swap3A_644 = arith.index_cast %select_n3A_369 : i32 to index
          %swap3A_645 = arith.constant 144 : index
          %swap3A_646 = tpu.vector_load %arg11[%swap3A_641, %swap3A_642, %swap3A_643, %swap3A_644, %swap3A_645] {strides = array<i32>} : memref<2x2x4x4x512xf32, #tpu.memory_space<vmem>>, vector<1x1x1x1x16xf32>,
          %swap3A_647 = vector.shape_cast %swap3A_646 : vector<1x1x1x1x16xf32> to vector<16xf32>
          %swap3A_648 = vector.shape_cast %add3A_639 : vector<16xf32> to vector<1x1x1x1x16xf32>
          tpu.vector_store %arg11[%swap3A_641, %swap3A_642, %swap3A_643, %swap3A_644, %swap3A_645], %swap3A_648 {strides = array<i32>} : memref<2x2x4x4x512xf32, #tpu.memory_space<vmem>>, vector<1x1x1x1x16xf32>,
          %get3A_649 = arith.constant 1 : i32
          %get3A_650 = arith.index_cast %get3A_649 : i32 to index
          %get3A_651 = arith.index_cast %scan3A_311 : i32 to index
          %get3A_652 = arith.index_cast %select_n3A : i32 to index
          %get3A_653 = arith.index_cast %select_n3A_369 : i32 to index
          %get3A_654 = arith.constant 160 : index
          %get3A_655 = tpu.vector_load %arg11[%get3A_650, %get3A_651, %get3A_652, %get3A_653, %get3A_654] {strides = array<i32>} : memref<2x2x4x4x512xf32, #tpu.memory_space<vmem>>, vector<1x1x1x1x16xf32>,
          %get3A_656 = vector.shape_cast %get3A_655 : vector<1x1x1x1x16xf32> to vector<16xf32>
          %mul3A_657 = arith.mulf %broadcast_in_dim3A, %get3A_656 : vector<16xf32>
          %get3A_658 = arith.constant 1 : i32
          %get3A_659 = arith.index_cast %get3A_658 : i32 to index
          %get3A_660 = arith.index_cast %scan3A_311 : i32 to index
          %get3A_661 = arith.index_cast %select_n3A : i32 to index
          %get3A_662 = arith.index_cast %select_n3A_369 : i32 to index
          %get3A_663 = arith.constant 160 : index
          %get3A_664 = tpu.vector_load %arg12[%get3A_659, %get3A_660, %get3A_661, %get3A_662, %get3A_663] {strides = array<i32>} : memref<2x2x4x4x512xf32, #tpu.memory_space<vmem>>, vector<1x1x1x1x16xf32>,
          %get3A_665 = vector.shape_cast %get3A_664 : vector<1x1x1x1x16xf32> to vector<16xf32>
          %mul3A_666 = arith.mulf %broadcast_in_dim3A_328, %get3A_665 : vector<16xf32>
          %add3A_667 = arith.addf %mul3A_657, %mul3A_666 : vector<16xf32>
          %swap3A_668 = arith.constant 1 : i32
          %swap3A_669 = arith.index_cast %swap3A_668 : i32 to index
          %swap3A_670 = arith.index_cast %scan3A_311 : i32 to index
          %swap3A_671 = arith.index_cast %select_n3A : i32 to index
          %swap3A_672 = arith.index_cast %select_n3A_369 : i32 to index
          %swap3A_673 = arith.constant 160 : index
          %swap3A_674 = tpu.vector_load %arg11[%swap3A_669, %swap3A_670, %swap3A_671, %swap3A_672, %swap3A_673] {strides = array<i32>} : memref<2x2x4x4x512xf32, #tpu.memory_space<vmem>>, vector<1x1x1x1x16xf32>,
          %swap3A_675 = vector.shape_cast %swap3A_674 : vector<1x1x1x1x16xf32> to vector<16xf32>
          %swap3A_676 = vector.shape_cast %add3A_667 : vector<16xf32> to vector<1x1x1x1x16xf32>
          tpu.vector_store %arg11[%swap3A_669, %swap3A_670, %swap3A_671, %swap3A_672, %swap3A_673], %swap3A_676 {strides = array<i32>} : memref<2x2x4x4x512xf32, #tpu.memory_space<vmem>>, vector<1x1x1x1x16xf32>,
          %get3A_677 = arith.constant 1 : i32
          %get3A_678 = arith.index_cast %get3A_677 : i32 to index
          %get3A_679 = arith.index_cast %scan3A_311 : i32 to index
          %get3A_680 = arith.index_cast %select_n3A : i32 to index
          %get3A_681 = arith.index_cast %select_n3A_369 : i32 to index
          %get3A_682 = arith.constant 176 : index
          %get3A_683 = tpu.vector_load %arg11[%get3A_678, %get3A_679, %get3A_680, %get3A_681, %get3A_682] {strides = array<i32>} : memref<2x2x4x4x512xf32, #tpu.memory_space<vmem>>, vector<1x1x1x1x16xf32>,
          %get3A_684 = vector.shape_cast %get3A_683 : vector<1x1x1x1x16xf32> to vector<16xf32>
          %mul3A_685 = arith.mulf %broadcast_in_dim3A, %get3A_684 : vector<16xf32>
          %get3A_686 = arith.constant 1 : i32
          %get3A_687 = arith.index_cast %get3A_686 : i32 to index
          %get3A_688 = arith.index_cast %scan3A_311 : i32 to index
          %get3A_689 = arith.index_cast %select_n3A : i32 to index
          %get3A_690 = arith.index_cast %select_n3A_369 : i32 to index
          %get3A_691 = arith.constant 176 : index
          %get3A_692 = tpu.vector_load %arg12[%get3A_687, %get3A_688, %get3A_689, %get3A_690, %get3A_691] {strides = array<i32>} : memref<2x2x4x4x512xf32, #tpu.memory_space<vmem>>, vector<1x1x1x1x16xf32>,
          %get3A_693 = vector.shape_cast %get3A_692 : vector<1x1x1x1x16xf32> to vector<16xf32>
          %mul3A_694 = arith.mulf %broadcast_in_dim3A_328, %get3A_693 : vector<16xf32>
          %add3A_695 = arith.addf %mul3A_685, %mul3A_694 : vector<16xf32>
          %swap3A_696 = arith.constant 1 : i32
          %swap3A_697 = arith.index_cast %swap3A_696 : i32 to index
          %swap3A_698 = arith.index_cast %scan3A_311 : i32 to index
          %swap3A_699 = arith.index_cast %select_n3A : i32 to index
          %swap3A_700 = arith.index_cast %select_n3A_369 : i32 to index
          %swap3A_701 = arith.constant 176 : index
          %swap3A_702 = tpu.vector_load %arg11[%swap3A_697, %swap3A_698, %swap3A_699, %swap3A_700, %swap3A_701] {strides = array<i32>} : memref<2x2x4x4x512xf32, #tpu.memory_space<vmem>>, vector<1x1x1x1x16xf32>,
          %swap3A_703 = vector.shape_cast %swap3A_702 : vector<1x1x1x1x16xf32> to vector<16xf32>
          %swap3A_704 = vector.shape_cast %add3A_695 : vector<16xf32> to vector<1x1x1x1x16xf32>
          tpu.vector_store %arg11[%swap3A_697, %swap3A_698, %swap3A_699, %swap3A_700, %swap3A_701], %swap3A_704 {strides = array<i32>} : memref<2x2x4x4x512xf32, #tpu.memory_space<vmem>>, vector<1x1x1x1x16xf32>,
          %get3A_705 = arith.constant 1 : i32
          %get3A_706 = arith.index_cast %get3A_705 : i32 to index
          %get3A_707 = arith.index_cast %scan3A_311 : i32 to index
          %get3A_708 = arith.index_cast %select_n3A : i32 to index
          %get3A_709 = arith.index_cast %select_n3A_369 : i32 to index
          %get3A_710 = arith.constant 192 : index
          %get3A_711 = tpu.vector_load %arg11[%get3A_706, %get3A_707, %get3A_708, %get3A_709, %get3A_710] {strides = array<i32>} : memref<2x2x4x4x512xf32, #tpu.memory_space<vmem>>, vector<1x1x1x1x16xf32>,
          %get3A_712 = vector.shape_cast %get3A_711 : vector<1x1x1x1x16xf32> to vector<16xf32>
          %mul3A_713 = arith.mulf %broadcast_in_dim3A, %get3A_712 : vector<16xf32>
          %get3A_714 = arith.constant 1 : i32
          %get3A_715 = arith.index_cast %get3A_714 : i32 to index
          %get3A_716 = arith.index_cast %scan3A_311 : i32 to index
          %get3A_717 = arith.index_cast %select_n3A : i32 to index
          %get3A_718 = arith.index_cast %select_n3A_369 : i32 to index
          %get3A_719 = arith.constant 192 : index
          %get3A_720 = tpu.vector_load %arg12[%get3A_715, %get3A_716, %get3A_717, %get3A_718, %get3A_719] {strides = array<i32>} : memref<2x2x4x4x512xf32, #tpu.memory_space<vmem>>, vector<1x1x1x1x16xf32>,
          %get3A_721 = vector.shape_cast %get3A_720 : vector<1x1x1x1x16xf32> to vector<16xf32>
          %mul3A_722 = arith.mulf %broadcast_in_dim3A_328, %get3A_721 : vector<16xf32>
          %add3A_723 = arith.addf %mul3A_713, %mul3A_722 : vector<16xf32>
          %swap3A_724 = arith.constant 1 : i32
          %swap3A_725 = arith.index_cast %swap3A_724 : i32 to index
          %swap3A_726 = arith.index_cast %scan3A_311 : i32 to index
          %swap3A_727 = arith.index_cast %select_n3A : i32 to index
          %swap3A_728 = arith.index_cast %select_n3A_369 : i32 to index
          %swap3A_729 = arith.constant 192 : index
          %swap3A_730 = tpu.vector_load %arg11[%swap3A_725, %swap3A_726, %swap3A_727, %swap3A_728, %swap3A_729] {strides = array<i32>} : memref<2x2x4x4x512xf32, #tpu.memory_space<vmem>>, vector<1x1x1x1x16xf32>,
          %swap3A_731 = vector.shape_cast %swap3A_730 : vector<1x1x1x1x16xf32> to vector<16xf32>
          %swap3A_732 = vector.shape_cast %add3A_723 : vector<16xf32> to vector<1x1x1x1x16xf32>
          tpu.vector_store %arg11[%swap3A_725, %swap3A_726, %swap3A_727, %swap3A_728, %swap3A_729], %swap3A_732 {strides = array<i32>} : memref<2x2x4x4x512xf32, #tpu.memory_space<vmem>>, vector<1x1x1x1x16xf32>,
          %get3A_733 = arith.constant 1 : i32
          %get3A_734 = arith.index_cast %get3A_733 : i32 to index
          %get3A_735 = arith.index_cast %scan3A_311 : i32 to index
          %get3A_736 = arith.index_cast %select_n3A : i32 to index
          %get3A_737 = arith.index_cast %select_n3A_369 : i32 to index
          %get3A_738 = arith.constant 208 : index
          %get3A_739 = tpu.vector_load %arg11[%get3A_734, %get3A_735, %get3A_736, %get3A_737, %get3A_738] {strides = array<i32>} : memref<2x2x4x4x512xf32, #tpu.memory_space<vmem>>, vector<1x1x1x1x16xf32>,
          %get3A_740 = vector.shape_cast %get3A_739 : vector<1x1x1x1x16xf32> to vector<16xf32>
          %mul3A_741 = arith.mulf %broadcast_in_dim3A, %get3A_740 : vector<16xf32>
          %get3A_742 = arith.constant 1 : i32
          %get3A_743 = arith.index_cast %get3A_742 : i32 to index
          %get3A_744 = arith.index_cast %scan3A_311 : i32 to index
          %get3A_745 = arith.index_cast %select_n3A : i32 to index
          %get3A_746 = arith.index_cast %select_n3A_369 : i32 to index
          %get3A_747 = arith.constant 208 : index
          %get3A_748 = tpu.vector_load %arg12[%get3A_743, %get3A_744, %get3A_745, %get3A_746, %get3A_747] {strides = array<i32>} : memref<2x2x4x4x512xf32, #tpu.memory_space<vmem>>, vector<1x1x1x1x16xf32>,
          %get3A_749 = vector.shape_cast %get3A_748 : vector<1x1x1x1x16xf32> to vector<16xf32>
          %mul3A_750 = arith.mulf %broadcast_in_dim3A_328, %get3A_749 : vector<16xf32>
          %add3A_751 = arith.addf %mul3A_741, %mul3A_750 : vector<16xf32>
          %swap3A_752 = arith.constant 1 : i32
          %swap3A_753 = arith.index_cast %swap3A_752 : i32 to index
          %swap3A_754 = arith.index_cast %scan3A_311 : i32 to index
          %swap3A_755 = arith.index_cast %select_n3A : i32 to index
          %swap3A_756 = arith.index_cast %select_n3A_369 : i32 to index
          %swap3A_757 = arith.constant 208 : index
          %swap3A_758 = tpu.vector_load %arg11[%swap3A_753, %swap3A_754, %swap3A_755, %swap3A_756, %swap3A_757] {strides = array<i32>} : memref<2x2x4x4x512xf32, #tpu.memory_space<vmem>>, vector<1x1x1x1x16xf32>,
          %swap3A_759 = vector.shape_cast %swap3A_758 : vector<1x1x1x1x16xf32> to vector<16xf32>
          %swap3A_760 = vector.shape_cast %add3A_751 : vector<16xf32> to vector<1x1x1x1x16xf32>
          tpu.vector_store %arg11[%swap3A_753, %swap3A_754, %swap3A_755, %swap3A_756, %swap3A_757], %swap3A_760 {strides = array<i32>} : memref<2x2x4x4x512xf32, #tpu.memory_space<vmem>>, vector<1x1x1x1x16xf32>,
          %get3A_761 = arith.constant 1 : i32
          %get3A_762 = arith.index_cast %get3A_761 : i32 to index
          %get3A_763 = arith.index_cast %scan3A_311 : i32 to index
          %get3A_764 = arith.index_cast %select_n3A : i32 to index
          %get3A_765 = arith.index_cast %select_n3A_369 : i32 to index
          %get3A_766 = arith.constant 224 : index
          %get3A_767 = tpu.vector_load %arg11[%get3A_762, %get3A_763, %get3A_764, %get3A_765, %get3A_766] {strides = array<i32>} : memref<2x2x4x4x512xf32, #tpu.memory_space<vmem>>, vector<1x1x1x1x16xf32>,
          %get3A_768 = vector.shape_cast %get3A_767 : vector<1x1x1x1x16xf32> to vector<16xf32>
          %mul3A_769 = arith.mulf %broadcast_in_dim3A, %get3A_768 : vector<16xf32>
          %get3A_770 = arith.constant 1 : i32
          %get3A_771 = arith.index_cast %get3A_770 : i32 to index
          %get3A_772 = arith.index_cast %scan3A_311 : i32 to index
          %get3A_773 = arith.index_cast %select_n3A : i32 to index
          %get3A_774 = arith.index_cast %select_n3A_369 : i32 to index
          %get3A_775 = arith.constant 224 : index
          %get3A_776 = tpu.vector_load %arg12[%get3A_771, %get3A_772, %get3A_773, %get3A_774, %get3A_775] {strides = array<i32>} : memref<2x2x4x4x512xf32, #tpu.memory_space<vmem>>, vector<1x1x1x1x16xf32>,
          %get3A_777 = vector.shape_cast %get3A_776 : vector<1x1x1x1x16xf32> to vector<16xf32>
          %mul3A_778 = arith.mulf %broadcast_in_dim3A_328, %get3A_777 : vector<16xf32>
          %add3A_779 = arith.addf %mul3A_769, %mul3A_778 : vector<16xf32>
          %swap3A_780 = arith.constant 1 : i32
          %swap3A_781 = arith.index_cast %swap3A_780 : i32 to index
          %swap3A_782 = arith.index_cast %scan3A_311 : i32 to index
          %swap3A_783 = arith.index_cast %select_n3A : i32 to index
          %swap3A_784 = arith.index_cast %select_n3A_369 : i32 to index
          %swap3A_785 = arith.constant 224 : index
          %swap3A_786 = tpu.vector_load %arg11[%swap3A_781, %swap3A_782, %swap3A_783, %swap3A_784, %swap3A_785] {strides = array<i32>} : memref<2x2x4x4x512xf32, #tpu.memory_space<vmem>>, vector<1x1x1x1x16xf32>,
          %swap3A_787 = vector.shape_cast %swap3A_786 : vector<1x1x1x1x16xf32> to vector<16xf32>
          %swap3A_788 = vector.shape_cast %add3A_779 : vector<16xf32> to vector<1x1x1x1x16xf32>
          tpu.vector_store %arg11[%swap3A_781, %swap3A_782, %swap3A_783, %swap3A_784, %swap3A_785], %swap3A_788 {strides = array<i32>} : memref<2x2x4x4x512xf32, #tpu.memory_space<vmem>>, vector<1x1x1x1x16xf32>,
          %get3A_789 = arith.constant 1 : i32
          %get3A_790 = arith.index_cast %get3A_789 : i32 to index
          %get3A_791 = arith.index_cast %scan3A_311 : i32 to index
          %get3A_792 = arith.index_cast %select_n3A : i32 to index
          %get3A_793 = arith.index_cast %select_n3A_369 : i32 to index
          %get3A_794 = arith.constant 240 : index
          %get3A_795 = tpu.vector_load %arg11[%get3A_790, %get3A_791, %get3A_792, %get3A_793, %get3A_794] {strides = array<i32>} : memref<2x2x4x4x512xf32, #tpu.memory_space<vmem>>, vector<1x1x1x1x16xf32>,
          %get3A_796 = vector.shape_cast %get3A_795 : vector<1x1x1x1x16xf32> to vector<16xf32>
          %mul3A_797 = arith.mulf %broadcast_in_dim3A, %get3A_796 : vector<16xf32>
          %get3A_798 = arith.constant 1 : i32
          %get3A_799 = arith.index_cast %get3A_798 : i32 to index
          %get3A_800 = arith.index_cast %scan3A_311 : i32 to index
          %get3A_801 = arith.index_cast %select_n3A : i32 to index
          %get3A_802 = arith.index_cast %select_n3A_369 : i32 to index
          %get3A_803 = arith.constant 240 : index
          %get3A_804 = tpu.vector_load %arg12[%get3A_799, %get3A_800, %get3A_801, %get3A_802, %get3A_803] {strides = array<i32>} : memref<2x2x4x4x512xf32, #tpu.memory_space<vmem>>, vector<1x1x1x1x16xf32>,
          %get3A_805 = vector.shape_cast %get3A_804 : vector<1x1x1x1x16xf32> to vector<16xf32>
          %mul3A_806 = arith.mulf %broadcast_in_dim3A_328, %get3A_805 : vector<16xf32>
          %add3A_807 = arith.addf %mul3A_797, %mul3A_806 : vector<16xf32>
          %swap3A_808 = arith.constant 1 : i32
          %swap3A_809 = arith.index_cast %swap3A_808 : i32 to index
          %swap3A_810 = arith.index_cast %scan3A_311 : i32 to index
          %swap3A_811 = arith.index_cast %select_n3A : i32 to index
          %swap3A_812 = arith.index_cast %select_n3A_369 : i32 to index
          %swap3A_813 = arith.constant 240 : index
          %swap3A_814 = tpu.vector_load %arg11[%swap3A_809, %swap3A_810, %swap3A_811, %swap3A_812, %swap3A_813] {strides = array<i32>} : memref<2x2x4x4x512xf32, #tpu.memory_space<vmem>>, vector<1x1x1x1x16xf32>,
          %swap3A_815 = vector.shape_cast %swap3A_814 : vector<1x1x1x1x16xf32> to vector<16xf32>
          %swap3A_816 = vector.shape_cast %add3A_807 : vector<16xf32> to vector<1x1x1x1x16xf32>
          tpu.vector_store %arg11[%swap3A_809, %swap3A_810, %swap3A_811, %swap3A_812, %swap3A_813], %swap3A_816 {strides = array<i32>} : memref<2x2x4x4x512xf32, #tpu.memory_space<vmem>>, vector<1x1x1x1x16xf32>,
          %get3A_817 = arith.constant 1 : i32
          %get3A_818 = arith.index_cast %get3A_817 : i32 to index
          %get3A_819 = arith.index_cast %scan3A_311 : i32 to index
          %get3A_820 = arith.index_cast %select_n3A : i32 to index
          %get3A_821 = arith.index_cast %select_n3A_369 : i32 to index
          %get3A_822 = arith.constant 256 : index
          %get3A_823 = tpu.vector_load %arg11[%get3A_818, %get3A_819, %get3A_820, %get3A_821, %get3A_822] {strides = array<i32>} : memref<2x2x4x4x512xf32, #tpu.memory_space<vmem>>, vector<1x1x1x1x16xf32>,
          %get3A_824 = vector.shape_cast %get3A_823 : vector<1x1x1x1x16xf32> to vector<16xf32>
          %mul3A_825 = arith.mulf %broadcast_in_dim3A, %get3A_824 : vector<16xf32>
          %get3A_826 = arith.constant 1 : i32
          %get3A_827 = arith.index_cast %get3A_826 : i32 to index
          %get3A_828 = arith.index_cast %scan3A_311 : i32 to index
          %get3A_829 = arith.index_cast %select_n3A : i32 to index
          %get3A_830 = arith.index_cast %select_n3A_369 : i32 to index
          %get3A_831 = arith.constant 256 : index
          %get3A_832 = tpu.vector_load %arg12[%get3A_827, %get3A_828, %get3A_829, %get3A_830, %get3A_831] {strides = array<i32>} : memref<2x2x4x4x512xf32, #tpu.memory_space<vmem>>, vector<1x1x1x1x16xf32>,
          %get3A_833 = vector.shape_cast %get3A_832 : vector<1x1x1x1x16xf32> to vector<16xf32>
          %mul3A_834 = arith.mulf %broadcast_in_dim3A_328, %get3A_833 : vector<16xf32>
          %add3A_835 = arith.addf %mul3A_825, %mul3A_834 : vector<16xf32>
          %swap3A_836 = arith.constant 1 : i32
          %swap3A_837 = arith.index_cast %swap3A_836 : i32 to index
          %swap3A_838 = arith.index_cast %scan3A_311 : i32 to index
          %swap3A_839 = arith.index_cast %select_n3A : i32 to index
          %swap3A_840 = arith.index_cast %select_n3A_369 : i32 to index
          %swap3A_841 = arith.constant 256 : index
          %swap3A_842 = tpu.vector_load %arg11[%swap3A_837, %swap3A_838, %swap3A_839, %swap3A_840, %swap3A_841] {strides = array<i32>} : memref<2x2x4x4x512xf32, #tpu.memory_space<vmem>>, vector<1x1x1x1x16xf32>,
          %swap3A_843 = vector.shape_cast %swap3A_842 : vector<1x1x1x1x16xf32> to vector<16xf32>
          %swap3A_844 = vector.shape_cast %add3A_835 : vector<16xf32> to vector<1x1x1x1x16xf32>
          tpu.vector_store %arg11[%swap3A_837, %swap3A_838, %swap3A_839, %swap3A_840, %swap3A_841], %swap3A_844 {strides = array<i32>} : memref<2x2x4x4x512xf32, #tpu.memory_space<vmem>>, vector<1x1x1x1x16xf32>,
          %get3A_845 = arith.constant 1 : i32
          %get3A_846 = arith.index_cast %get3A_845 : i32 to index
          %get3A_847 = arith.index_cast %scan3A_311 : i32 to index
          %get3A_848 = arith.index_cast %select_n3A : i32 to index
          %get3A_849 = arith.index_cast %select_n3A_369 : i32 to index
          %get3A_850 = arith.constant 272 : index
          %get3A_851 = tpu.vector_load %arg11[%get3A_846, %get3A_847, %get3A_848, %get3A_849, %get3A_850] {strides = array<i32>} : memref<2x2x4x4x512xf32, #tpu.memory_space<vmem>>, vector<1x1x1x1x16xf32>,
          %get3A_852 = vector.shape_cast %get3A_851 : vector<1x1x1x1x16xf32> to vector<16xf32>
          %mul3A_853 = arith.mulf %broadcast_in_dim3A, %get3A_852 : vector<16xf32>
          %get3A_854 = arith.constant 1 : i32
          %get3A_855 = arith.index_cast %get3A_854 : i32 to index
          %get3A_856 = arith.index_cast %scan3A_311 : i32 to index
          %get3A_857 = arith.index_cast %select_n3A : i32 to index
          %get3A_858 = arith.index_cast %select_n3A_369 : i32 to index
          %get3A_859 = arith.constant 272 : index
          %get3A_860 = tpu.vector_load %arg12[%get3A_855, %get3A_856, %get3A_857, %get3A_858, %get3A_859] {strides = array<i32>} : memref<2x2x4x4x512xf32, #tpu.memory_space<vmem>>, vector<1x1x1x1x16xf32>,
          %get3A_861 = vector.shape_cast %get3A_860 : vector<1x1x1x1x16xf32> to vector<16xf32>
          %mul3A_862 = arith.mulf %broadcast_in_dim3A_328, %get3A_861 : vector<16xf32>
          %add3A_863 = arith.addf %mul3A_853, %mul3A_862 : vector<16xf32>
          %swap3A_864 = arith.constant 1 : i32
          %swap3A_865 = arith.index_cast %swap3A_864 : i32 to index
          %swap3A_866 = arith.index_cast %scan3A_311 : i32 to index
          %swap3A_867 = arith.index_cast %select_n3A : i32 to index
          %swap3A_868 = arith.index_cast %select_n3A_369 : i32 to index
          %swap3A_869 = arith.constant 272 : index
          %swap3A_870 = tpu.vector_load %arg11[%swap3A_865, %swap3A_866, %swap3A_867, %swap3A_868, %swap3A_869] {strides = array<i32>} : memref<2x2x4x4x512xf32, #tpu.memory_space<vmem>>, vector<1x1x1x1x16xf32>,
          %swap3A_871 = vector.shape_cast %swap3A_870 : vector<1x1x1x1x16xf32> to vector<16xf32>
          %swap3A_872 = vector.shape_cast %add3A_863 : vector<16xf32> to vector<1x1x1x1x16xf32>
          tpu.vector_store %arg11[%swap3A_865, %swap3A_866, %swap3A_867, %swap3A_868, %swap3A_869], %swap3A_872 {strides = array<i32>} : memref<2x2x4x4x512xf32, #tpu.memory_space<vmem>>, vector<1x1x1x1x16xf32>,
          %get3A_873 = arith.constant 1 : i32
          %get3A_874 = arith.index_cast %get3A_873 : i32 to index
          %get3A_875 = arith.index_cast %scan3A_311 : i32 to index
          %get3A_876 = arith.index_cast %select_n3A : i32 to index
          %get3A_877 = arith.index_cast %select_n3A_369 : i32 to index
          %get3A_878 = arith.constant 288 : index
          %get3A_879 = tpu.vector_load %arg11[%get3A_874, %get3A_875, %get3A_876, %get3A_877, %get3A_878] {strides = array<i32>} : memref<2x2x4x4x512xf32, #tpu.memory_space<vmem>>, vector<1x1x1x1x16xf32>,
          %get3A_880 = vector.shape_cast %get3A_879 : vector<1x1x1x1x16xf32> to vector<16xf32>
          %mul3A_881 = arith.mulf %broadcast_in_dim3A, %get3A_880 : vector<16xf32>
          %get3A_882 = arith.constant 1 : i32
          %get3A_883 = arith.index_cast %get3A_882 : i32 to index
          %get3A_884 = arith.index_cast %scan3A_311 : i32 to index
          %get3A_885 = arith.index_cast %select_n3A : i32 to index
          %get3A_886 = arith.index_cast %select_n3A_369 : i32 to index
          %get3A_887 = arith.constant 288 : index
          %get3A_888 = tpu.vector_load %arg12[%get3A_883, %get3A_884, %get3A_885, %get3A_886, %get3A_887] {strides = array<i32>} : memref<2x2x4x4x512xf32, #tpu.memory_space<vmem>>, vector<1x1x1x1x16xf32>,
          %get3A_889 = vector.shape_cast %get3A_888 : vector<1x1x1x1x16xf32> to vector<16xf32>
          %mul3A_890 = arith.mulf %broadcast_in_dim3A_328, %get3A_889 : vector<16xf32>
          %add3A_891 = arith.addf %mul3A_881, %mul3A_890 : vector<16xf32>
          %swap3A_892 = arith.constant 1 : i32
          %swap3A_893 = arith.index_cast %swap3A_892 : i32 to index
          %swap3A_894 = arith.index_cast %scan3A_311 : i32 to index
          %swap3A_895 = arith.index_cast %select_n3A : i32 to index
          %swap3A_896 = arith.index_cast %select_n3A_369 : i32 to index
          %swap3A_897 = arith.constant 288 : index
          %swap3A_898 = tpu.vector_load %arg11[%swap3A_893, %swap3A_894, %swap3A_895, %swap3A_896, %swap3A_897] {strides = array<i32>} : memref<2x2x4x4x512xf32, #tpu.memory_space<vmem>>, vector<1x1x1x1x16xf32>,
          %swap3A_899 = vector.shape_cast %swap3A_898 : vector<1x1x1x1x16xf32> to vector<16xf32>
          %swap3A_900 = vector.shape_cast %add3A_891 : vector<16xf32> to vector<1x1x1x1x16xf32>
          tpu.vector_store %arg11[%swap3A_893, %swap3A_894, %swap3A_895, %swap3A_896, %swap3A_897], %swap3A_900 {strides = array<i32>} : memref<2x2x4x4x512xf32, #tpu.memory_space<vmem>>, vector<1x1x1x1x16xf32>,
          %get3A_901 = arith.constant 1 : i32
          %get3A_902 = arith.index_cast %get3A_901 : i32 to index
          %get3A_903 = arith.index_cast %scan3A_311 : i32 to index
          %get3A_904 = arith.index_cast %select_n3A : i32 to index
          %get3A_905 = arith.index_cast %select_n3A_369 : i32 to index
          %get3A_906 = arith.constant 304 : index
          %get3A_907 = tpu.vector_load %arg11[%get3A_902, %get3A_903, %get3A_904, %get3A_905, %get3A_906] {strides = array<i32>} : memref<2x2x4x4x512xf32, #tpu.memory_space<vmem>>, vector<1x1x1x1x16xf32>,
          %get3A_908 = vector.shape_cast %get3A_907 : vector<1x1x1x1x16xf32> to vector<16xf32>
          %mul3A_909 = arith.mulf %broadcast_in_dim3A, %get3A_908 : vector<16xf32>
          %get3A_910 = arith.constant 1 : i32
          %get3A_911 = arith.index_cast %get3A_910 : i32 to index
          %get3A_912 = arith.index_cast %scan3A_311 : i32 to index
          %get3A_913 = arith.index_cast %select_n3A : i32 to index
          %get3A_914 = arith.index_cast %select_n3A_369 : i32 to index
          %get3A_915 = arith.constant 304 : index
          %get3A_916 = tpu.vector_load %arg12[%get3A_911, %get3A_912, %get3A_913, %get3A_914, %get3A_915] {strides = array<i32>} : memref<2x2x4x4x512xf32, #tpu.memory_space<vmem>>, vector<1x1x1x1x16xf32>,
          %get3A_917 = vector.shape_cast %get3A_916 : vector<1x1x1x1x16xf32> to vector<16xf32>
          %mul3A_918 = arith.mulf %broadcast_in_dim3A_328, %get3A_917 : vector<16xf32>
          %add3A_919 = arith.addf %mul3A_909, %mul3A_918 : vector<16xf32>
          %swap3A_920 = arith.constant 1 : i32
          %swap3A_921 = arith.index_cast %swap3A_920 : i32 to index
          %swap3A_922 = arith.index_cast %scan3A_311 : i32 to index
          %swap3A_923 = arith.index_cast %select_n3A : i32 to index
          %swap3A_924 = arith.index_cast %select_n3A_369 : i32 to index
          %swap3A_925 = arith.constant 304 : index
          %swap3A_926 = tpu.vector_load %arg11[%swap3A_921, %swap3A_922, %swap3A_923, %swap3A_924, %swap3A_925] {strides = array<i32>} : memref<2x2x4x4x512xf32, #tpu.memory_space<vmem>>, vector<1x1x1x1x16xf32>,
          %swap3A_927 = vector.shape_cast %swap3A_926 : vector<1x1x1x1x16xf32> to vector<16xf32>
          %swap3A_928 = vector.shape_cast %add3A_919 : vector<16xf32> to vector<1x1x1x1x16xf32>
          tpu.vector_store %arg11[%swap3A_921, %swap3A_922, %swap3A_923, %swap3A_924, %swap3A_925], %swap3A_928 {strides = array<i32>} : memref<2x2x4x4x512xf32, #tpu.memory_space<vmem>>, vector<1x1x1x1x16xf32>,
          %get3A_929 = arith.constant 1 : i32
          %get3A_930 = arith.index_cast %get3A_929 : i32 to index
          %get3A_931 = arith.index_cast %scan3A_311 : i32 to index
          %get3A_932 = arith.index_cast %select_n3A : i32 to index
          %get3A_933 = arith.index_cast %select_n3A_369 : i32 to index
          %get3A_934 = arith.constant 320 : index
          %get3A_935 = tpu.vector_load %arg11[%get3A_930, %get3A_931, %get3A_932, %get3A_933, %get3A_934] {strides = array<i32>} : memref<2x2x4x4x512xf32, #tpu.memory_space<vmem>>, vector<1x1x1x1x16xf32>,
          %get3A_936 = vector.shape_cast %get3A_935 : vector<1x1x1x1x16xf32> to vector<16xf32>
          %mul3A_937 = arith.mulf %broadcast_in_dim3A, %get3A_936 : vector<16xf32>
          %get3A_938 = arith.constant 1 : i32
          %get3A_939 = arith.index_cast %get3A_938 : i32 to index
          %get3A_940 = arith.index_cast %scan3A_311 : i32 to index
          %get3A_941 = arith.index_cast %select_n3A : i32 to index
          %get3A_942 = arith.index_cast %select_n3A_369 : i32 to index
          %get3A_943 = arith.constant 320 : index
          %get3A_944 = tpu.vector_load %arg12[%get3A_939, %get3A_940, %get3A_941, %get3A_942, %get3A_943] {strides = array<i32>} : memref<2x2x4x4x512xf32, #tpu.memory_space<vmem>>, vector<1x1x1x1x16xf32>,
          %get3A_945 = vector.shape_cast %get3A_944 : vector<1x1x1x1x16xf32> to vector<16xf32>
          %mul3A_946 = arith.mulf %broadcast_in_dim3A_328, %get3A_945 : vector<16xf32>
          %add3A_947 = arith.addf %mul3A_937, %mul3A_946 : vector<16xf32>
          %swap3A_948 = arith.constant 1 : i32
          %swap3A_949 = arith.index_cast %swap3A_948 : i32 to index
          %swap3A_950 = arith.index_cast %scan3A_311 : i32 to index
          %swap3A_951 = arith.index_cast %select_n3A : i32 to index
          %swap3A_952 = arith.index_cast %select_n3A_369 : i32 to index
          %swap3A_953 = arith.constant 320 : index
          %swap3A_954 = tpu.vector_load %arg11[%swap3A_949, %swap3A_950, %swap3A_951, %swap3A_952, %swap3A_953] {strides = array<i32>} : memref<2x2x4x4x512xf32, #tpu.memory_space<vmem>>, vector<1x1x1x1x16xf32>,
          %swap3A_955 = vector.shape_cast %swap3A_954 : vector<1x1x1x1x16xf32> to vector<16xf32>
          %swap3A_956 = vector.shape_cast %add3A_947 : vector<16xf32> to vector<1x1x1x1x16xf32>
          tpu.vector_store %arg11[%swap3A_949, %swap3A_950, %swap3A_951, %swap3A_952, %swap3A_953], %swap3A_956 {strides = array<i32>} : memref<2x2x4x4x512xf32, #tpu.memory_space<vmem>>, vector<1x1x1x1x16xf32>,
          %get3A_957 = arith.constant 1 : i32
          %get3A_958 = arith.index_cast %get3A_957 : i32 to index
          %get3A_959 = arith.index_cast %scan3A_311 : i32 to index
          %get3A_960 = arith.index_cast %select_n3A : i32 to index
          %get3A_961 = arith.index_cast %select_n3A_369 : i32 to index
          %get3A_962 = arith.constant 336 : index
          %get3A_963 = tpu.vector_load %arg11[%get3A_958, %get3A_959, %get3A_960, %get3A_961, %get3A_962] {strides = array<i32>} : memref<2x2x4x4x512xf32, #tpu.memory_space<vmem>>, vector<1x1x1x1x16xf32>,
          %get3A_964 = vector.shape_cast %get3A_963 : vector<1x1x1x1x16xf32> to vector<16xf32>
          %mul3A_965 = arith.mulf %broadcast_in_dim3A, %get3A_964 : vector<16xf32>
          %get3A_966 = arith.constant 1 : i32
          %get3A_967 = arith.index_cast %get3A_966 : i32 to index
          %get3A_968 = arith.index_cast %scan3A_311 : i32 to index
          %get3A_969 = arith.index_cast %select_n3A : i32 to index
          %get3A_970 = arith.index_cast %select_n3A_369 : i32 to index
          %get3A_971 = arith.constant 336 : index
          %get3A_972 = tpu.vector_load %arg12[%get3A_967, %get3A_968, %get3A_969, %get3A_970, %get3A_971] {strides = array<i32>} : memref<2x2x4x4x512xf32, #tpu.memory_space<vmem>>, vector<1x1x1x1x16xf32>,
          %get3A_973 = vector.shape_cast %get3A_972 : vector<1x1x1x1x16xf32> to vector<16xf32>
          %mul3A_974 = arith.mulf %broadcast_in_dim3A_328, %get3A_973 : vector<16xf32>
          %add3A_975 = arith.addf %mul3A_965, %mul3A_974 : vector<16xf32>
          %swap3A_976 = arith.constant 1 : i32
          %swap3A_977 = arith.index_cast %swap3A_976 : i32 to index
          %swap3A_978 = arith.index_cast %scan3A_311 : i32 to index
          %swap3A_979 = arith.index_cast %select_n3A : i32 to index
          %swap3A_980 = arith.index_cast %select_n3A_369 : i32 to index
          %swap3A_981 = arith.constant 336 : index
          %swap3A_982 = tpu.vector_load %arg11[%swap3A_977, %swap3A_978, %swap3A_979, %swap3A_980, %swap3A_981] {strides = array<i32>} : memref<2x2x4x4x512xf32, #tpu.memory_space<vmem>>, vector<1x1x1x1x16xf32>,
          %swap3A_983 = vector.shape_cast %swap3A_982 : vector<1x1x1x1x16xf32> to vector<16xf32>
          %swap3A_984 = vector.shape_cast %add3A_975 : vector<16xf32> to vector<1x1x1x1x16xf32>
          tpu.vector_store %arg11[%swap3A_977, %swap3A_978, %swap3A_979, %swap3A_980, %swap3A_981], %swap3A_984 {strides = array<i32>} : memref<2x2x4x4x512xf32, #tpu.memory_space<vmem>>, vector<1x1x1x1x16xf32>,
          %get3A_985 = arith.constant 1 : i32
          %get3A_986 = arith.index_cast %get3A_985 : i32 to index
          %get3A_987 = arith.index_cast %scan3A_311 : i32 to index
          %get3A_988 = arith.index_cast %select_n3A : i32 to index
          %get3A_989 = arith.index_cast %select_n3A_369 : i32 to index
          %get3A_990 = arith.constant 352 : index
          %get3A_991 = tpu.vector_load %arg11[%get3A_986, %get3A_987, %get3A_988, %get3A_989, %get3A_990] {strides = array<i32>} : memref<2x2x4x4x512xf32, #tpu.memory_space<vmem>>, vector<1x1x1x1x16xf32>,
          %get3A_992 = vector.shape_cast %get3A_991 : vector<1x1x1x1x16xf32> to vector<16xf32>
          %mul3A_993 = arith.mulf %broadcast_in_dim3A, %get3A_992 : vector<16xf32>
          %get3A_994 = arith.constant 1 : i32
          %get3A_995 = arith.index_cast %get3A_994 : i32 to index
          %get3A_996 = arith.index_cast %scan3A_311 : i32 to index
          %get3A_997 = arith.index_cast %select_n3A : i32 to index
          %get3A_998 = arith.index_cast %select_n3A_369 : i32 to index
          %get3A_999 = arith.constant 352 : index
          %get3A_1000 = tpu.vector_load %arg12[%get3A_995, %get3A_996, %get3A_997, %get3A_998, %get3A_999] {strides = array<i32>} : memref<2x2x4x4x512xf32, #tpu.memory_space<vmem>>, vector<1x1x1x1x16xf32>,
          %get3A_1001 = vector.shape_cast %get3A_1000 : vector<1x1x1x1x16xf32> to vector<16xf32>
          %mul3A_1002 = arith.mulf %broadcast_in_dim3A_328, %get3A_1001 : vector<16xf32>
          %add3A_1003 = arith.addf %mul3A_993, %mul3A_1002 : vector<16xf32>
          %swap3A_1004 = arith.constant 1 : i32
          %swap3A_1005 = arith.index_cast %swap3A_1004 : i32 to index
          %swap3A_1006 = arith.index_cast %scan3A_311 : i32 to index
          %swap3A_1007 = arith.index_cast %select_n3A : i32 to index
          %swap3A_1008 = arith.index_cast %select_n3A_369 : i32 to index
          %swap3A_1009 = arith.constant 352 : index
          %swap3A_1010 = tpu.vector_load %arg11[%swap3A_1005, %swap3A_1006, %swap3A_1007, %swap3A_1008, %swap3A_1009] {strides = array<i32>} : memref<2x2x4x4x512xf32, #tpu.memory_space<vmem>>, vector<1x1x1x1x16xf32>,
          %swap3A_1011 = vector.shape_cast %swap3A_1010 : vector<1x1x1x1x16xf32> to vector<16xf32>
          %swap3A_1012 = vector.shape_cast %add3A_1003 : vector<16xf32> to vector<1x1x1x1x16xf32>
          tpu.vector_store %arg11[%swap3A_1005, %swap3A_1006, %swap3A_1007, %swap3A_1008, %swap3A_1009], %swap3A_1012 {strides = array<i32>} : memref<2x2x4x4x512xf32, #tpu.memory_space<vmem>>, vector<1x1x1x1x16xf32>,
          %get3A_1013 = arith.constant 1 : i32
          %get3A_1014 = arith.index_cast %get3A_1013 : i32 to index
          %get3A_1015 = arith.index_cast %scan3A_311 : i32 to index
          %get3A_1016 = arith.index_cast %select_n3A : i32 to index
          %get3A_1017 = arith.index_cast %select_n3A_369 : i32 to index
          %get3A_1018 = arith.constant 368 : index
          %get3A_1019 = tpu.vector_load %arg11[%get3A_1014, %get3A_1015, %get3A_1016, %get3A_1017, %get3A_1018] {strides = array<i32>} : memref<2x2x4x4x512xf32, #tpu.memory_space<vmem>>, vector<1x1x1x1x16xf32>,
          %get3A_1020 = vector.shape_cast %get3A_1019 : vector<1x1x1x1x16xf32> to vector<16xf32>
          %mul3A_1021 = arith.mulf %broadcast_in_dim3A, %get3A_1020 : vector<16xf32>
          %get3A_1022 = arith.constant 1 : i32
          %get3A_1023 = arith.index_cast %get3A_1022 : i32 to index
          %get3A_1024 = arith.index_cast %scan3A_311 : i32 to index
          %get3A_1025 = arith.index_cast %select_n3A : i32 to index
          %get3A_1026 = arith.index_cast %select_n3A_369 : i32 to index
          %get3A_1027 = arith.constant 368 : index
          %get3A_1028 = tpu.vector_load %arg12[%get3A_1023, %get3A_1024, %get3A_1025, %get3A_1026, %get3A_1027] {strides = array<i32>} : memref<2x2x4x4x512xf32, #tpu.memory_space<vmem>>, vector<1x1x1x1x16xf32>,
          %get3A_1029 = vector.shape_cast %get3A_1028 : vector<1x1x1x1x16xf32> to vector<16xf32>
          %mul3A_1030 = arith.mulf %broadcast_in_dim3A_328, %get3A_1029 : vector<16xf32>
          %add3A_1031 = arith.addf %mul3A_1021, %mul3A_1030 : vector<16xf32>
          %swap3A_1032 = arith.constant 1 : i32
          %swap3A_1033 = arith.index_cast %swap3A_1032 : i32 to index
          %swap3A_1034 = arith.index_cast %scan3A_311 : i32 to index
          %swap3A_1035 = arith.index_cast %select_n3A : i32 to index
          %swap3A_1036 = arith.index_cast %select_n3A_369 : i32 to index
          %swap3A_1037 = arith.constant 368 : index
          %swap3A_1038 = tpu.vector_load %arg11[%swap3A_1033, %swap3A_1034, %swap3A_1035, %swap3A_1036, %swap3A_1037] {strides = array<i32>} : memref<2x2x4x4x512xf32, #tpu.memory_space<vmem>>, vector<1x1x1x1x16xf32>,
          %swap3A_1039 = vector.shape_cast %swap3A_1038 : vector<1x1x1x1x16xf32> to vector<16xf32>
          %swap3A_1040 = vector.shape_cast %add3A_1031 : vector<16xf32> to vector<1x1x1x1x16xf32>
          tpu.vector_store %arg11[%swap3A_1033, %swap3A_1034, %swap3A_1035, %swap3A_1036, %swap3A_1037], %swap3A_1040 {strides = array<i32>} : memref<2x2x4x4x512xf32, #tpu.memory_space<vmem>>, vector<1x1x1x1x16xf32>,
          %get3A_1041 = arith.constant 1 : i32
          %get3A_1042 = arith.index_cast %get3A_1041 : i32 to index
          %get3A_1043 = arith.index_cast %scan3A_311 : i32 to index
          %get3A_1044 = arith.index_cast %select_n3A : i32 to index
          %get3A_1045 = arith.index_cast %select_n3A_369 : i32 to index
          %get3A_1046 = arith.constant 384 : index
          %get3A_1047 = tpu.vector_load %arg11[%get3A_1042, %get3A_1043, %get3A_1044, %get3A_1045, %get3A_1046] {strides = array<i32>} : memref<2x2x4x4x512xf32, #tpu.memory_space<vmem>>, vector<1x1x1x1x16xf32>,
          %get3A_1048 = vector.shape_cast %get3A_1047 : vector<1x1x1x1x16xf32> to vector<16xf32>
          %mul3A_1049 = arith.mulf %broadcast_in_dim3A, %get3A_1048 : vector<16xf32>
          %get3A_1050 = arith.constant 1 : i32
          %get3A_1051 = arith.index_cast %get3A_1050 : i32 to index
          %get3A_1052 = arith.index_cast %scan3A_311 : i32 to index
          %get3A_1053 = arith.index_cast %select_n3A : i32 to index
          %get3A_1054 = arith.index_cast %select_n3A_369 : i32 to index
          %get3A_1055 = arith.constant 384 : index
          %get3A_1056 = tpu.vector_load %arg12[%get3A_1051, %get3A_1052, %get3A_1053, %get3A_1054, %get3A_1055] {strides = array<i32>} : memref<2x2x4x4x512xf32, #tpu.memory_space<vmem>>, vector<1x1x1x1x16xf32>,
          %get3A_1057 = vector.shape_cast %get3A_1056 : vector<1x1x1x1x16xf32> to vector<16xf32>
          %mul3A_1058 = arith.mulf %broadcast_in_dim3A_328, %get3A_1057 : vector<16xf32>
          %add3A_1059 = arith.addf %mul3A_1049, %mul3A_1058 : vector<16xf32>
          %swap3A_1060 = arith.constant 1 : i32
          %swap3A_1061 = arith.index_cast %swap3A_1060 : i32 to index
          %swap3A_1062 = arith.index_cast %scan3A_311 : i32 to index
          %swap3A_1063 = arith.index_cast %select_n3A : i32 to index
          %swap3A_1064 = arith.index_cast %select_n3A_369 : i32 to index
          %swap3A_1065 = arith.constant 384 : index
          %swap3A_1066 = tpu.vector_load %arg11[%swap3A_1061, %swap3A_1062, %swap3A_1063, %swap3A_1064, %swap3A_1065] {strides = array<i32>} : memref<2x2x4x4x512xf32, #tpu.memory_space<vmem>>, vector<1x1x1x1x16xf32>,
          %swap3A_1067 = vector.shape_cast %swap3A_1066 : vector<1x1x1x1x16xf32> to vector<16xf32>
          %swap3A_1068 = vector.shape_cast %add3A_1059 : vector<16xf32> to vector<1x1x1x1x16xf32>
          tpu.vector_store %arg11[%swap3A_1061, %swap3A_1062, %swap3A_1063, %swap3A_1064, %swap3A_1065], %swap3A_1068 {strides = array<i32>} : memref<2x2x4x4x512xf32, #tpu.memory_space<vmem>>, vector<1x1x1x1x16xf32>,
          %get3A_1069 = arith.constant 1 : i32
          %get3A_1070 = arith.index_cast %get3A_1069 : i32 to index
          %get3A_1071 = arith.index_cast %scan3A_311 : i32 to index
          %get3A_1072 = arith.index_cast %select_n3A : i32 to index
          %get3A_1073 = arith.index_cast %select_n3A_369 : i32 to index
          %get3A_1074 = arith.constant 400 : index
          %get3A_1075 = tpu.vector_load %arg11[%get3A_1070, %get3A_1071, %get3A_1072, %get3A_1073, %get3A_1074] {strides = array<i32>} : memref<2x2x4x4x512xf32, #tpu.memory_space<vmem>>, vector<1x1x1x1x16xf32>,
          %get3A_1076 = vector.shape_cast %get3A_1075 : vector<1x1x1x1x16xf32> to vector<16xf32>
          %mul3A_1077 = arith.mulf %broadcast_in_dim3A, %get3A_1076 : vector<16xf32>
          %get3A_1078 = arith.constant 1 : i32
          %get3A_1079 = arith.index_cast %get3A_1078 : i32 to index
          %get3A_1080 = arith.index_cast %scan3A_311 : i32 to index
          %get3A_1081 = arith.index_cast %select_n3A : i32 to index
          %get3A_1082 = arith.index_cast %select_n3A_369 : i32 to index
          %get3A_1083 = arith.constant 400 : index
          %get3A_1084 = tpu.vector_load %arg12[%get3A_1079, %get3A_1080, %get3A_1081, %get3A_1082, %get3A_1083] {strides = array<i32>} : memref<2x2x4x4x512xf32, #tpu.memory_space<vmem>>, vector<1x1x1x1x16xf32>,
          %get3A_1085 = vector.shape_cast %get3A_1084 : vector<1x1x1x1x16xf32> to vector<16xf32>
          %mul3A_1086 = arith.mulf %broadcast_in_dim3A_328, %get3A_1085 : vector<16xf32>
          %add3A_1087 = arith.addf %mul3A_1077, %mul3A_1086 : vector<16xf32>
          %swap3A_1088 = arith.constant 1 : i32
          %swap3A_1089 = arith.index_cast %swap3A_1088 : i32 to index
          %swap3A_1090 = arith.index_cast %scan3A_311 : i32 to index
          %swap3A_1091 = arith.index_cast %select_n3A : i32 to index
          %swap3A_1092 = arith.index_cast %select_n3A_369 : i32 to index
          %swap3A_1093 = arith.constant 400 : index
          %swap3A_1094 = tpu.vector_load %arg11[%swap3A_1089, %swap3A_1090, %swap3A_1091, %swap3A_1092, %swap3A_1093] {strides = array<i32>} : memref<2x2x4x4x512xf32, #tpu.memory_space<vmem>>, vector<1x1x1x1x16xf32>,
          %swap3A_1095 = vector.shape_cast %swap3A_1094 : vector<1x1x1x1x16xf32> to vector<16xf32>
          %swap3A_1096 = vector.shape_cast %add3A_1087 : vector<16xf32> to vector<1x1x1x1x16xf32>
          tpu.vector_store %arg11[%swap3A_1089, %swap3A_1090, %swap3A_1091, %swap3A_1092, %swap3A_1093], %swap3A_1096 {strides = array<i32>} : memref<2x2x4x4x512xf32, #tpu.memory_space<vmem>>, vector<1x1x1x1x16xf32>,
          %get3A_1097 = arith.constant 1 : i32
          %get3A_1098 = arith.index_cast %get3A_1097 : i32 to index
          %get3A_1099 = arith.index_cast %scan3A_311 : i32 to index
          %get3A_1100 = arith.index_cast %select_n3A : i32 to index
          %get3A_1101 = arith.index_cast %select_n3A_369 : i32 to index
          %get3A_1102 = arith.constant 416 : index
          %get3A_1103 = tpu.vector_load %arg11[%get3A_1098, %get3A_1099, %get3A_1100, %get3A_1101, %get3A_1102] {strides = array<i32>} : memref<2x2x4x4x512xf32, #tpu.memory_space<vmem>>, vector<1x1x1x1x16xf32>,
          %get3A_1104 = vector.shape_cast %get3A_1103 : vector<1x1x1x1x16xf32> to vector<16xf32>
          %mul3A_1105 = arith.mulf %broadcast_in_dim3A, %get3A_1104 : vector<16xf32>
          %get3A_1106 = arith.constant 1 : i32
          %get3A_1107 = arith.index_cast %get3A_1106 : i32 to index
          %get3A_1108 = arith.index_cast %scan3A_311 : i32 to index
          %get3A_1109 = arith.index_cast %select_n3A : i32 to index
          %get3A_1110 = arith.index_cast %select_n3A_369 : i32 to index
          %get3A_1111 = arith.constant 416 : index
          %get3A_1112 = tpu.vector_load %arg12[%get3A_1107, %get3A_1108, %get3A_1109, %get3A_1110, %get3A_1111] {strides = array<i32>} : memref<2x2x4x4x512xf32, #tpu.memory_space<vmem>>, vector<1x1x1x1x16xf32>,
          %get3A_1113 = vector.shape_cast %get3A_1112 : vector<1x1x1x1x16xf32> to vector<16xf32>
          %mul3A_1114 = arith.mulf %broadcast_in_dim3A_328, %get3A_1113 : vector<16xf32>
          %add3A_1115 = arith.addf %mul3A_1105, %mul3A_1114 : vector<16xf32>
          %swap3A_1116 = arith.constant 1 : i32
          %swap3A_1117 = arith.index_cast %swap3A_1116 : i32 to index
          %swap3A_1118 = arith.index_cast %scan3A_311 : i32 to index
          %swap3A_1119 = arith.index_cast %select_n3A : i32 to index
          %swap3A_1120 = arith.index_cast %select_n3A_369 : i32 to index
          %swap3A_1121 = arith.constant 416 : index
          %swap3A_1122 = tpu.vector_load %arg11[%swap3A_1117, %swap3A_1118, %swap3A_1119, %swap3A_1120, %swap3A_1121] {strides = array<i32>} : memref<2x2x4x4x512xf32, #tpu.memory_space<vmem>>, vector<1x1x1x1x16xf32>,
          %swap3A_1123 = vector.shape_cast %swap3A_1122 : vector<1x1x1x1x16xf32> to vector<16xf32>
          %swap3A_1124 = vector.shape_cast %add3A_1115 : vector<16xf32> to vector<1x1x1x1x16xf32>
          tpu.vector_store %arg11[%swap3A_1117, %swap3A_1118, %swap3A_1119, %swap3A_1120, %swap3A_1121], %swap3A_1124 {strides = array<i32>} : memref<2x2x4x4x512xf32, #tpu.memory_space<vmem>>, vector<1x1x1x1x16xf32>,
          %get3A_1125 = arith.constant 1 : i32
          %get3A_1126 = arith.index_cast %get3A_1125 : i32 to index
          %get3A_1127 = arith.index_cast %scan3A_311 : i32 to index
          %get3A_1128 = arith.index_cast %select_n3A : i32 to index
          %get3A_1129 = arith.index_cast %select_n3A_369 : i32 to index
          %get3A_1130 = arith.constant 432 : index
          %get3A_1131 = tpu.vector_load %arg11[%get3A_1126, %get3A_1127, %get3A_1128, %get3A_1129, %get3A_1130] {strides = array<i32>} : memref<2x2x4x4x512xf32, #tpu.memory_space<vmem>>, vector<1x1x1x1x16xf32>,
          %get3A_1132 = vector.shape_cast %get3A_1131 : vector<1x1x1x1x16xf32> to vector<16xf32>
          %mul3A_1133 = arith.mulf %broadcast_in_dim3A, %get3A_1132 : vector<16xf32>
          %get3A_1134 = arith.constant 1 : i32
          %get3A_1135 = arith.index_cast %get3A_1134 : i32 to index
          %get3A_1136 = arith.index_cast %scan3A_311 : i32 to index
          %get3A_1137 = arith.index_cast %select_n3A : i32 to index
          %get3A_1138 = arith.index_cast %select_n3A_369 : i32 to index
          %get3A_1139 = arith.constant 432 : index
          %get3A_1140 = tpu.vector_load %arg12[%get3A_1135, %get3A_1136, %get3A_1137, %get3A_1138, %get3A_1139] {strides = array<i32>} : memref<2x2x4x4x512xf32, #tpu.memory_space<vmem>>, vector<1x1x1x1x16xf32>,
          %get3A_1141 = vector.shape_cast %get3A_1140 : vector<1x1x1x1x16xf32> to vector<16xf32>
          %mul3A_1142 = arith.mulf %broadcast_in_dim3A_328, %get3A_1141 : vector<16xf32>
          %add3A_1143 = arith.addf %mul3A_1133, %mul3A_1142 : vector<16xf32>
          %swap3A_1144 = arith.constant 1 : i32
          %swap3A_1145 = arith.index_cast %swap3A_1144 : i32 to index
          %swap3A_1146 = arith.index_cast %scan3A_311 : i32 to index
          %swap3A_1147 = arith.index_cast %select_n3A : i32 to index
          %swap3A_1148 = arith.index_cast %select_n3A_369 : i32 to index
          %swap3A_1149 = arith.constant 432 : index
          %swap3A_1150 = tpu.vector_load %arg11[%swap3A_1145, %swap3A_1146, %swap3A_1147, %swap3A_1148, %swap3A_1149] {strides = array<i32>} : memref<2x2x4x4x512xf32, #tpu.memory_space<vmem>>, vector<1x1x1x1x16xf32>,
          %swap3A_1151 = vector.shape_cast %swap3A_1150 : vector<1x1x1x1x16xf32> to vector<16xf32>
          %swap3A_1152 = vector.shape_cast %add3A_1143 : vector<16xf32> to vector<1x1x1x1x16xf32>
          tpu.vector_store %arg11[%swap3A_1145, %swap3A_1146, %swap3A_1147, %swap3A_1148, %swap3A_1149], %swap3A_1152 {strides = array<i32>} : memref<2x2x4x4x512xf32, #tpu.memory_space<vmem>>, vector<1x1x1x1x16xf32>,
          %get3A_1153 = arith.constant 1 : i32
          %get3A_1154 = arith.index_cast %get3A_1153 : i32 to index
          %get3A_1155 = arith.index_cast %scan3A_311 : i32 to index
          %get3A_1156 = arith.index_cast %select_n3A : i32 to index
          %get3A_1157 = arith.index_cast %select_n3A_369 : i32 to index
          %get3A_1158 = arith.constant 448 : index
          %get3A_1159 = tpu.vector_load %arg11[%get3A_1154, %get3A_1155, %get3A_1156, %get3A_1157, %get3A_1158] {strides = array<i32>} : memref<2x2x4x4x512xf32, #tpu.memory_space<vmem>>, vector<1x1x1x1x16xf32>,
          %get3A_1160 = vector.shape_cast %get3A_1159 : vector<1x1x1x1x16xf32> to vector<16xf32>
          %mul3A_1161 = arith.mulf %broadcast_in_dim3A, %get3A_1160 : vector<16xf32>
          %get3A_1162 = arith.constant 1 : i32
          %get3A_1163 = arith.index_cast %get3A_1162 : i32 to index
          %get3A_1164 = arith.index_cast %scan3A_311 : i32 to index
          %get3A_1165 = arith.index_cast %select_n3A : i32 to index
          %get3A_1166 = arith.index_cast %select_n3A_369 : i32 to index
          %get3A_1167 = arith.constant 448 : index
          %get3A_1168 = tpu.vector_load %arg12[%get3A_1163, %get3A_1164, %get3A_1165, %get3A_1166, %get3A_1167] {strides = array<i32>} : memref<2x2x4x4x512xf32, #tpu.memory_space<vmem>>, vector<1x1x1x1x16xf32>,
          %get3A_1169 = vector.shape_cast %get3A_1168 : vector<1x1x1x1x16xf32> to vector<16xf32>
          %mul3A_1170 = arith.mulf %broadcast_in_dim3A_328, %get3A_1169 : vector<16xf32>
          %add3A_1171 = arith.addf %mul3A_1161, %mul3A_1170 : vector<16xf32>
          %swap3A_1172 = arith.constant 1 : i32
          %swap3A_1173 = arith.index_cast %swap3A_1172 : i32 to index
          %swap3A_1174 = arith.index_cast %scan3A_311 : i32 to index
          %swap3A_1175 = arith.index_cast %select_n3A : i32 to index
          %swap3A_1176 = arith.index_cast %select_n3A_369 : i32 to index
          %swap3A_1177 = arith.constant 448 : index
          %swap3A_1178 = tpu.vector_load %arg11[%swap3A_1173, %swap3A_1174, %swap3A_1175, %swap3A_1176, %swap3A_1177] {strides = array<i32>} : memref<2x2x4x4x512xf32, #tpu.memory_space<vmem>>, vector<1x1x1x1x16xf32>,
          %swap3A_1179 = vector.shape_cast %swap3A_1178 : vector<1x1x1x1x16xf32> to vector<16xf32>
          %swap3A_1180 = vector.shape_cast %add3A_1171 : vector<16xf32> to vector<1x1x1x1x16xf32>
          tpu.vector_store %arg11[%swap3A_1173, %swap3A_1174, %swap3A_1175, %swap3A_1176, %swap3A_1177], %swap3A_1180 {strides = array<i32>} : memref<2x2x4x4x512xf32, #tpu.memory_space<vmem>>, vector<1x1x1x1x16xf32>,
          %get3A_1181 = arith.constant 1 : i32
          %get3A_1182 = arith.index_cast %get3A_1181 : i32 to index
          %get3A_1183 = arith.index_cast %scan3A_311 : i32 to index
          %get3A_1184 = arith.index_cast %select_n3A : i32 to index
          %get3A_1185 = arith.index_cast %select_n3A_369 : i32 to index
          %get3A_1186 = arith.constant 464 : index
          %get3A_1187 = tpu.vector_load %arg11[%get3A_1182, %get3A_1183, %get3A_1184, %get3A_1185, %get3A_1186] {strides = array<i32>} : memref<2x2x4x4x512xf32, #tpu.memory_space<vmem>>, vector<1x1x1x1x16xf32>,
          %get3A_1188 = vector.shape_cast %get3A_1187 : vector<1x1x1x1x16xf32> to vector<16xf32>
          %mul3A_1189 = arith.mulf %broadcast_in_dim3A, %get3A_1188 : vector<16xf32>
          %get3A_1190 = arith.constant 1 : i32
          %get3A_1191 = arith.index_cast %get3A_1190 : i32 to index
          %get3A_1192 = arith.index_cast %scan3A_311 : i32 to index
          %get3A_1193 = arith.index_cast %select_n3A : i32 to index
          %get3A_1194 = arith.index_cast %select_n3A_369 : i32 to index
          %get3A_1195 = arith.constant 464 : index
          %get3A_1196 = tpu.vector_load %arg12[%get3A_1191, %get3A_1192, %get3A_1193, %get3A_1194, %get3A_1195] {strides = array<i32>} : memref<2x2x4x4x512xf32, #tpu.memory_space<vmem>>, vector<1x1x1x1x16xf32>,
          %get3A_1197 = vector.shape_cast %get3A_1196 : vector<1x1x1x1x16xf32> to vector<16xf32>
          %mul3A_1198 = arith.mulf %broadcast_in_dim3A_328, %get3A_1197 : vector<16xf32>
          %add3A_1199 = arith.addf %mul3A_1189, %mul3A_1198 : vector<16xf32>
          %swap3A_1200 = arith.constant 1 : i32
          %swap3A_1201 = arith.index_cast %swap3A_1200 : i32 to index
          %swap3A_1202 = arith.index_cast %scan3A_311 : i32 to index
          %swap3A_1203 = arith.index_cast %select_n3A : i32 to index
          %swap3A_1204 = arith.index_cast %select_n3A_369 : i32 to index
          %swap3A_1205 = arith.constant 464 : index
          %swap3A_1206 = tpu.vector_load %arg11[%swap3A_1201, %swap3A_1202, %swap3A_1203, %swap3A_1204, %swap3A_1205] {strides = array<i32>} : memref<2x2x4x4x512xf32, #tpu.memory_space<vmem>>, vector<1x1x1x1x16xf32>,
          %swap3A_1207 = vector.shape_cast %swap3A_1206 : vector<1x1x1x1x16xf32> to vector<16xf32>
          %swap3A_1208 = vector.shape_cast %add3A_1199 : vector<16xf32> to vector<1x1x1x1x16xf32>
          tpu.vector_store %arg11[%swap3A_1201, %swap3A_1202, %swap3A_1203, %swap3A_1204, %swap3A_1205], %swap3A_1208 {strides = array<i32>} : memref<2x2x4x4x512xf32, #tpu.memory_space<vmem>>, vector<1x1x1x1x16xf32>,
          %get3A_1209 = arith.constant 1 : i32
          %get3A_1210 = arith.index_cast %get3A_1209 : i32 to index
          %get3A_1211 = arith.index_cast %scan3A_311 : i32 to index
          %get3A_1212 = arith.index_cast %select_n3A : i32 to index
          %get3A_1213 = arith.index_cast %select_n3A_369 : i32 to index
          %get3A_1214 = arith.constant 480 : index
          %get3A_1215 = tpu.vector_load %arg11[%get3A_1210, %get3A_1211, %get3A_1212, %get3A_1213, %get3A_1214] {strides = array<i32>} : memref<2x2x4x4x512xf32, #tpu.memory_space<vmem>>, vector<1x1x1x1x16xf32>,
          %get3A_1216 = vector.shape_cast %get3A_1215 : vector<1x1x1x1x16xf32> to vector<16xf32>
          %mul3A_1217 = arith.mulf %broadcast_in_dim3A, %get3A_1216 : vector<16xf32>
          %get3A_1218 = arith.constant 1 : i32
          %get3A_1219 = arith.index_cast %get3A_1218 : i32 to index
          %get3A_1220 = arith.index_cast %scan3A_311 : i32 to index
          %get3A_1221 = arith.index_cast %select_n3A : i32 to index
          %get3A_1222 = arith.index_cast %select_n3A_369 : i32 to index
          %get3A_1223 = arith.constant 480 : index
          %get3A_1224 = tpu.vector_load %arg12[%get3A_1219, %get3A_1220, %get3A_1221, %get3A_1222, %get3A_1223] {strides = array<i32>} : memref<2x2x4x4x512xf32, #tpu.memory_space<vmem>>, vector<1x1x1x1x16xf32>,
          %get3A_1225 = vector.shape_cast %get3A_1224 : vector<1x1x1x1x16xf32> to vector<16xf32>
          %mul3A_1226 = arith.mulf %broadcast_in_dim3A_328, %get3A_1225 : vector<16xf32>
          %add3A_1227 = arith.addf %mul3A_1217, %mul3A_1226 : vector<16xf32>
          %swap3A_1228 = arith.constant 1 : i32
          %swap3A_1229 = arith.index_cast %swap3A_1228 : i32 to index
          %swap3A_1230 = arith.index_cast %scan3A_311 : i32 to index
          %swap3A_1231 = arith.index_cast %select_n3A : i32 to index
          %swap3A_1232 = arith.index_cast %select_n3A_369 : i32 to index
          %swap3A_1233 = arith.constant 480 : index
          %swap3A_1234 = tpu.vector_load %arg11[%swap3A_1229, %swap3A_1230, %swap3A_1231, %swap3A_1232, %swap3A_1233] {strides = array<i32>} : memref<2x2x4x4x512xf32, #tpu.memory_space<vmem>>, vector<1x1x1x1x16xf32>,
          %swap3A_1235 = vector.shape_cast %swap3A_1234 : vector<1x1x1x1x16xf32> to vector<16xf32>
          %swap3A_1236 = vector.shape_cast %add3A_1227 : vector<16xf32> to vector<1x1x1x1x16xf32>
          tpu.vector_store %arg11[%swap3A_1229, %swap3A_1230, %swap3A_1231, %swap3A_1232, %swap3A_1233], %swap3A_1236 {strides = array<i32>} : memref<2x2x4x4x512xf32, #tpu.memory_space<vmem>>, vector<1x1x1x1x16xf32>,
          %get3A_1237 = arith.constant 1 : i32
          %get3A_1238 = arith.index_cast %get3A_1237 : i32 to index
          %get3A_1239 = arith.index_cast %scan3A_311 : i32 to index
          %get3A_1240 = arith.index_cast %select_n3A : i32 to index
          %get3A_1241 = arith.index_cast %select_n3A_369 : i32 to index
          %get3A_1242 = arith.constant 496 : index
          %get3A_1243 = tpu.vector_load %arg11[%get3A_1238, %get3A_1239, %get3A_1240, %get3A_1241, %get3A_1242] {strides = array<i32>} : memref<2x2x4x4x512xf32, #tpu.memory_space<vmem>>, vector<1x1x1x1x16xf32>,
          %get3A_1244 = vector.shape_cast %get3A_1243 : vector<1x1x1x1x16xf32> to vector<16xf32>
          %mul3A_1245 = arith.mulf %broadcast_in_dim3A, %get3A_1244 : vector<16xf32>
          %get3A_1246 = arith.constant 1 : i32
          %get3A_1247 = arith.index_cast %get3A_1246 : i32 to index
          %get3A_1248 = arith.index_cast %scan3A_311 : i32 to index
          %get3A_1249 = arith.index_cast %select_n3A : i32 to index
          %get3A_1250 = arith.index_cast %select_n3A_369 : i32 to index
          %get3A_1251 = arith.constant 496 : index
          %get3A_1252 = tpu.vector_load %arg12[%get3A_1247, %get3A_1248, %get3A_1249, %get3A_1250, %get3A_1251] {strides = array<i32>} : memref<2x2x4x4x512xf32, #tpu.memory_space<vmem>>, vector<1x1x1x1x16xf32>,
          %get3A_1253 = vector.shape_cast %get3A_1252 : vector<1x1x1x1x16xf32> to vector<16xf32>
          %mul3A_1254 = arith.mulf %broadcast_in_dim3A_328, %get3A_1253 : vector<16xf32>
          %add3A_1255 = arith.addf %mul3A_1245, %mul3A_1254 : vector<16xf32>
          %swap3A_1256 = arith.constant 1 : i32
          %swap3A_1257 = arith.index_cast %swap3A_1256 : i32 to index
          %swap3A_1258 = arith.index_cast %scan3A_311 : i32 to index
          %swap3A_1259 = arith.index_cast %select_n3A : i32 to index
          %swap3A_1260 = arith.index_cast %select_n3A_369 : i32 to index
          %swap3A_1261 = arith.constant 496 : index
          %swap3A_1262 = tpu.vector_load %arg11[%swap3A_1257, %swap3A_1258, %swap3A_1259, %swap3A_1260, %swap3A_1261] {strides = array<i32>} : memref<2x2x4x4x512xf32, #tpu.memory_space<vmem>>, vector<1x1x1x1x16xf32>,
          %swap3A_1263 = vector.shape_cast %swap3A_1262 : vector<1x1x1x1x16xf32> to vector<16xf32>
          %swap3A_1264 = vector.shape_cast %add3A_1255 : vector<16xf32> to vector<1x1x1x1x16xf32>
          tpu.vector_store %arg11[%swap3A_1257, %swap3A_1258, %swap3A_1259, %swap3A_1260, %swap3A_1261], %swap3A_1264 {strides = array<i32>} : memref<2x2x4x4x512xf32, #tpu.memory_space<vmem>>, vector<1x1x1x1x16xf32>,
          %scan3A_1265 = arith.constant 0 : i32
          scf.yield %scan3A_1265 : i32
        }
        %scan3A_335 = arith.constant 16 : i32
        %scan3A_336 = arith.constant 0 : i32
        scf.yield %scan3A_336 : i32
      }
      %scan3A_280 = arith.constant 2 : i32
      %mul3A_281 = arith.constant 2 : i32
      %mul3A_282 = arith.muli %add3A_228, %mul3A_281 : i32
      %add3A_283 = arith.addi %mul3A_2, %mul3A_282 : i32
      %dma_start3A_284 = arith.constant 1 : i32
      %dma_start3A_285 = arith.constant 0 : i32
      %dma_start3A_286 = arith.constant 0 : i32
      %dma_start3A_287 = arith.constant 0 : i32
      %dma_start3A_288 = arith.constant 0 : i32
      %dma_start3A_289 = tpu.memref_slice %arg11[%dma_start3A_284, %dma_start3A_285, %dma_start3A_286, %dma_start3A_287, %dma_start3A_288] : memref<2x2x4x4x512xf32, #tpu.memory_space<vmem>> -> memref<1x2x4x4x512xf32, #tpu.memory_space<vmem>>
      %dma_start3A_290 = tpu.memref_squeeze %dma_start3A_289 : memref<1x2x4x4x512xf32, #tpu.memory_space<vmem>> -> memref<2x4x4x512xf32, #tpu.memory_space<vmem>>
      %dma_start3A_291 = arith.constant 0 : i32
      %dma_start3A_292 = arith.constant 0 : i32
      %dma_start3A_293 = arith.constant 0 : i32
      %dma_start3A_294 = tpu.memref_slice %arg7[%add3A_283, %dma_start3A_291, %dma_start3A_292, %dma_start3A_293] : memref<1024x4x4x512xf32, #tpu.memory_space<hbm>> -> memref<2x4x4x512xf32, #tpu.memory_space<hbm>>
      %dma_start3A_295 = arith.constant 0 : i32
      %dma_start3A_296 = arith.constant 0 : i32
      %dma_start3A_297 = arith.constant 0 : i32
      %dma_start3A_298 = tpu.memref_slice %arg7[%add3A_283, %dma_start3A_295, %dma_start3A_296, %dma_start3A_297] : memref<1024x4x4x512xf32, #tpu.memory_space<hbm>> -> memref<2x4x4x512xf32, #tpu.memory_space<hbm>>
      %dma_start3A_299 = arith.constant 0 : i32
      %dma_start3A_300 = arith.constant 0 : i32
      %dma_start3A_301 = arith.constant 0 : i32
      %dma_start3A_302 = arith.constant 0 : i32
      %dma_start3A_303 = tpu.memref_slice %arg11[%dma_start3A_284, %dma_start3A_299, %dma_start3A_300, %dma_start3A_301, %dma_start3A_302] : memref<2x2x4x4x512xf32, #tpu.memory_space<vmem>> -> memref<1x2x4x4x512xf32, #tpu.memory_space<vmem>>
      %dma_start3A_304 = tpu.memref_squeeze %dma_start3A_303 : memref<1x2x4x4x512xf32, #tpu.memory_space<vmem>> -> memref<2x4x4x512xf32, #tpu.memory_space<vmem>>
      tpu.enqueue_dma source(%dma_start3A_304 : memref<2x4x4x512xf32, #tpu.memory_space<vmem>>) target(%dma_start3A_298 : memref<2x4x4x512xf32, #tpu.memory_space<hbm>>) target_semaphore(%arg18 : memref<!tpu.dma_semaphore, #tpu.memory_space<semaphore_mem>>)
      %lt3A_305 = arith.constant 7 : i32
      %lt3A_306 = arith.cmpi slt, %scan3A_141, %lt3A_305 : i32
      %convert_element_type3A_307 = arith.extui %lt3A_306 : i1 to i32
      %cond3A_308 = arith.constant 0 : i32
      %cond3A_309 = arith.cmpi ne, %convert_element_type3A_307, %cond3A_308 : i32
      scf.if %cond3A_309 {
        %mul3A_311 = arith.constant 2 : i32
        %mul3A_312 = arith.muli %add3A_228, %mul3A_311 : i32
        %add3A_313 = arith.addi %mul3A_2, %mul3A_312 : i32
        %dma_wait3A_314 = arith.constant 1 : i32
        %dma_wait3A_315 = arith.constant 0 : i32
        %dma_wait3A_316 = arith.constant 0 : i32
        %dma_wait3A_317 = arith.constant 0 : i32
        %dma_wait3A_318 = arith.constant 0 : i32
        %dma_wait3A_319 = tpu.memref_slice %arg11[%dma_wait3A_314, %dma_wait3A_315, %dma_wait3A_316, %dma_wait3A_317, %dma_wait3A_318] : memref<2x2x4x4x512xf32, #tpu.memory_space<vmem>> -> memref<1x2x4x4x512xf32, #tpu.memory_space<vmem>>
        %dma_wait3A_320 = tpu.memref_squeeze %dma_wait3A_319 : memref<1x2x4x4x512xf32, #tpu.memory_space<vmem>> -> memref<2x4x4x512xf32, #tpu.memory_space<vmem>>
        %dma_wait3A_321 = arith.constant 0 : i32
        %dma_wait3A_322 = arith.constant 0 : i32
        %dma_wait3A_323 = arith.constant 0 : i32
        %dma_wait3A_324 = tpu.memref_slice %arg7[%add3A_313, %dma_wait3A_321, %dma_wait3A_322, %dma_wait3A_323] : memref<1024x4x4x512xf32, #tpu.memory_space<hbm>> -> memref<2x4x4x512xf32, #tpu.memory_space<hbm>>
        %dma_wait3A_325 = arith.constant 0 : i32
        %dma_wait3A_326 = arith.constant 0 : i32
        %dma_wait3A_327 = arith.constant 0 : i32
        %dma_wait3A_328 = tpu.memref_slice %arg7[%add3A_313, %dma_wait3A_325, %dma_wait3A_326, %dma_wait3A_327] : memref<1024x4x4x512xf32, #tpu.memory_space<hbm>> -> memref<2x4x4x512xf32, #tpu.memory_space<hbm>>
        %dma_wait3A_329 = arith.constant 0 : i32
        %dma_wait3A_330 = arith.constant 0 : i32
        %dma_wait3A_331 = arith.constant 0 : i32
        %dma_wait3A_332 = arith.constant 0 : i32
        %dma_wait3A_333 = tpu.memref_slice %arg11[%dma_wait3A_314, %dma_wait3A_329, %dma_wait3A_330, %dma_wait3A_331, %dma_wait3A_332] : memref<2x2x4x4x512xf32, #tpu.memory_space<vmem>> -> memref<1x2x4x4x512xf32, #tpu.memory_space<vmem>>
        %dma_wait3A_334 = tpu.memref_squeeze %dma_wait3A_333 : memref<1x2x4x4x512xf32, #tpu.memory_space<vmem>> -> memref<2x4x4x512xf32, #tpu.memory_space<vmem>>
        tpu.wait_dma2 semaphore(%arg18 : memref<!tpu.dma_semaphore, #tpu.memory_space<semaphore_mem>>) src(%dma_wait3A_334 : memref<2x4x4x512xf32, #tpu.memory_space<vmem>>) dst(%dma_wait3A_328 : memref<2x4x4x512xf32, #tpu.memory_space<hbm>>)
        %add3A_335 = arith.constant 2 : i32
        %add3A_336 = arith.addi %add3A_228, %add3A_335 : i32
        %mul3A_337 = arith.constant 2 : i32
        %mul3A_338 = arith.muli %add3A_336, %mul3A_337 : i32
        %add3A_339 = arith.addi %mul3A_2, %mul3A_338 : i32
        %dma_start3A_340 = arith.constant 1 : i32
        %dma_start3A_341 = arith.constant 0 : i32
        %dma_start3A_342 = arith.constant 0 : i32
        %dma_start3A_343 = arith.constant 0 : i32
        %dma_start3A_344 = arith.constant 0 : i32
        %dma_start3A_345 = tpu.memref_slice %arg11[%dma_start3A_340, %dma_start3A_341, %dma_start3A_342, %dma_start3A_343, %dma_start3A_344] : memref<2x2x4x4x512xf32, #tpu.memory_space<vmem>> -> memref<1x2x4x4x512xf32, #tpu.memory_space<vmem>>
        %dma_start3A_346 = tpu.memref_squeeze %dma_start3A_345 : memref<1x2x4x4x512xf32, #tpu.memory_space<vmem>> -> memref<2x4x4x512xf32, #tpu.memory_space<vmem>>
        %dma_start3A_347 = arith.constant 0 : i32
        %dma_start3A_348 = arith.constant 0 : i32
        %dma_start3A_349 = arith.constant 0 : i32
        %dma_start3A_350 = tpu.memref_slice %arg5[%add3A_339, %dma_start3A_347, %dma_start3A_348, %dma_start3A_349] : memref<1024x4x4x512xf32, #tpu.memory_space<hbm>> -> memref<2x4x4x512xf32, #tpu.memory_space<hbm>>
        %dma_start3A_351 = arith.constant 0 : i32
        %dma_start3A_352 = arith.constant 0 : i32
        %dma_start3A_353 = arith.constant 0 : i32
        %dma_start3A_354 = arith.constant 0 : i32
        %dma_start3A_355 = tpu.memref_slice %arg11[%dma_start3A_340, %dma_start3A_351, %dma_start3A_352, %dma_start3A_353, %dma_start3A_354] : memref<2x2x4x4x512xf32, #tpu.memory_space<vmem>> -> memref<1x2x4x4x512xf32, #tpu.memory_space<vmem>>
        %dma_start3A_356 = tpu.memref_squeeze %dma_start3A_355 : memref<1x2x4x4x512xf32, #tpu.memory_space<vmem>> -> memref<2x4x4x512xf32, #tpu.memory_space<vmem>>
        %dma_start3A_357 = arith.constant 0 : i32
        %dma_start3A_358 = arith.constant 0 : i32
        %dma_start3A_359 = arith.constant 0 : i32
        %dma_start3A_360 = tpu.memref_slice %arg5[%add3A_339, %dma_start3A_357, %dma_start3A_358, %dma_start3A_359] : memref<1024x4x4x512xf32, #tpu.memory_space<hbm>> -> memref<2x4x4x512xf32, #tpu.memory_space<hbm>>
        tpu.enqueue_dma source(%dma_start3A_360 : memref<2x4x4x512xf32, #tpu.memory_space<hbm>>) target(%dma_start3A_356 : memref<2x4x4x512xf32, #tpu.memory_space<vmem>>) target_semaphore(%arg16 : memref<!tpu.dma_semaphore, #tpu.memory_space<semaphore_mem>>)
        %dma_start3A_361 = arith.constant 1 : i32
        %dma_start3A_362 = arith.constant 0 : i32
        %dma_start3A_363 = arith.constant 0 : i32
        %dma_start3A_364 = arith.constant 0 : i32
        %dma_start3A_365 = arith.constant 0 : i32
        %dma_start3A_366 = tpu.memref_slice %arg12[%dma_start3A_361, %dma_start3A_362, %dma_start3A_363, %dma_start3A_364, %dma_start3A_365] : memref<2x2x4x4x512xf32, #tpu.memory_space<vmem>> -> memref<1x2x4x4x512xf32, #tpu.memory_space<vmem>>
        %dma_start3A_367 = tpu.memref_squeeze %dma_start3A_366 : memref<1x2x4x4x512xf32, #tpu.memory_space<vmem>> -> memref<2x4x4x512xf32, #tpu.memory_space<vmem>>
        %dma_start3A_368 = arith.constant 0 : i32
        %dma_start3A_369 = arith.constant 0 : i32
        %dma_start3A_370 = arith.constant 0 : i32
        %dma_start3A_371 = tpu.memref_slice %arg6[%add3A_339, %dma_start3A_368, %dma_start3A_369, %dma_start3A_370] : memref<1024x4x4x512xf32, #tpu.memory_space<hbm>> -> memref<2x4x4x512xf32, #tpu.memory_space<hbm>>
        %dma_start3A_372 = arith.constant 0 : i32
        %dma_start3A_373 = arith.constant 0 : i32
        %dma_start3A_374 = arith.constant 0 : i32
        %dma_start3A_375 = arith.constant 0 : i32
        %dma_start3A_376 = tpu.memref_slice %arg12[%dma_start3A_361, %dma_start3A_372, %dma_start3A_373, %dma_start3A_374, %dma_start3A_375] : memref<2x2x4x4x512xf32, #tpu.memory_space<vmem>> -> memref<1x2x4x4x512xf32, #tpu.memory_space<vmem>>
        %dma_start3A_377 = tpu.memref_squeeze %dma_start3A_376 : memref<1x2x4x4x512xf32, #tpu.memory_space<vmem>> -> memref<2x4x4x512xf32, #tpu.memory_space<vmem>>
        %dma_start3A_378 = arith.constant 0 : i32
        %dma_start3A_379 = arith.constant 0 : i32
        %dma_start3A_380 = arith.constant 0 : i32
        %dma_start3A_381 = tpu.memref_slice %arg6[%add3A_339, %dma_start3A_378, %dma_start3A_379, %dma_start3A_380] : memref<1024x4x4x512xf32, #tpu.memory_space<hbm>> -> memref<2x4x4x512xf32, #tpu.memory_space<hbm>>
        tpu.enqueue_dma source(%dma_start3A_381 : memref<2x4x4x512xf32, #tpu.memory_space<hbm>>) target(%dma_start3A_377 : memref<2x4x4x512xf32, #tpu.memory_space<vmem>>) target_semaphore(%arg17 : memref<!tpu.dma_semaphore, #tpu.memory_space<semaphore_mem>>)
      } else {
      }
      %scan3A_310 = arith.constant 0 : i32
      scf.yield %scan3A_310 : i32
    }
    %scan3A_95 = arith.constant 8 : i32
    %add3A_96 = arith.constant 28 : i32
    %add3A_97 = arith.addi %mul3A_2, %add3A_96 : i32
    %dma_wait3A = arith.constant 0 : i32
    %dma_wait3A_98 = arith.constant 0 : i32
    %dma_wait3A_99 = arith.constant 0 : i32
    %dma_wait3A_100 = arith.constant 0 : i32
    %dma_wait3A_101 = arith.constant 0 : i32
    %dma_wait3A_102 = tpu.memref_slice %arg11[%dma_wait3A, %dma_wait3A_98, %dma_wait3A_99, %dma_wait3A_100, %dma_wait3A_101] : memref<2x2x4x4x512xf32, #tpu.memory_space<vmem>> -> memref<1x2x4x4x512xf32, #tpu.memory_space<vmem>>
    %dma_wait3A_103 = tpu.memref_squeeze %dma_wait3A_102 : memref<1x2x4x4x512xf32, #tpu.memory_space<vmem>> -> memref<2x4x4x512xf32, #tpu.memory_space<vmem>>
    %dma_wait3A_104 = arith.constant 0 : i32
    %dma_wait3A_105 = arith.constant 0 : i32
    %dma_wait3A_106 = arith.constant 0 : i32
    %dma_wait3A_107 = tpu.memref_slice %arg7[%add3A_97, %dma_wait3A_104, %dma_wait3A_105, %dma_wait3A_106] : memref<1024x4x4x512xf32, #tpu.memory_space<hbm>> -> memref<2x4x4x512xf32, #tpu.memory_space<hbm>>
    %dma_wait3A_108 = arith.constant 0 : i32
    %dma_wait3A_109 = arith.constant 0 : i32
    %dma_wait3A_110 = arith.constant 0 : i32
    %dma_wait3A_111 = tpu.memref_slice %arg7[%add3A_97, %dma_wait3A_108, %dma_wait3A_109, %dma_wait3A_110] : memref<1024x4x4x512xf32, #tpu.memory_space<hbm>> -> memref<2x4x4x512xf32, #tpu.memory_space<hbm>>
    %dma_wait3A_112 = arith.constant 0 : i32
    %dma_wait3A_113 = arith.constant 0 : i32
    %dma_wait3A_114 = arith.constant 0 : i32
    %dma_wait3A_115 = arith.constant 0 : i32
    %dma_wait3A_116 = tpu.memref_slice %arg11[%dma_wait3A, %dma_wait3A_112, %dma_wait3A_113, %dma_wait3A_114, %dma_wait3A_115] : memref<2x2x4x4x512xf32, #tpu.memory_space<vmem>> -> memref<1x2x4x4x512xf32, #tpu.memory_space<vmem>>
    %dma_wait3A_117 = tpu.memref_squeeze %dma_wait3A_116 : memref<1x2x4x4x512xf32, #tpu.memory_space<vmem>> -> memref<2x4x4x512xf32, #tpu.memory_space<vmem>>
    tpu.wait_dma2 semaphore(%arg15 : memref<!tpu.dma_semaphore, #tpu.memory_space<semaphore_mem>>) src(%dma_wait3A_117 : memref<2x4x4x512xf32, #tpu.memory_space<vmem>>) dst(%dma_wait3A_111 : memref<2x4x4x512xf32, #tpu.memory_space<hbm>>)
    %add3A_118 = arith.constant 30 : i32
    %add3A_119 = arith.addi %mul3A_2, %add3A_118 : i32
    %dma_wait3A_120 = arith.constant 1 : i32
    %dma_wait3A_121 = arith.constant 0 : i32
    %dma_wait3A_122 = arith.constant 0 : i32
    %dma_wait3A_123 = arith.constant 0 : i32
    %dma_wait3A_124 = arith.constant 0 : i32
    %dma_wait3A_125 = tpu.memref_slice %arg11[%dma_wait3A_120, %dma_wait3A_121, %dma_wait3A_122, %dma_wait3A_123, %dma_wait3A_124] : memref<2x2x4x4x512xf32, #tpu.memory_space<vmem>> -> memref<1x2x4x4x512xf32, #tpu.memory_space<vmem>>
    %dma_wait3A_126 = tpu.memref_squeeze %dma_wait3A_125 : memref<1x2x4x4x512xf32, #tpu.memory_space<vmem>> -> memref<2x4x4x512xf32, #tpu.memory_space<vmem>>
    %dma_wait3A_127 = arith.constant 0 : i32
    %dma_wait3A_128 = arith.constant 0 : i32
    %dma_wait3A_129 = arith.constant 0 : i32
    %dma_wait3A_130 = tpu.memref_slice %arg7[%add3A_119, %dma_wait3A_127, %dma_wait3A_128, %dma_wait3A_129] : memref<1024x4x4x512xf32, #tpu.memory_space<hbm>> -> memref<2x4x4x512xf32, #tpu.memory_space<hbm>>
    %dma_wait3A_131 = arith.constant 0 : i32
    %dma_wait3A_132 = arith.constant 0 : i32
    %dma_wait3A_133 = arith.constant 0 : i32
    %dma_wait3A_134 = tpu.memref_slice %arg7[%add3A_119, %dma_wait3A_131, %dma_wait3A_132, %dma_wait3A_133] : memref<1024x4x4x512xf32, #tpu.memory_space<hbm>> -> memref<2x4x4x512xf32, #tpu.memory_space<hbm>>
    %dma_wait3A_135 = arith.constant 0 : i32
    %dma_wait3A_136 = arith.constant 0 : i32
    %dma_wait3A_137 = arith.constant 0 : i32
    %dma_wait3A_138 = arith.constant 0 : i32
    %dma_wait3A_139 = tpu.memref_slice %arg11[%dma_wait3A_120, %dma_wait3A_135, %dma_wait3A_136, %dma_wait3A_137, %dma_wait3A_138] : memref<2x2x4x4x512xf32, #tpu.memory_space<vmem>> -> memref<1x2x4x4x512xf32, #tpu.memory_space<vmem>>
    %dma_wait3A_140 = tpu.memref_squeeze %dma_wait3A_139 : memref<1x2x4x4x512xf32, #tpu.memory_space<vmem>> -> memref<2x4x4x512xf32, #tpu.memory_space<vmem>>
    tpu.wait_dma2 semaphore(%arg18 : memref<!tpu.dma_semaphore, #tpu.memory_space<semaphore_mem>>) src(%dma_wait3A_140 : memref<2x4x4x512xf32, #tpu.memory_space<vmem>>) dst(%dma_wait3A_134 : memref<2x4x4x512xf32, #tpu.memory_space<hbm>>)
    return
  }
}

</mosaic_0001>

<sc_bundles>
// kernel: kernel.3.cloned.1.call-start
scs
__scs_entry_jumppad:
0x0: {  	(pc) =	sbr.rel $0x88, $3  }
0x1: {  	(tag) =	ssettag $0x0;
	lr =	simm.s32 $0x1  }
0x2: {  	[smem:$0x3F9E] =	sst lr;
	_ =	strace $0xD0000000  }
0x3: {  	_ = 	snop  }
0x4: {  	_ = 	snop  }
0x5: {  	_ = 	snop  }
0x6: {  	_ = 	snop  }
0x7: {  	_ = 	snop  }
__scs_overlays_trampoline_lowered:
0x8: {  	[smem:$0x3FAD] =	sst s0  }
0x9: {  	[smem:$0x3FAE] =	sst s1  }
0xa: {  	[smem:$0x3FAF] =	sst s2  }
0xb: {  	[smem:$0x3FB0] =	sst s3  }
0xc: {  	[smem:$0x3FB1] =	sst s4  }
0xd: {  	[smem:$0x3FB2] =	sst s5  }
0xe: {  	[smem:$0x3FB3] =	sst s6  }
0xf: {  	[smem:$0x3FB4] =	sst s7  }
0x10: {  	[smem:$0x3FB5] =	sst s8  }
0x11: {  	[smem:$0x3FB6] =	sst s9;
	s0 =	simm.s32 @!p0 $0x0  }
0x12: {  	s1 =	sld [smem:$0x3F9C];
	s0 =	simm.s32 @p0 $0x1  }
0x13: {  	[smem:$0x3FB7] =	sst s0;
	s0 =	simm.s32 @!p1 $0x0  }
0x14: {  	s2 =	sld [smem:$0x3F9B];
	s0 =	simm.s32 @p1 $0x1  }
0x15: {  	[smem:$0x3FB8] =	sst s0;
	s0 =	simm.s32 @!p2 $0x0  }
0x16: {  	s3 =	sld [smem:$0x3FDB];
	s0 =	simm.s32 @p2 $0x1  }
0x17: {  	s4 =	simm.s32 $0x1BF5;
	[smem:$0x3FBA] =	sst s0  }
0x18: {  	s0 =	sld [smem:$0x3F9D];
	_ =	swait.ge [sflag:s4], $0x0  }
0x19: {  	s7 =	sld [smem:$0x3F9E]  }
0x1a: {  	s8 =	sadd.s32 $0xFFFFE003, lr  }
0x1b: {  	s9 =	sadd.s32 $0xFFFFFEF7, lr;
	s5 =	simm.s32 $0xFFFFFFFF;
	p2 =	slt.u32 s8, $0xFFFFF086  }
0x1c: {  	p1 =	slt.u32 s9, $0xF7A;
	s5 =	simm.s32 @!p2 $0x0  }
0x1d: {  	s5 =	simm.s32 @p1 $0x1;
	p0 =	seq.s32 s7, s2  }
0x1e: {  	s7 =	smul.u32 @!p0 $0xF7A, s2;
	p2 =	seq.s32 @!p0 s5, $0x0  }
0x1f: {  	s9 =	smul.u32 $0xF7A, s1;
	s8 =	simm.s32 @!p0 $0x1BF5;
	p2 =	por !p2, p0  }
0x20: {  	[sflag:s8] =	ssyncset.s32 @!p0 $0xFFFFF086;
	s6 =	sadd.s32 @!p0 s3, s7;
	s7 =	simm.s32 @!p0 $0x108  }
0x21: {  	s3 =	sadd.s32 s3, s9;
	s6 =	sadd.s32 @!p0 $0x88, s6;
	s7 =	simm.s32 @p2 $0x1082  }
0x22: {  	[simem:s7], [sflag:s8] =	dma.local @!p0 [hbm:s6], $0xF7A  }
0x23: {  	s9 =	sor.u32 $0xD0000000, s2;
	s6 =	simm.s32 $0x108;
	_ =	swait.ge @!p0 [sflag:s8], $0x0  }
0x24: {  	s3 =	sadd.s32 $0x88, s3;
	s6 =	simm.s32 @!p1 $0x1082;
	[sflag:s4] =	ssyncset.s32 $0xFFFFF086  }
0x25: {  	[simem:s6], [sflag:s4] =	dma.local [hbm:s3], $0xF7A  }
0x26: {  	[smem:$0x3F9E] =	sst s1;
	(tag) =	ssettag s2;
	_ =	strace s9  }
0x27: {  	s1 =	sld [smem:$0x3FAE]  }
0x28: {  	s2 =	sld [smem:$0x3FAF]  }
0x29: {  	s4 =	sld [smem:$0x3FB1]  }
0x2a: {  	p0 =	seq.s32 s5, $0x0;
	s5 =	sld [smem:$0x3FB2]  }
0x2b: {  	s6 =	sld [smem:$0x3FB3]  }
0x2c: {  	s7 =	sld [smem:$0x3FB4]  }
0x2d: {  	s3 =	simm.s32 $0x108;
	s8 =	sld [smem:$0x3FB5]  }
0x2e: {  	s3 =	simm.s32 @!p0 $0x1082;
	s9 =	sld [smem:$0x3FB6]  }
0x2f: {  	lr =	sadd.s32 s0, s3;
	s0 =	sld [smem:$0x3FAD]  }
0x30: {  	s3 =	sld [smem:$0x3FB0]  }
0x31: {  	[smem:$0x3FB9] =	sst s10  }
0x32: {  	s10 =	sld [smem:$0x3FB7];
	_ =	sdelay $0x3  }
0x33: {  	p0 =	seq.s32 s10, $0x1;
	s10 =	sld [smem:$0x3FB9];
	_ =	sdelay $0x3  }
0x34: {  	[smem:$0x3FB9] =	sst s10  }
0x35: {  	s10 =	sld [smem:$0x3FB8];
	_ =	sdelay $0x3  }
0x36: {  	p1 =	seq.s32 s10, $0x1;
	s10 =	sld [smem:$0x3FB9];
	_ =	sdelay $0x3  }
0x37: {  	[smem:$0x3FB9] =	sst s10  }
0x38: {  	s10 =	sld [smem:$0x3FBA]  }
0x39: {  	_ = 	snop;
	(pc) =	sbr.ind lr, $3  }
0x3a: {  	_ = 	snop  }
0x3b: {  	_ = 	snop  }
0x3c: {  	p2 =	seq.s32 s10, $0x1;
	s10 =	sld [smem:$0x3FB9]  }
0x3d: {  	_ =	shalt  }
0x3e: {  	_ =	shalt  }
0x3f: {  	_ =	shalt  }
0x40: {  	_ =	shalt  }
0x41: {  	_ =	shalt  }
0x42: {  	_ =	shalt  }
0x43: {  	_ =	shalt  }
0x44: {  	_ =	shalt  }
0x45: {  	_ =	shalt  }
0x46: {  	_ =	shalt  }
0x47: {  	_ =	shalt  }
0x48: {  	_ =	shalt  }
0x49: {  	_ =	shalt  }
0x4a: {  	_ =	shalt  }
0x4b: {  	_ =	shalt  }
0x4c: {  	_ =	shalt  }
0x4d: {  	_ =	shalt  }
0x4e: {  	_ =	shalt  }
0x4f: {  	_ =	shalt  }
0x50: {  	_ =	shalt  }
0x51: {  	_ =	shalt  }
0x52: {  	_ =	shalt  }
0x53: {  	_ =	shalt  }
0x54: {  	_ =	shalt  }
0x55: {  	_ =	shalt  }
0x56: {  	_ =	shalt  }
0x57: {  	_ =	shalt  }
0x58: {  	_ =	shalt  }
0x59: {  	_ =	shalt  }
0x5a: {  	_ =	shalt  }
0x5b: {  	_ =	shalt  }
0x5c: {  	_ =	shalt  }
0x5d: {  	_ =	shalt  }
0x5e: {  	_ =	shalt  }
0x5f: {  	_ =	shalt  }
0x60: {  	_ =	shalt  }
0x61: {  	_ =	shalt  }
0x62: {  	_ =	shalt  }
0x63: {  	_ =	shalt  }
0x64: {  	_ =	shalt  }
0x65: {  	_ =	shalt  }
0x66: {  	_ =	shalt  }
0x67: {  	_ =	shalt  }
0x68: {  	_ =	shalt  }
0x69: {  	_ =	shalt  }
0x6a: {  	_ =	shalt  }
0x6b: {  	_ =	shalt  }
0x6c: {  	_ =	shalt  }
0x6d: {  	_ =	shalt  }
0x6e: {  	_ =	shalt  }
0x6f: {  	_ =	shalt  }
0x70: {  	_ =	shalt  }
0x71: {  	_ =	shalt  }
0x72: {  	_ =	shalt  }
0x73: {  	_ =	shalt  }
0x74: {  	_ =	shalt  }
0x75: {  	_ =	shalt  }
0x76: {  	_ =	shalt  }
0x77: {  	_ =	shalt  }
0x78: {  	_ =	shalt  }
0x79: {  	_ =	shalt  }
0x7a: {  	_ =	shalt  }
0x7b: {  	_ =	shalt  }
0x7c: {  	_ =	shalt  }
0x7d: {  	_ =	shalt  }
0x7e: {  	_ =	shalt  }
0x7f: {  	_ =	shalt  }
0x80: {  	_ =	shalt  }
0x81: {  	_ =	shalt  }
0x82: {  	_ =	shalt  }
0x83: {  	_ =	shalt  }
0x84: {  	_ =	shalt  }
0x85: {  	_ =	shalt  }
0x86: {  	_ =	shalt  }
0x87: {  	_ =	shalt  }
.Lfunc_end0:
.L_simem_size_0:
called_computation_lowered:
.L_overlay_start_0:
0x88: {  	s2 =	sld [smem:$0x3FD9]  }
0x89: {  	s3 =	sld [smem:$0x3FFE];
	_ =	sdelay $0x1  }
0x8a: {  	s1 =	srdreg.scid  }
0x8b: {  	s0 =	sand.u32 $0x1, s1  }
0x8c: {  	s17 =	sshll.u32 s0, $0xA;
	s2 =	sadd.s32 s3, s2  }
0x8d: {  	s2 =	sadd.s32 s2, s17  }
0x8e: {  	[smem:$0x3FC5] =	sst s2  }
0x8f: {  	_ = 	snop  }
0x90: {  	s2 =	sld [smem:$0x3FC9]  }
0x91: {  	s18 =	sld [smem:$0x3FC8]  }
0x92: {  	s4 =	sld [smem:$0x3FC7]  }
0x93: {  	s5 =	sld [smem:$0x3FD0];
	(tm) =	ssettm $0x1  }
0x94: {  	s6 =	sld [smem:$0x3FFB];
	_ =	sdelay $0x3  }
0x95: {  	_ =	strace s6  }
0x96: {  	s6 =	sld [smem:$0x3FFC];
	_ =	sdelay $0x3  }
0x97: {  	_ =	strace s6  }
0x98: {  	s6 =	sld [smem:$0x3FFD];
	_ =	sdelay $0x3  }
0x99: {  	_ =	strace s6  }
0x9a: {  	_ =	strace $0x8FFFFFFF  }
0x9b: {  	s19 =	sld [smem:$0x3FDB];
	_ =	sdelay $0x1  }
0x9c: {  	s7 =	simm.s32 $_scs_section_size  }
0x9d: {  	s8 =	simm.s32 $_size__tile_overlayer_lowered;
	s9 =	simm.s32 $_tile_overlayer_lowered  }
0x9e: {  	s22 =	simm.s32 $0x1BFF;
	s21 =	sshll.u32 s9, $0x1;
	s6 =	sadd.s32 s7, s19  }
0x9f: {  	s10 =	simm.s32 $0x0;
	s20 =	sshll.u32 s8, $0x1;
	s8 =	sadd.s32 s21, s6  }
0xa0: {  	[timem:s10], [sflag:s22] =	dma.local [hbm:s8], s20  }
0xa1: {  	_ =	swait.ge [sflag:s22], s20  }
0xa2: {  	s7 =	ssub.s32 $0x0, s20;
	[sflag:s22] =	ssyncset.done $0x0  }
0xa3: {  	[sflag:s22] =	ssyncadd.s32 s7;
	_ =	sdelay $0x1  }
0xa4: {  	s23 =	simm.s32 $0x1B8B  }
0xa5: {  	_ =	swait.ge [sflag:s23], $0x1  }
0xa6: {  	[sflag:s23] =	ssyncset.done $0x0  }
0xa7: {  	s25 =	simm.s32 $0x1B8E;
	s24 =	sld [smem:$0x3FFE];
	[sflag:s23] =	ssyncadd.s32 $0xFFFFFFFF  }
0xa8: {  	s26 =	simm.s32 $execute0_lowered;
	[smem:$0x3FD2] =	sst s25  }
0xa9: {  	s8 =	sshll.u32 s26, $0x1;
	_ =	strace $0x80000046;
	[dreg:$0x1] =	wrdreg $0xFFFFFFFF  }
0xaa: {  	s28 =	simm.s32 $_size_execute0_lowered;
	s6 =	sadd.s32 s6, s8;
	[dreg:$0x0] =	wrdreg $0x0  }
0xab: {  	s8 =	sshll.u32 s28, $0x1;
	[dreg:$0x2] =	wrdreg s6  }
0xac: {  	[dreg:$0x3] =	wrdreg s8  }
0xad: {  	[dreg:$0x4] =	wrdreg $0xC0  }
0xae: {  	_ =	task [dreg:s10], $0x5FFFF  }
0xaf: {  	[dreg:$0x1] =	wrdreg $0xFFFFFFFF  }
0xb0: {  	[dreg:$0x0] =	wrdreg $0x60  }
0xb1: {  	[dreg:$0x2] =	wrdreg s24  }
0xb2: {  	[dreg:$0x3] =	wrdreg s18  }
0xb3: {  	[dreg:$0x4] =	wrdreg s2  }
0xb4: {  	[dreg:$0x5] =	wrdreg s4  }
0xb5: {  	[dreg:$0x6] =	wrdreg s5  }
0xb6: {  	[dreg:$0x7] =	wrdreg $0x9  }
0xb7: {  	_ =	task.clear_ibuf [dreg:s10], $0x8FFFF;
	_ =	strace $0x90000046  }
0xb8: {  	s29 =	simm.s32 $0x9;
	_ =	strace $0x80000048  }
0xb9: {  	_ =	swait.ge [sflag:s29], $0x1  }
0xba: {  	[sflag:s29] =	ssyncadd.s32 $0xFFFFFFFF  }
0xbb: {  	_ =	strace $0x90000048  }
0xbc: {  	_ =	sfence  }
0xbd: {  	s30 =	sld [smem:$0x0];
	_ =	sdelay $0x2  }
0xbe: {  	s31 =	sshll.u32 s1, $0xD;
	s1 =	sshrl.u32 s1, $0x2  }
0xbf: {  	s3 =	sand.u32 $0x4000, s31;
	s1 =	sadd.s32 s1, s30  }
0xc0: {  	s0 =	sor.u32 s3, s0;
	s1 =	sshll.u32 s1, $0x11  }
0xc1: {  	s0 =	sor.u32 s1, s0  }
0xc2: {  	s0 =	sadd.s32 $0x8F2B, s0  }
0xc3: {  	[sflag:s0] =	ssyncadd.remote.s32 $0x1  }
0xc4: {  	_ =	sfence.sel $0xFFFF  }
0xc5: {  	[dreg:$0x0] =	wrdreg $0xFFFFFFFF;
	(pc) =	sbr.abs _section_cstart, $3  }
0xc6: {  	[dreg:$0x1] =	wrdreg $0xFFFFFFFF  }
0xc7: {  	_ =	task.clear_ibuf [dreg:s10], $0x2FFFF;
	_ =	strace $0x9FFFFFFF  }
0xc8: {  	(tm) =	ssettm $0x7FFFFFFF  }
0xc9: {  	_ =	shalt  }
tec
execute0_lowered:
.L_overlay_start_1:
0x0: {  	(tag) =	ssettag $0x1  }
0x1: {  	s0 =	rddreg [dreg:$0x0]  }
0x2: {  	s4 =	rddreg [dreg:$0x1]  }
0x3: {  	s1 =	rddreg [dreg:$0x2]  }
0x4: {  	s2 =	rddreg [dreg:$0x3]  }
0x5: {  	s3 =	rddreg [dreg:$0x4]  }
0x6: {  	s5 =	simm.s32 $0x0;
	s6 =	srdreg.scid;
	s7 =	stileid.u32  }
0x7: {  	s17 =	simm.s32 $0x7;
	s20 =	simm.s32 $0x280;
	s28 =	simm.s32 $0x5  }
0x8: {  	s29 =	simm.s32 $0x3;
	s30 =	simm.s32 $0x6;
	s31 =	simm.s32 $0x0  }
0x9: {  	[smem:$0x7FF] =	sst s5;
	s6 =	sand.u32 $0x1, s6;
	s8 =	sadd.s32 $0x600, s0  }
0xa: {  	s7 =	sshll.u32 s7, $0x6;
	s0 =	sadd.s32 $0x400, s0;
	_ =	strace $0x80000047  }
0xb: {  	[dreg:$0x6] =	wrdreg s8;
	s22 =	sshll.u32 s6, $0x5;
	s23 =	ssub.s32 $0x2, s6  }
0xc: {  	[dreg:$0x7] =	wrdreg s0;
	s8 =	sor.u32 s22, s7;
	s6 =	sshrl.u32 s23, $0x1  }
0xd: {  	s22 =	simm.s32 $0x4280;
	s7 =	sshrl.u32 s8, $0x3;
	s9 =	sshll.u32 s8, $0xA  }
0xe: {  	s0 =	ssub.s32 s23, s6;
	s14 =	sor.u32 $0x4, s8;
	s15 =	sor.u32 $0x6, s8  }
.Ltmp0:
0xf: {  	s23 =	simm.s32 $0xC280;
	s4 =	sadd.s32 s4, s7;
	(pc) =	sbr.rel .LBB2_1-.Ltmp0, $4  }
0x10: {  	s24 =	sor.u32 $0x800, s9;
	s25 =	sadd.s32 s1, s9;
	[dreg:$0x8] =	wrdreg s4  }
0x11: {  	s26 =	sadd.s32 s2, s9;
	s16 =	smax.u32 s0, $0x1;
	[dreg:$0x9] =	wrdreg s25  }
0x12: {  	[dreg:$0xa] =	wrdreg s26;
	s12 =	sadd.s32 s1, s24;
	s13 =	sadd.s32 s2, s24  }
0x13: {  	s24 =	simm.s32 $0x1;
	s25 =	simm.s32 $0x2;
	s26 =	simm.s32 $0x4  }
.LBB2_12:
0x14: {  	s31 =	sadd.s32 $0x1, s31  }
0x15: {  	_ =	swait.ge [sflag:s29], $0x4000;
	p0 =	sne.s32 s31, s16  }
.Ltmp1:
0x16: {  	[sflag:s29] =	ssyncset.done $0x0;
	(pc) =	sbr.rel @!p0 .LBB2_13-.Ltmp1, $4  }
0x17: {  	[sflag:s29] =	ssyncadd.s32 $0xFFFFC000  }
0x18: {  	_ =	swait.ge [sflag:s30], $0x4000  }
0x19: {  	[sflag:s30] =	ssyncset.done $0x0  }
0x1a: {  	[sflag:s30] =	ssyncadd.s32 $0xFFFFC000  }
.LBB2_1:
0x1b: {  	s0 =	rddreg [dreg:$0x6]  }
0x1c: {  	[tilespmem:s5], [sflag:$0x7] =	stream.linear.gather [hbm4b:s0+s5], $0xD0, $0x38;
	[tilespmem:$0x10280] =	vst v63  }
0x1d: {  	_ =	swait.ge [sflag:s17], $0xD0  }
0x1e: {  	[sflag:s17] =	ssyncset.done $0x0  }
0x1f: {  	s4 =	simm.s32 $0x100;
	s9 =	rddreg [dreg:$0x7];
	[sflag:s17] =	ssyncadd.s32 $0xFFFFFF30  }
0x20: {  	[tilespmem:s4], [sflag:$0x7] =	stream.linear.gather [hbm4b:s9+s5], $0xD0, $0x38;
	[tilespmem:$0x10280] =	vst v63  }
0x21: {  	_ =	swait.ge [sflag:s17], $0xD0  }
0x22: {  	[sflag:s17] =	ssyncset.done $0x0  }
0x23: {  	s11 =	simm.s32 $0x200;
	s10 =	rddreg [dreg:$0x8];
	[sflag:s17] =	ssyncadd.s32 $0xFFFFFF30  }
0x24: {  	[tilespmem:s11], [sflag:$0x7] =	stream.linear.gather [hbm4b:s10+s5], $0x20, $0x38;
	[tilespmem:$0x10280] =	vst v63  }
0x25: {  	_ =	swait.ge [sflag:s17], $0x20  }
0x26: {  	[sflag:s17] =	ssyncset.done $0x0  }
0x27: {  	s18 =	rddreg [dreg:$0x9];
	[sflag:s17] =	ssyncadd.s32 $0xFFFFFFE0  }
0x28: {  	[tilespmem:s20], [sflag:$0x1] =	stream.linear.gather [hbm4b:s18+s5], $0x4000, $0x38;
	[tilespmem:$0x10280] =	vst v63  }
0x29: {  	s21 =	simm.s32 $0x8280;
	s19 =	rddreg [dreg:$0xa]  }
0x2a: {  	[tilespmem:s21], [sflag:$0x2] =	stream.linear.gather [hbm4b:s19+s5], $0x4000, $0x38;
	[tilespmem:$0x10280] =	vst v63  }
0x2b: {  	_ = 	snop  }
0x2c: {  	[tilespmem:s22], [sflag:$0x4] =	stream.linear.gather [hbm4b:s12+s5], $0x4000, $0x38;
	[tilespmem:$0x10280] =	vst v63  }
0x2d: {  	s0 =	simm.s32 $0x0  }
0x2e: {  	[tilespmem:s23], [sflag:$0x5] =	stream.linear.gather [hbm4b:s13+s5], $0x4000, $0x38;
	[tilespmem:$0x10280] =	vst v63  }
.LBB2_2:
0x2f: {  	_ =	swait.ge [sflag:s24], $0x4000  }
0x30: {  	[sflag:s24] =	ssyncset.done $0x0  }
0x31: {  	[sflag:s24] =	ssyncadd.s32 $0xFFFFC000  }
0x32: {  	s4 =	sshll.u32 s0, $0x2;
	_ =	swait.ge [sflag:s25], $0x4000  }
0x33: {  	s18 =	simm.s32 $0x0;
	s6 =	sadd.s32 $0x200, s4;
	[sflag:s25] =	ssyncset.done $0x0  }
0x34: {  	p1 =	por $0x1, $0x1;
	v0 =	vmov s6;
	s6 =	simm.s32 $0x0;
	[sflag:s25] =	ssyncadd.s32 $0xFFFFC000  }
.LBB2_3:
0x35: {  	_ =	sdelay $0x2  }
0x36: {  	s21 =	sshll.u32 s6, $0xD;
	s19 =	sand.u32 $0x1800, s18  }
0x37: {  	v1 =	vld.idx.msk [tilespmem:v0+s6+$0x0 ss:$0x1], $0xffff;
	s9 =	sand.u32 $0x180, s18;
	s6 =	sor.u32 s21, s19  }
0x38: {  	s19 =	sor.u32 s9, s6  }
0x39: {  	v11 =	vld [tilespmem:s19+$0x8280]  }
0x3a: {  	v12 =	vld [tilespmem:s19+$0x8290]  }
0x3b: {  	v13 =	vld [tilespmem:s19+$0x82A0]  }
0x3c: {  	v14 =	vld [tilespmem:s19+$0x82B0]  }
0x3d: {  	v15 =	vld [tilespmem:s19+$0x82C0]  }
0x3e: {  	v16 =	vld [tilespmem:s19+$0x82D0]  }
0x3f: {  	v17 =	vld [tilespmem:s19+$0x82E0]  }
0x40: {  	v18 =	vld [tilespmem:s19+$0x82F0]  }
0x41: {  	v19 =	vld [tilespmem:s19+$0x8480]  }
0x42: {  	v20 =	vld [tilespmem:s19+$0x8490]  }
0x43: {  	v21 =	vld [tilespmem:s19+$0x84A0]  }
0x44: {  	v22 =	vld [tilespmem:s19+$0x84B0]  }
0x45: {  	v23 =	vld [tilespmem:s19+$0x84C0]  }
0x46: {  	v24 =	vld [tilespmem:s19+$0x84D0]  }
0x47: {  	v25 =	vld [tilespmem:s19+$0x84E0]  }
0x48: {  	v26 =	vld [tilespmem:s19+$0x84F0]  }
0x49: {  	v27 =	vld [tilespmem:s19+$0x8680]  }
0x4a: {  	v28 =	vld [tilespmem:s19+$0x8690];
	(v2sf) =	vpush v1, $0x0  }
0x4b: {  	v29 =	vld [tilespmem:s19+$0x86A0]  }
0x4c: {  	v30 =	vld [tilespmem:s19+$0x86B0]  }
0x4d: {  	v31 =	vld [tilespmem:s19+$0x86C0]  }
0x4e: {  	v32 =	vld [tilespmem:s19+$0x86D0]  }
0x4f: {  	v33 =	vld [tilespmem:s19+$0x86E0]  }
0x50: {  	v34 =	vld [tilespmem:s19+$0x86F0]  }
0x51: {  	v10 =	vld [tilespmem:s19+$0x8880]  }
0x52: {  	v9 =	vld [tilespmem:s19+$0x8890]  }
0x53: {  	v8 =	vld [tilespmem:s19+$0x88A0]  }
0x54: {  	v7 =	vld [tilespmem:s19+$0x88B0]  }
0x55: {  	v6 =	vld [tilespmem:s19+$0x88C0]  }
0x56: {  	v5 =	vld [tilespmem:s19+$0x88D0]  }
0x57: {  	v4 =	vld [tilespmem:s19+$0x88E0]  }
0x58: {  	v3 =	vld [tilespmem:s19+$0x88F0]  }
0x59: {  	v35 =	vld [tilespmem:s19+$0x280];
	s7 =	spop (v2sf)  }
0x5a: {  	v1 =	vld.msk [tilespmem:s7+$0x0 ss:$0x0], $0xffff  }
0x5b: {  	v2 =	vld.msk [tilespmem:s7+$0x100 ss:$0x0], $0xffff  }
0x5c: {  	v36 =	vld [tilespmem:s19+$0x290]  }
0x5d: {  	v37 =	vld [tilespmem:s19+$0x2A0]  }
0x5e: {  	v38 =	vld [tilespmem:s19+$0x2B0]  }
0x5f: {  	v39 =	vld [tilespmem:s19+$0x2C0]  }
0x60: {  	v40 =	vld [tilespmem:s19+$0x2D0];
	v35 =	vmul.f32 v35, v1;
	v11 =	vmul.f32 v11, v2  }
0x61: {  	v41 =	vld [tilespmem:s19+$0x2E0];
	v36 =	vmul.f32 v36, v1;
	v12 =	vmul.f32 v12, v2  }
0x62: {  	v58 =	vld [tilespmem:s19+$0x2F0];
	v57 =	vmul.f32 v37, v1;
	v13 =	vmul.f32 v13, v2;
	v11 =	vadd.f32 v11, v35  }
0x63: {  	v60 =	vld [tilespmem:s19+$0x480];
	v59 =	vmul.f32 v38, v1;
	v14 =	vmul.f32 v14, v2;
	v12 =	vadd.f32 v12, v36  }
0x64: {  	v61 =	vld [tilespmem:s19+$0x490];
	v15 =	vmul.f32 v15, v2;
	[tilespmem:s19+$0x280] =	vst v11;
	v11 =	vadd.f32 v13, v57;
	v13 =	vmul.f32 v39, v1  }
0x65: {  	v62 =	vld [tilespmem:s19+$0x4A0];
	v16 =	vmul.f32 v16, v2;
	[tilespmem:s19+$0x290] =	vst v12;
	v12 =	vadd.f32 v14, v59;
	v14 =	vmul.f32 v40, v1  }
0x66: {  	[tilespmem:s19+$0x2A0] =	vst v11;
	v11 =	vadd.f32 v15, v13;
	v13 =	vmul.f32 v41, v1;
	v15 =	vmul.f32 v17, v2;
	v17 =	vld [tilespmem:s19+$0x4B0]  }
0x67: {  	[tilespmem:s19+$0x2B0] =	vst v12;
	v12 =	vadd.f32 v16, v14;
	v14 =	vmul.f32 v58, v1;
	v16 =	vmul.f32 v18, v2;
	v18 =	vld [tilespmem:s19+$0x4C0]  }
0x68: {  	[tilespmem:s19+$0x2C0] =	vst v11;
	v11 =	vadd.f32 v15, v13;
	v13 =	vmul.f32 v60, v1;
	v15 =	vmul.f32 v19, v2;
	v19 =	vld [tilespmem:s19+$0x4D0]  }
0x69: {  	[tilespmem:s19+$0x2D0] =	vst v12;
	v12 =	vadd.f32 v16, v14;
	v14 =	vmul.f32 v61, v1;
	v16 =	vmul.f32 v20, v2;
	v20 =	vld [tilespmem:s19+$0x4E0]  }
0x6a: {  	[tilespmem:s19+$0x2E0] =	vst v11;
	v11 =	vadd.f32 v15, v13;
	v13 =	vmul.f32 v62, v1;
	v15 =	vmul.f32 v21, v2;
	v21 =	vld [tilespmem:s19+$0x4F0]  }
0x6b: {  	[tilespmem:s19+$0x2F0] =	vst v12;
	v12 =	vadd.f32 v16, v14;
	v16 =	vmul.f32 v22, v2;
	v14 =	vmul.f32 v17, v1;
	v17 =	vld [tilespmem:s19+$0x680]  }
0x6c: {  	[tilespmem:s19+$0x480] =	vst v11;
	v11 =	vadd.f32 v15, v13;
	v13 =	vmul.f32 v18, v1;
	v15 =	vmul.f32 v23, v2;
	v18 =	vld [tilespmem:s19+$0x690]  }
0x6d: {  	[tilespmem:s19+$0x490] =	vst v12;
	v12 =	vadd.f32 v16, v14;
	v14 =	vmul.f32 v19, v1;
	v16 =	vmul.f32 v24, v2;
	v19 =	vld [tilespmem:s19+$0x6A0]  }
0x6e: {  	[tilespmem:s19+$0x4A0] =	vst v11;
	v11 =	vadd.f32 v15, v13;
	v13 =	vmul.f32 v20, v1;
	v15 =	vmul.f32 v25, v2;
	v20 =	vld [tilespmem:s19+$0x6B0]  }
0x6f: {  	[tilespmem:s19+$0x4B0] =	vst v12;
	v12 =	vadd.f32 v16, v14;
	v14 =	vmul.f32 v21, v1;
	v16 =	vmul.f32 v26, v2;
	v21 =	vld [tilespmem:s19+$0x6C0]  }
0x70: {  	[tilespmem:s19+$0x4C0] =	vst v11;
	v11 =	vadd.f32 v15, v13;
	v13 =	vmul.f32 v17, v1;
	v15 =	vmul.f32 v27, v2;
	v17 =	vld [tilespmem:s19+$0x6D0]  }
0x71: {  	v22 =	vld [tilespmem:s19+$0x6E0];
	[tilespmem:s19+$0x4D0] =	vst v12;
	v12 =	vadd.f32 v16, v14;
	v14 =	vmul.f32 v18, v1;
	v16 =	vmul.f32 v28, v2  }
0x72: {  	v23 =	vld [tilespmem:s19+$0x6F0];
	v18 =	vmul.f32 v29, v2;
	[tilespmem:s19+$0x4E0] =	vst v11;
	v11 =	vadd.f32 v15, v13;
	v13 =	vmul.f32 v19, v1  }
0x73: {  	v19 =	vmul.f32 v30, v2;
	v15 =	vld [tilespmem:s19+$0x880];
	[tilespmem:s19+$0x4F0] =	vst v12;
	v12 =	vadd.f32 v16, v14;
	v16 =	vmul.f32 v20, v1  }
0x74: {  	v20 =	vmul.f32 v31, v2;
	v14 =	vld [tilespmem:s19+$0x890];
	[tilespmem:s19+$0x680] =	vst v11;
	v11 =	vadd.f32 v18, v13;
	v18 =	vmul.f32 v21, v1  }
0x75: {  	v63 =	vmul.f32 v32, v2;
	v13 =	vld [tilespmem:s19+$0x8A0];
	[tilespmem:s19+$0x690] =	vst v12;
	v16 =	vadd.f32 v19, v16;
	v17 =	vmul.f32 v17, v1  }
0x76: {  	v21 =	vmul.f32 v33, v2;
	v19 =	vmul.f32 v22, v1;
	v12 =	vld [tilespmem:s19+$0x8B0];
	[tilespmem:s19+$0x6A0] =	vst v11;
	v18 =	vadd.f32 v20, v18  }
0x77: {  	p0 =	por p1, p1;
	s6 =	simm.s32 $0x200;
	s7 =	simm.s32 $0x80;
	v20 =	vmul.f32 v34, v2;
	v11 =	vld [tilespmem:s19+$0x8C0];
	[tilespmem:s19+$0x6B0] =	vst v16;
	v16 =	vadd.f32 v63, v17;
	v17 =	vmul.f32 v23, v1  }
.LBB2_4:
0x78: {  	s9 =	sand.u32 $0x1800, s6;
	p1 =	sne.s32 s7, $0x780;
	[tilespmem:s19+$0x6C0] =	vst v18;
	v18 =	vadd.f32 v21, v19;
	v15 =	vmul.f32 v15, v1;
	v10 =	vmul.f32 v10, v2;
	v19 =	vld [tilespmem:s19+$0x8D0]  }
0x79: {  	s10 =	sand.u32 $0x180, s7;
	v9 =	vmul.f32 v9, v2;
	s9 =	sor.u32 s21, s9;
	[tilespmem:s19+$0x6D0] =	vst v16;
	v16 =	vadd.f32 v20, v17;
	v14 =	vmul.f32 v14, v1;
	v17 =	vld [tilespmem:s19+$0x8E0]  }
0x7a: {  	v8 =	vmul.f32 v8, v2;
	s9 =	sor.u32 s10, s9;
	[tilespmem:s19+$0x6E0] =	vst v18;
	v10 =	vadd.f32 v10, v15;
	v13 =	vmul.f32 v13, v1;
	v15 =	vld [tilespmem:s19+$0x8F0]  }
0x7b: {  	v7 =	vmul.f32 v7, v2;
	v20 =	vld [tilespmem:s9+$0x8280];
	[tilespmem:s19+$0x6F0] =	vst v16;
	v9 =	vadd.f32 v9, v14;
	v12 =	vmul.f32 v12, v1  }
0x7c: {  	v6 =	vmul.f32 v6, v2;
	v21 =	vld [tilespmem:s9+$0x8290];
	[tilespmem:s19+$0x880] =	vst v10;
	v8 =	vadd.f32 v8, v13;
	v10 =	vmul.f32 v11, v1  }
0x7d: {  	v5 =	vmul.f32 v5, v2;
	v22 =	vld [tilespmem:s9+$0x82A0];
	[tilespmem:s19+$0x890] =	vst v9;
	v7 =	vadd.f32 v7, v12;
	v9 =	vmul.f32 v19, v1  }
0x7e: {  	v4 =	vmul.f32 v4, v2;
	v23 =	vld [tilespmem:s9+$0x82B0];
	[tilespmem:s19+$0x8A0] =	vst v8;
	v6 =	vadd.f32 v6, v10;
	v8 =	vmul.f32 v17, v1  }
0x7f: {  	v3 =	vmul.f32 v3, v2;
	v24 =	vld [tilespmem:s9+$0x82C0];
	[tilespmem:s19+$0x8B0] =	vst v7;
	v5 =	vadd.f32 v5, v9;
	v7 =	vmul.f32 v15, v1  }
0x80: {  	v25 =	vld [tilespmem:s9+$0x82D0];
	[tilespmem:s19+$0x8C0] =	vst v6;
	v4 =	vadd.f32 v4, v8  }
0x81: {  	v26 =	vld [tilespmem:s9+$0x82E0];
	[tilespmem:s19+$0x8D0] =	vst v5;
	v3 =	vadd.f32 v3, v7  }
0x82: {  	v27 =	vld [tilespmem:s9+$0x82F0];
	[tilespmem:s19+$0x8E0] =	vst v4  }
0x83: {  	v28 =	vld [tilespmem:s9+$0x8480];
	[tilespmem:s19+$0x8F0] =	vst v3;
	s19 =	smov.u32 s9  }
0x84: {  	v29 =	vld [tilespmem:s19+$0x8490]  }
0x85: {  	v30 =	vld [tilespmem:s19+$0x84A0]  }
0x86: {  	v31 =	vld [tilespmem:s19+$0x84B0]  }
0x87: {  	v32 =	vld [tilespmem:s19+$0x84C0]  }
0x88: {  	v33 =	vld [tilespmem:s19+$0x84D0]  }
0x89: {  	v34 =	vld [tilespmem:s19+$0x84E0]  }
0x8a: {  	v19 =	vld [tilespmem:s19+$0x84F0]  }
0x8b: {  	v18 =	vld [tilespmem:s19+$0x8680]  }
0x8c: {  	v17 =	vld [tilespmem:s19+$0x8690]  }
0x8d: {  	v16 =	vld [tilespmem:s19+$0x86A0]  }
0x8e: {  	v15 =	vld [tilespmem:s19+$0x86B0]  }
0x8f: {  	v14 =	vld [tilespmem:s19+$0x86C0]  }
0x90: {  	v13 =	vld [tilespmem:s19+$0x86D0]  }
0x91: {  	v12 =	vld [tilespmem:s19+$0x86E0]  }
0x92: {  	v11 =	vld [tilespmem:s19+$0x86F0]  }
0x93: {  	v10 =	vld [tilespmem:s19+$0x8880]  }
0x94: {  	v9 =	vld [tilespmem:s19+$0x8890]  }
0x95: {  	v8 =	vld [tilespmem:s19+$0x88A0]  }
0x96: {  	v7 =	vld [tilespmem:s19+$0x88B0]  }
0x97: {  	v6 =	vld [tilespmem:s19+$0x88C0]  }
0x98: {  	v5 =	vld [tilespmem:s19+$0x88D0]  }
0x99: {  	v4 =	vld [tilespmem:s19+$0x88E0]  }
0x9a: {  	v3 =	vld [tilespmem:s19+$0x88F0]  }
0x9b: {  	v35 =	vld [tilespmem:s19+$0x280]  }
0x9c: {  	v36 =	vld [tilespmem:s19+$0x290]  }
0x9d: {  	v37 =	vld [tilespmem:s19+$0x2A0]  }
0x9e: {  	v38 =	vld [tilespmem:s19+$0x2B0]  }
0x9f: {  	v39 =	vld [tilespmem:s19+$0x2C0]  }
0xa0: {  	v20 =	vmul.f32 v20, v2;
	v35 =	vmul.f32 v35, v1;
	v40 =	vld [tilespmem:s19+$0x2D0]  }
0xa1: {  	v21 =	vmul.f32 v21, v2;
	v36 =	vmul.f32 v36, v1;
	v41 =	vld [tilespmem:s19+$0x2E0]  }
0xa2: {  	v22 =	vmul.f32 v22, v2;
	v20 =	vadd.f32 v20, v35;
	v35 =	vmul.f32 v37, v1;
	v37 =	vld [tilespmem:s19+$0x2F0]  }
0xa3: {  	v23 =	vmul.f32 v23, v2;
	v21 =	vadd.f32 v21, v36;
	v36 =	vmul.f32 v38, v1;
	v38 =	vld [tilespmem:s19+$0x480]  }
0xa4: {  	v24 =	vmul.f32 v24, v2;
	[tilespmem:s19+$0x280] =	vst v20;
	v20 =	vadd.f32 v22, v35;
	v22 =	vmul.f32 v39, v1;
	v35 =	vld [tilespmem:s19+$0x490]  }
0xa5: {  	v25 =	vmul.f32 v25, v2;
	[tilespmem:s19+$0x290] =	vst v21;
	v21 =	vadd.f32 v23, v36;
	v23 =	vmul.f32 v40, v1;
	v36 =	vld [tilespmem:s19+$0x4A0]  }
0xa6: {  	[tilespmem:s19+$0x2A0] =	vst v20;
	v20 =	vadd.f32 v24, v22;
	v22 =	vmul.f32 v41, v1;
	v24 =	vmul.f32 v26, v2;
	v26 =	vld [tilespmem:s19+$0x4B0]  }
0xa7: {  	[tilespmem:s19+$0x2B0] =	vst v21;
	v21 =	vadd.f32 v25, v23;
	v23 =	vmul.f32 v37, v1;
	v25 =	vmul.f32 v27, v2;
	v27 =	vld [tilespmem:s19+$0x4C0]  }
0xa8: {  	[tilespmem:s19+$0x2C0] =	vst v20;
	v20 =	vadd.f32 v24, v22;
	v22 =	vmul.f32 v38, v1;
	v24 =	vmul.f32 v28, v2;
	v28 =	vld [tilespmem:s19+$0x4D0]  }
0xa9: {  	[tilespmem:s19+$0x2D0] =	vst v21;
	v21 =	vadd.f32 v25, v23;
	v23 =	vmul.f32 v35, v1;
	v25 =	vmul.f32 v29, v2;
	v29 =	vld [tilespmem:s19+$0x4E0]  }
0xaa: {  	[tilespmem:s19+$0x2E0] =	vst v20;
	v20 =	vadd.f32 v24, v22;
	v22 =	vmul.f32 v36, v1;
	v24 =	vmul.f32 v30, v2;
	v30 =	vld [tilespmem:s19+$0x4F0]  }
0xab: {  	[tilespmem:s19+$0x2F0] =	vst v21;
	v21 =	vadd.f32 v25, v23;
	v23 =	vmul.f32 v26, v1;
	v25 =	vmul.f32 v31, v2;
	v26 =	vld [tilespmem:s19+$0x680]  }
0xac: {  	[tilespmem:s19+$0x480] =	vst v20;
	v20 =	vadd.f32 v24, v22;
	v22 =	vmul.f32 v27, v1;
	v24 =	vmul.f32 v32, v2;
	v27 =	vld [tilespmem:s19+$0x690]  }
0xad: {  	[tilespmem:s19+$0x490] =	vst v21;
	v21 =	vadd.f32 v25, v23;
	v23 =	vmul.f32 v28, v1;
	v25 =	vmul.f32 v33, v2;
	v28 =	vld [tilespmem:s19+$0x6A0]  }
0xae: {  	[tilespmem:s19+$0x4A0] =	vst v20;
	v20 =	vadd.f32 v24, v22;
	v22 =	vmul.f32 v29, v1;
	v24 =	vmul.f32 v34, v2;
	v29 =	vld [tilespmem:s19+$0x6B0]  }
0xaf: {  	v19 =	vmul.f32 v19, v2;
	[tilespmem:s19+$0x4B0] =	vst v21;
	v21 =	vadd.f32 v25, v23;
	v23 =	vmul.f32 v30, v1;
	v25 =	vld [tilespmem:s19+$0x6C0]  }
0xb0: {  	v18 =	vmul.f32 v18, v2;
	[tilespmem:s19+$0x4C0] =	vst v20;
	v20 =	vadd.f32 v24, v22;
	v22 =	vmul.f32 v26, v1;
	v24 =	vld [tilespmem:s19+$0x6D0]  }
0xb1: {  	v17 =	vmul.f32 v17, v2;
	[tilespmem:s19+$0x4D0] =	vst v21;
	v19 =	vadd.f32 v19, v23;
	v21 =	vmul.f32 v27, v1;
	v23 =	vld [tilespmem:s19+$0x6E0]  }
0xb2: {  	v16 =	vmul.f32 v16, v2;
	[tilespmem:s19+$0x4E0] =	vst v20;
	v18 =	vadd.f32 v18, v22;
	v20 =	vmul.f32 v28, v1;
	v22 =	vld [tilespmem:s19+$0x6F0]  }
.Ltmp2:
0xb3: {  	[tilespmem:s19+$0x4F0] =	vst v19;
	v17 =	vadd.f32 v17, v21;
	v19 =	vmul.f32 v29, v1;
	v21 =	vmul.f32 v15, v2;
	v15 =	vld [tilespmem:s19+$0x880];
	(pc) =	sbr.rel @p1 .LBB2_4-.Ltmp2, $4  }
0xb4: {  	[tilespmem:s19+$0x680] =	vst v18;
	v16 =	vadd.f32 v16, v20;
	v18 =	vmul.f32 v25, v1;
	v20 =	vmul.f32 v14, v2;
	v14 =	vld [tilespmem:s19+$0x890]  }
0xb5: {  	v25 =	vmul.f32 v13, v2;
	[tilespmem:s19+$0x690] =	vst v17;
	v17 =	vadd.f32 v21, v19;
	v24 =	vmul.f32 v24, v1;
	v13 =	vld [tilespmem:s19+$0x8A0]  }
0xb6: {  	v21 =	vmul.f32 v12, v2;
	[tilespmem:s19+$0x6A0] =	vst v16;
	v18 =	vadd.f32 v20, v18;
	v19 =	vmul.f32 v23, v1;
	v12 =	vld [tilespmem:s19+$0x8B0]  }
0xb7: {  	s6 =	sadd.s32 $0x200, s6;
	s7 =	sadd.s32 $0x80, s7;
	v20 =	vmul.f32 v11, v2;
	[tilespmem:s19+$0x6B0] =	vst v17;
	v16 =	vadd.f32 v25, v24;
	v17 =	vmul.f32 v22, v1;
	v11 =	vld [tilespmem:s19+$0x8C0]  }
0xb8: {  	[tilespmem:s19+$0x6C0] =	vst v18;
	v56 =	vadd.f32 v21, v19;
	v15 =	vmul.f32 v15, v1;
	v10 =	vmul.f32 v10, v2;
	v57 =	vld [tilespmem:s19+$0x8D0]  }
0xb9: {  	v9 =	vmul.f32 v9, v2;
	v59 =	vld [tilespmem:s19+$0x8E0];
	[tilespmem:s19+$0x6D0] =	vst v16;
	v58 =	vadd.f32 v20, v17;
	v14 =	vmul.f32 v14, v1  }
0xba: {  	v8 =	vmul.f32 v8, v2;
	v60 =	vld [tilespmem:s19+$0x8F0];
	[tilespmem:s19+$0x6E0] =	vst v56;
	v10 =	vadd.f32 v10, v15;
	v13 =	vmul.f32 v13, v1  }
0xbb: {  	v7 =	vmul.f32 v7, v2;
	[tilespmem:s19+$0x6F0] =	vst v58;
	v9 =	vadd.f32 v9, v14;
	v12 =	vmul.f32 v12, v1  }
0xbc: {  	v6 =	vmul.f32 v6, v2;
	[tilespmem:s19+$0x880] =	vst v10;
	v8 =	vadd.f32 v8, v13;
	v61 =	vmul.f32 v11, v1  }
0xbd: {  	v5 =	vmul.f32 v5, v2;
	[tilespmem:s19+$0x890] =	vst v9;
	v7 =	vadd.f32 v7, v12;
	v62 =	vmul.f32 v57, v1  }
0xbe: {  	v4 =	vmul.f32 v4, v2;
	v63 =	vmul.f32 v59, v1;
	[tilespmem:s19+$0x8A0] =	vst v8;
	v6 =	vadd.f32 v6, v61  }
.Ltmp3:
0xbf: {  	v2 =	vmul.f32 v3, v2;
	v1 =	vmul.f32 v60, v1;
	[tilespmem:s19+$0x8B0] =	vst v7;
	v5 =	vadd.f32 v5, v62;
	(pc) =	sbr.rel @p0 .LBB2_3-.Ltmp3, $4  }
0xc0: {  	v3 =	vadd.f32 v4, v63;
	[tilespmem:s19+$0x8C0] =	vst v6  }
0xc1: {  	v1 =	vadd.f32 v2, v1;
	[tilespmem:s19+$0x8D0] =	vst v5  }
0xc2: {  	[tilespmem:s19+$0x8E0] =	vst v3  }
0xc3: {  	s6 =	simm.s32 $0x1;
	p1 =	por $0x0, $0x0;
	[tilespmem:s19+$0x8F0] =	vst v1  }
0xc4: {  	s6 =	sadd.s32 s8, s4  }
0xc5: {  	s6 =	sshll.u32 s6, $0xA  }
0xc6: {  	p0 =	seq.s32 s0, $0x7;
	s6 =	sadd.s32 s3, s6  }
0xc7: {  	[hbm4b:s6+s5] =	stream.linear.scatter [tilespmem:s20], [sflag:$0x3], $0x4000, $0x38;
	[tilespmem:$0x10280] =	vst v63  }
0xc8: {  	s6 =	simm.s32 @!p0 $0x3  }
0xc9: {  	_ =	swait.ge @!p0 [sflag:s6], $0x4000  }
0xca: {  	s7 =	sadd.s32 @!p0 s4, s14;
	[sflag:s6] =	ssyncset.done @!p0 $0x0  }
0xcb: {  	[sflag:s6] =	ssyncadd.s32 @!p0 $0xFFFFC000;
	s6 =	sshll.u32 @!p0 s7, $0xA  }
0xcc: {  	s9 =	simm.s32 @!p0 $0x0;
	s10 =	simm.s32 @!p0 $0x280;
	s7 =	sadd.s32 @!p0 s1, s6  }
0xcd: {  	[tilespmem:s10], [sflag:$0x1] =	stream.linear.gather @!p0 [hbm4b:s7+s9], $0x4000, $0x38;
	[tilespmem:$0x10280] =	vst v63  }
0xce: {  	s6 =	sadd.s32 @!p0 s2, s6;
	s7 =	simm.s32 @!p0 $0x8280  }
0xcf: {  	[tilespmem:s7], [sflag:$0x2] =	stream.linear.gather @!p0 [hbm4b:s6+s9], $0x4000, $0x38;
	[tilespmem:$0x10280] =	vst v63  }
0xd0: {  	_ =	swait.ge [sflag:s26], $0x4000  }
0xd1: {  	[sflag:s26] =	ssyncset.done $0x0  }
0xd2: {  	[sflag:s26] =	ssyncadd.s32 $0xFFFFC000  }
0xd3: {  	s18 =	sor.u32 $0x2, s4;
	_ =	swait.ge [sflag:s28], $0x4000  }
0xd4: {  	s21 =	sadd.s32 $0x202, s4;
	s19 =	simm.s32 $0x0;
	[sflag:s28] =	ssyncset.done $0x0  }
0xd5: {  	p2 =	por $0x1, $0x1;
	v0 =	vmov s21;
	s6 =	simm.s32 $0x0;
	[sflag:s28] =	ssyncadd.s32 $0xFFFFC000  }
.LBB2_7:
0xd6: {  	_ =	sdelay $0x3  }
0xd7: {  	v1 =	vld.idx.msk [tilespmem:v0+s6+$0x0 ss:$0x1], $0xffff;
	s6 =	sshll.u32 s6, $0xD;
	s9 =	sand.u32 $0x1800, s19  }
0xd8: {  	s10 =	sand.u32 $0x180, s19;
	s9 =	sor.u32 s6, s9  }
0xd9: {  	s21 =	sor.u32 s10, s9  }
0xda: {  	v11 =	vld [tilespmem:s21+$0xC280]  }
0xdb: {  	v12 =	vld [tilespmem:s21+$0xC290]  }
0xdc: {  	v13 =	vld [tilespmem:s21+$0xC2A0]  }
0xdd: {  	v14 =	vld [tilespmem:s21+$0xC2B0]  }
0xde: {  	v15 =	vld [tilespmem:s21+$0xC2C0]  }
0xdf: {  	v16 =	vld [tilespmem:s21+$0xC2D0]  }
0xe0: {  	v17 =	vld [tilespmem:s21+$0xC2E0]  }
0xe1: {  	v18 =	vld [tilespmem:s21+$0xC2F0]  }
0xe2: {  	v19 =	vld [tilespmem:s21+$0xC480]  }
0xe3: {  	v20 =	vld [tilespmem:s21+$0xC490]  }
0xe4: {  	v21 =	vld [tilespmem:s21+$0xC4A0]  }
0xe5: {  	v22 =	vld [tilespmem:s21+$0xC4B0]  }
0xe6: {  	v23 =	vld [tilespmem:s21+$0xC4C0]  }
0xe7: {  	v24 =	vld [tilespmem:s21+$0xC4D0]  }
0xe8: {  	v25 =	vld [tilespmem:s21+$0xC4E0]  }
0xe9: {  	v26 =	vld [tilespmem:s21+$0xC4F0]  }
0xea: {  	v27 =	vld [tilespmem:s21+$0xC680]  }
0xeb: {  	v28 =	vld [tilespmem:s21+$0xC690];
	(v2sf) =	vpush v1, $0x0  }
0xec: {  	v29 =	vld [tilespmem:s21+$0xC6A0]  }
0xed: {  	v30 =	vld [tilespmem:s21+$0xC6B0]  }
0xee: {  	v31 =	vld [tilespmem:s21+$0xC6C0]  }
0xef: {  	v32 =	vld [tilespmem:s21+$0xC6D0]  }
0xf0: {  	v33 =	vld [tilespmem:s21+$0xC6E0]  }
0xf1: {  	v34 =	vld [tilespmem:s21+$0xC6F0]  }
0xf2: {  	v10 =	vld [tilespmem:s21+$0xC880]  }
0xf3: {  	v9 =	vld [tilespmem:s21+$0xC890]  }
0xf4: {  	v8 =	vld [tilespmem:s21+$0xC8A0]  }
0xf5: {  	v7 =	vld [tilespmem:s21+$0xC8B0]  }
0xf6: {  	v6 =	vld [tilespmem:s21+$0xC8C0]  }
0xf7: {  	v5 =	vld [tilespmem:s21+$0xC8D0]  }
0xf8: {  	v4 =	vld [tilespmem:s21+$0xC8E0]  }
0xf9: {  	v3 =	vld [tilespmem:s21+$0xC8F0]  }
0xfa: {  	v35 =	vld [tilespmem:s21+$0x4280];
	s7 =	spop (v2sf)  }
0xfb: {  	v1 =	vld.msk [tilespmem:s7+$0x0 ss:$0x0], $0xffff  }
0xfc: {  	v2 =	vld.msk [tilespmem:s7+$0x100 ss:$0x0], $0xffff  }
0xfd: {  	v36 =	vld [tilespmem:s21+$0x4290]  }
0xfe: {  	v37 =	vld [tilespmem:s21+$0x42A0]  }
0xff: {  	v38 =	vld [tilespmem:s21+$0x42B0]  }
0x100: {  	v39 =	vld [tilespmem:s21+$0x42C0]  }
0x101: {  	v40 =	vld [tilespmem:s21+$0x42D0];
	v35 =	vmul.f32 v35, v1;
	v11 =	vmul.f32 v11, v2  }
0x102: {  	v41 =	vld [tilespmem:s21+$0x42E0];
	v36 =	vmul.f32 v36, v1;
	v12 =	vmul.f32 v12, v2  }
0x103: {  	v58 =	vld [tilespmem:s21+$0x42F0];
	v57 =	vmul.f32 v37, v1;
	v13 =	vmul.f32 v13, v2;
	v11 =	vadd.f32 v11, v35  }
0x104: {  	v60 =	vld [tilespmem:s21+$0x4480];
	v59 =	vmul.f32 v38, v1;
	v14 =	vmul.f32 v14, v2;
	v12 =	vadd.f32 v12, v36  }
0x105: {  	v61 =	vld [tilespmem:s21+$0x4490];
	v15 =	vmul.f32 v15, v2;
	[tilespmem:s21+$0x4280] =	vst v11;
	v11 =	vadd.f32 v13, v57;
	v13 =	vmul.f32 v39, v1  }
0x106: {  	v62 =	vld [tilespmem:s21+$0x44A0];
	v16 =	vmul.f32 v16, v2;
	[tilespmem:s21+$0x4290] =	vst v12;
	v12 =	vadd.f32 v14, v59;
	v14 =	vmul.f32 v40, v1  }
0x107: {  	[tilespmem:s21+$0x42A0] =	vst v11;
	v11 =	vadd.f32 v15, v13;
	v13 =	vmul.f32 v41, v1;
	v15 =	vmul.f32 v17, v2;
	v17 =	vld [tilespmem:s21+$0x44B0]  }
0x108: {  	[tilespmem:s21+$0x42B0] =	vst v12;
	v12 =	vadd.f32 v16, v14;
	v14 =	vmul.f32 v58, v1;
	v16 =	vmul.f32 v18, v2;
	v18 =	vld [tilespmem:s21+$0x44C0]  }
0x109: {  	[tilespmem:s21+$0x42C0] =	vst v11;
	v11 =	vadd.f32 v15, v13;
	v13 =	vmul.f32 v60, v1;
	v15 =	vmul.f32 v19, v2;
	v19 =	vld [tilespmem:s21+$0x44D0]  }
0x10a: {  	[tilespmem:s21+$0x42D0] =	vst v12;
	v12 =	vadd.f32 v16, v14;
	v14 =	vmul.f32 v61, v1;
	v16 =	vmul.f32 v20, v2;
	v20 =	vld [tilespmem:s21+$0x44E0]  }
0x10b: {  	[tilespmem:s21+$0x42E0] =	vst v11;
	v11 =	vadd.f32 v15, v13;
	v13 =	vmul.f32 v62, v1;
	v15 =	vmul.f32 v21, v2;
	v21 =	vld [tilespmem:s21+$0x44F0]  }
0x10c: {  	[tilespmem:s21+$0x42F0] =	vst v12;
	v12 =	vadd.f32 v16, v14;
	v16 =	vmul.f32 v22, v2;
	v14 =	vmul.f32 v17, v1;
	v17 =	vld [tilespmem:s21+$0x4680]  }
0x10d: {  	[tilespmem:s21+$0x4480] =	vst v11;
	v11 =	vadd.f32 v15, v13;
	v13 =	vmul.f32 v18, v1;
	v15 =	vmul.f32 v23, v2;
	v18 =	vld [tilespmem:s21+$0x4690]  }
0x10e: {  	[tilespmem:s21+$0x4490] =	vst v12;
	v12 =	vadd.f32 v16, v14;
	v14 =	vmul.f32 v19, v1;
	v16 =	vmul.f32 v24, v2;
	v19 =	vld [tilespmem:s21+$0x46A0]  }
0x10f: {  	[tilespmem:s21+$0x44A0] =	vst v11;
	v11 =	vadd.f32 v15, v13;
	v13 =	vmul.f32 v20, v1;
	v15 =	vmul.f32 v25, v2;
	v20 =	vld [tilespmem:s21+$0x46B0]  }
0x110: {  	[tilespmem:s21+$0x44B0] =	vst v12;
	v12 =	vadd.f32 v16, v14;
	v14 =	vmul.f32 v21, v1;
	v16 =	vmul.f32 v26, v2;
	v21 =	vld [tilespmem:s21+$0x46C0]  }
0x111: {  	[tilespmem:s21+$0x44C0] =	vst v11;
	v11 =	vadd.f32 v15, v13;
	v13 =	vmul.f32 v17, v1;
	v15 =	vmul.f32 v27, v2;
	v17 =	vld [tilespmem:s21+$0x46D0]  }
0x112: {  	v22 =	vld [tilespmem:s21+$0x46E0];
	[tilespmem:s21+$0x44D0] =	vst v12;
	v12 =	vadd.f32 v16, v14;
	v14 =	vmul.f32 v18, v1;
	v16 =	vmul.f32 v28, v2  }
0x113: {  	v23 =	vld [tilespmem:s21+$0x46F0];
	v18 =	vmul.f32 v29, v2;
	[tilespmem:s21+$0x44E0] =	vst v11;
	v11 =	vadd.f32 v15, v13;
	v13 =	vmul.f32 v19, v1  }
0x114: {  	v19 =	vmul.f32 v30, v2;
	v15 =	vld [tilespmem:s21+$0x4880];
	[tilespmem:s21+$0x44F0] =	vst v12;
	v12 =	vadd.f32 v16, v14;
	v16 =	vmul.f32 v20, v1  }
0x115: {  	v20 =	vmul.f32 v31, v2;
	v14 =	vld [tilespmem:s21+$0x4890];
	[tilespmem:s21+$0x4680] =	vst v11;
	v11 =	vadd.f32 v18, v13;
	v18 =	vmul.f32 v21, v1  }
0x116: {  	v63 =	vmul.f32 v32, v2;
	v13 =	vld [tilespmem:s21+$0x48A0];
	[tilespmem:s21+$0x4690] =	vst v12;
	v16 =	vadd.f32 v19, v16;
	v17 =	vmul.f32 v17, v1  }
0x117: {  	v21 =	vmul.f32 v33, v2;
	v19 =	vmul.f32 v22, v1;
	v12 =	vld [tilespmem:s21+$0x48B0];
	[tilespmem:s21+$0x46A0] =	vst v11;
	v18 =	vadd.f32 v20, v18  }
0x118: {  	p1 =	por p2, p2;
	s9 =	simm.s32 $0x80;
	s7 =	simm.s32 $0x200;
	v20 =	vmul.f32 v34, v2;
	v11 =	vld [tilespmem:s21+$0x48C0];
	[tilespmem:s21+$0x46B0] =	vst v16;
	v16 =	vadd.f32 v63, v17;
	v17 =	vmul.f32 v23, v1  }
.LBB2_8:
0x119: {  	s10 =	sand.u32 $0x1800, s7;
	p2 =	sne.s32 s9, $0x780;
	[tilespmem:s21+$0x46C0] =	vst v18;
	v18 =	vadd.f32 v21, v19;
	v15 =	vmul.f32 v15, v1;
	v10 =	vmul.f32 v10, v2;
	v19 =	vld [tilespmem:s21+$0x48D0]  }
0x11a: {  	s11 =	sand.u32 $0x180, s9;
	v9 =	vmul.f32 v9, v2;
	s10 =	sor.u32 s6, s10;
	[tilespmem:s21+$0x46D0] =	vst v16;
	v16 =	vadd.f32 v20, v17;
	v14 =	vmul.f32 v14, v1;
	v17 =	vld [tilespmem:s21+$0x48E0]  }
0x11b: {  	v8 =	vmul.f32 v8, v2;
	s10 =	sor.u32 s11, s10;
	[tilespmem:s21+$0x46E0] =	vst v18;
	v10 =	vadd.f32 v10, v15;
	v13 =	vmul.f32 v13, v1;
	v15 =	vld [tilespmem:s21+$0x48F0]  }
0x11c: {  	v7 =	vmul.f32 v7, v2;
	v20 =	vld [tilespmem:s10+$0xC280];
	[tilespmem:s21+$0x46F0] =	vst v16;
	v9 =	vadd.f32 v9, v14;
	v12 =	vmul.f32 v12, v1  }
0x11d: {  	v6 =	vmul.f32 v6, v2;
	v21 =	vld [tilespmem:s10+$0xC290];
	[tilespmem:s21+$0x4880] =	vst v10;
	v8 =	vadd.f32 v8, v13;
	v10 =	vmul.f32 v11, v1  }
0x11e: {  	v5 =	vmul.f32 v5, v2;
	v22 =	vld [tilespmem:s10+$0xC2A0];
	[tilespmem:s21+$0x4890] =	vst v9;
	v7 =	vadd.f32 v7, v12;
	v9 =	vmul.f32 v19, v1  }
0x11f: {  	v4 =	vmul.f32 v4, v2;
	v23 =	vld [tilespmem:s10+$0xC2B0];
	[tilespmem:s21+$0x48A0] =	vst v8;
	v6 =	vadd.f32 v6, v10;
	v8 =	vmul.f32 v17, v1  }
0x120: {  	v3 =	vmul.f32 v3, v2;
	v24 =	vld [tilespmem:s10+$0xC2C0];
	[tilespmem:s21+$0x48B0] =	vst v7;
	v5 =	vadd.f32 v5, v9;
	v7 =	vmul.f32 v15, v1  }
0x121: {  	v25 =	vld [tilespmem:s10+$0xC2D0];
	[tilespmem:s21+$0x48C0] =	vst v6;
	v4 =	vadd.f32 v4, v8  }
0x122: {  	v26 =	vld [tilespmem:s10+$0xC2E0];
	[tilespmem:s21+$0x48D0] =	vst v5;
	v3 =	vadd.f32 v3, v7  }
0x123: {  	v27 =	vld [tilespmem:s10+$0xC2F0];
	[tilespmem:s21+$0x48E0] =	vst v4  }
0x124: {  	v28 =	vld [tilespmem:s10+$0xC480];
	[tilespmem:s21+$0x48F0] =	vst v3;
	s21 =	smov.u32 s10  }
0x125: {  	v29 =	vld [tilespmem:s21+$0xC490]  }
0x126: {  	v30 =	vld [tilespmem:s21+$0xC4A0]  }
0x127: {  	v31 =	vld [tilespmem:s21+$0xC4B0]  }
0x128: {  	v32 =	vld [tilespmem:s21+$0xC4C0]  }
0x129: {  	v33 =	vld [tilespmem:s21+$0xC4D0]  }
0x12a: {  	v34 =	vld [tilespmem:s21+$0xC4E0]  }
0x12b: {  	v19 =	vld [tilespmem:s21+$0xC4F0]  }
0x12c: {  	v18 =	vld [tilespmem:s21+$0xC680]  }
0x12d: {  	v17 =	vld [tilespmem:s21+$0xC690]  }
0x12e: {  	v16 =	vld [tilespmem:s21+$0xC6A0]  }
0x12f: {  	v15 =	vld [tilespmem:s21+$0xC6B0]  }
0x130: {  	v14 =	vld [tilespmem:s21+$0xC6C0]  }
0x131: {  	v13 =	vld [tilespmem:s21+$0xC6D0]  }
0x132: {  	v12 =	vld [tilespmem:s21+$0xC6E0]  }
0x133: {  	v11 =	vld [tilespmem:s21+$0xC6F0]  }
0x134: {  	v10 =	vld [tilespmem:s21+$0xC880]  }
0x135: {  	v9 =	vld [tilespmem:s21+$0xC890]  }
0x136: {  	v8 =	vld [tilespmem:s21+$0xC8A0]  }
0x137: {  	v7 =	vld [tilespmem:s21+$0xC8B0]  }
0x138: {  	v6 =	vld [tilespmem:s21+$0xC8C0]  }
0x139: {  	v5 =	vld [tilespmem:s21+$0xC8D0]  }
0x13a: {  	v4 =	vld [tilespmem:s21+$0xC8E0]  }
0x13b: {  	v3 =	vld [tilespmem:s21+$0xC8F0]  }
0x13c: {  	v35 =	vld [tilespmem:s21+$0x4280]  }
0x13d: {  	v36 =	vld [tilespmem:s21+$0x4290]  }
0x13e: {  	v37 =	vld [tilespmem:s21+$0x42A0]  }
0x13f: {  	v38 =	vld [tilespmem:s21+$0x42B0]  }
0x140: {  	v39 =	vld [tilespmem:s21+$0x42C0]  }
0x141: {  	v20 =	vmul.f32 v20, v2;
	v35 =	vmul.f32 v35, v1;
	v40 =	vld [tilespmem:s21+$0x42D0]  }
0x142: {  	v21 =	vmul.f32 v21, v2;
	v36 =	vmul.f32 v36, v1;
	v41 =	vld [tilespmem:s21+$0x42E0]  }
0x143: {  	v22 =	vmul.f32 v22, v2;
	v20 =	vadd.f32 v20, v35;
	v35 =	vmul.f32 v37, v1;
	v37 =	vld [tilespmem:s21+$0x42F0]  }
0x144: {  	v23 =	vmul.f32 v23, v2;
	v21 =	vadd.f32 v21, v36;
	v36 =	vmul.f32 v38, v1;
	v38 =	vld [tilespmem:s21+$0x4480]  }
0x145: {  	v24 =	vmul.f32 v24, v2;
	[tilespmem:s21+$0x4280] =	vst v20;
	v20 =	vadd.f32 v22, v35;
	v22 =	vmul.f32 v39, v1;
	v35 =	vld [tilespmem:s21+$0x4490]  }
0x146: {  	v25 =	vmul.f32 v25, v2;
	[tilespmem:s21+$0x4290] =	vst v21;
	v21 =	vadd.f32 v23, v36;
	v23 =	vmul.f32 v40, v1;
	v36 =	vld [tilespmem:s21+$0x44A0]  }
0x147: {  	[tilespmem:s21+$0x42A0] =	vst v20;
	v20 =	vadd.f32 v24, v22;
	v22 =	vmul.f32 v41, v1;
	v24 =	vmul.f32 v26, v2;
	v26 =	vld [tilespmem:s21+$0x44B0]  }
0x148: {  	[tilespmem:s21+$0x42B0] =	vst v21;
	v21 =	vadd.f32 v25, v23;
	v23 =	vmul.f32 v37, v1;
	v25 =	vmul.f32 v27, v2;
	v27 =	vld [tilespmem:s21+$0x44C0]  }
0x149: {  	[tilespmem:s21+$0x42C0] =	vst v20;
	v20 =	vadd.f32 v24, v22;
	v22 =	vmul.f32 v38, v1;
	v24 =	vmul.f32 v28, v2;
	v28 =	vld [tilespmem:s21+$0x44D0]  }
0x14a: {  	[tilespmem:s21+$0x42D0] =	vst v21;
	v21 =	vadd.f32 v25, v23;
	v23 =	vmul.f32 v35, v1;
	v25 =	vmul.f32 v29, v2;
	v29 =	vld [tilespmem:s21+$0x44E0]  }
0x14b: {  	[tilespmem:s21+$0x42E0] =	vst v20;
	v20 =	vadd.f32 v24, v22;
	v22 =	vmul.f32 v36, v1;
	v24 =	vmul.f32 v30, v2;
	v30 =	vld [tilespmem:s21+$0x44F0]  }
0x14c: {  	[tilespmem:s21+$0x42F0] =	vst v21;
	v21 =	vadd.f32 v25, v23;
	v23 =	vmul.f32 v26, v1;
	v25 =	vmul.f32 v31, v2;
	v26 =	vld [tilespmem:s21+$0x4680]  }
0x14d: {  	[tilespmem:s21+$0x4480] =	vst v20;
	v20 =	vadd.f32 v24, v22;
	v22 =	vmul.f32 v27, v1;
	v24 =	vmul.f32 v32, v2;
	v27 =	vld [tilespmem:s21+$0x4690]  }
0x14e: {  	[tilespmem:s21+$0x4490] =	vst v21;
	v21 =	vadd.f32 v25, v23;
	v23 =	vmul.f32 v28, v1;
	v25 =	vmul.f32 v33, v2;
	v28 =	vld [tilespmem:s21+$0x46A0]  }
0x14f: {  	[tilespmem:s21+$0x44A0] =	vst v20;
	v20 =	vadd.f32 v24, v22;
	v22 =	vmul.f32 v29, v1;
	v24 =	vmul.f32 v34, v2;
	v29 =	vld [tilespmem:s21+$0x46B0]  }
0x150: {  	v19 =	vmul.f32 v19, v2;
	[tilespmem:s21+$0x44B0] =	vst v21;
	v21 =	vadd.f32 v25, v23;
	v23 =	vmul.f32 v30, v1;
	v25 =	vld [tilespmem:s21+$0x46C0]  }
0x151: {  	v18 =	vmul.f32 v18, v2;
	[tilespmem:s21+$0x44C0] =	vst v20;
	v20 =	vadd.f32 v24, v22;
	v22 =	vmul.f32 v26, v1;
	v24 =	vld [tilespmem:s21+$0x46D0]  }
0x152: {  	v17 =	vmul.f32 v17, v2;
	[tilespmem:s21+$0x44D0] =	vst v21;
	v19 =	vadd.f32 v19, v23;
	v21 =	vmul.f32 v27, v1;
	v23 =	vld [tilespmem:s21+$0x46E0]  }
0x153: {  	v16 =	vmul.f32 v16, v2;
	[tilespmem:s21+$0x44E0] =	vst v20;
	v18 =	vadd.f32 v18, v22;
	v20 =	vmul.f32 v28, v1;
	v22 =	vld [tilespmem:s21+$0x46F0]  }
.Ltmp4:
0x154: {  	[tilespmem:s21+$0x44F0] =	vst v19;
	v17 =	vadd.f32 v17, v21;
	v19 =	vmul.f32 v29, v1;
	v21 =	vmul.f32 v15, v2;
	v15 =	vld [tilespmem:s21+$0x4880];
	(pc) =	sbr.rel @p2 .LBB2_8-.Ltmp4, $4  }
0x155: {  	[tilespmem:s21+$0x4680] =	vst v18;
	v16 =	vadd.f32 v16, v20;
	v18 =	vmul.f32 v25, v1;
	v20 =	vmul.f32 v14, v2;
	v14 =	vld [tilespmem:s21+$0x4890]  }
0x156: {  	v25 =	vmul.f32 v13, v2;
	[tilespmem:s21+$0x4690] =	vst v17;
	v17 =	vadd.f32 v21, v19;
	v24 =	vmul.f32 v24, v1;
	v13 =	vld [tilespmem:s21+$0x48A0]  }
0x157: {  	v21 =	vmul.f32 v12, v2;
	[tilespmem:s21+$0x46A0] =	vst v16;
	v18 =	vadd.f32 v20, v18;
	v19 =	vmul.f32 v23, v1;
	v12 =	vld [tilespmem:s21+$0x48B0]  }
0x158: {  	s7 =	sadd.s32 $0x200, s7;
	s9 =	sadd.s32 $0x80, s9;
	v20 =	vmul.f32 v11, v2;
	[tilespmem:s21+$0x46B0] =	vst v17;
	v16 =	vadd.f32 v25, v24;
	v17 =	vmul.f32 v22, v1;
	v11 =	vld [tilespmem:s21+$0x48C0]  }
0x159: {  	[tilespmem:s21+$0x46C0] =	vst v18;
	v56 =	vadd.f32 v21, v19;
	v15 =	vmul.f32 v15, v1;
	v10 =	vmul.f32 v10, v2;
	v57 =	vld [tilespmem:s21+$0x48D0]  }
0x15a: {  	v9 =	vmul.f32 v9, v2;
	v59 =	vld [tilespmem:s21+$0x48E0];
	[tilespmem:s21+$0x46D0] =	vst v16;
	v58 =	vadd.f32 v20, v17;
	v14 =	vmul.f32 v14, v1  }
0x15b: {  	v8 =	vmul.f32 v8, v2;
	v60 =	vld [tilespmem:s21+$0x48F0];
	[tilespmem:s21+$0x46E0] =	vst v56;
	v10 =	vadd.f32 v10, v15;
	v13 =	vmul.f32 v13, v1  }
0x15c: {  	v7 =	vmul.f32 v7, v2;
	[tilespmem:s21+$0x46F0] =	vst v58;
	v9 =	vadd.f32 v9, v14;
	v12 =	vmul.f32 v12, v1  }
0x15d: {  	v6 =	vmul.f32 v6, v2;
	[tilespmem:s21+$0x4880] =	vst v10;
	v8 =	vadd.f32 v8, v13;
	v61 =	vmul.f32 v11, v1  }
0x15e: {  	v5 =	vmul.f32 v5, v2;
	[tilespmem:s21+$0x4890] =	vst v9;
	v7 =	vadd.f32 v7, v12;
	v62 =	vmul.f32 v57, v1  }
0x15f: {  	v4 =	vmul.f32 v4, v2;
	v63 =	vmul.f32 v59, v1;
	[tilespmem:s21+$0x48A0] =	vst v8;
	v6 =	vadd.f32 v6, v61  }
.Ltmp5:
0x160: {  	v2 =	vmul.f32 v3, v2;
	v1 =	vmul.f32 v60, v1;
	[tilespmem:s21+$0x48B0] =	vst v7;
	v5 =	vadd.f32 v5, v62;
	(pc) =	sbr.rel @p1 .LBB2_7-.Ltmp5, $4  }
0x161: {  	v3 =	vadd.f32 v4, v63;
	[tilespmem:s21+$0x48C0] =	vst v6  }
0x162: {  	v1 =	vadd.f32 v2, v1;
	[tilespmem:s21+$0x48D0] =	vst v5  }
0x163: {  	[tilespmem:s21+$0x48E0] =	vst v3  }
0x164: {  	s6 =	simm.s32 $0x1;
	p2 =	por $0x0, $0x0;
	[tilespmem:s21+$0x48F0] =	vst v1  }
.Ltmp6:
0x165: {  	(pc) =	sbr.rel @p0 .LBB2_12-.Ltmp6, $4  }
0x166: {  	s6 =	sadd.s32 s8, s18  }
0x167: {  	s6 =	sshll.u32 s6, $0xA  }
0x168: {  	s6 =	sadd.s32 s3, s6  }
0x169: {  	[hbm4b:s6+s5] =	stream.linear.scatter [tilespmem:s22], [sflag:$0x6], $0x4000, $0x38;
	[tilespmem:$0x10280] =	vst v63  }
0x16a: {  	_ =	swait.ge [sflag:s30], $0x4000;
	s4 =	sadd.s32 s4, s15  }
.Ltmp7:
0x16b: {  	[sflag:s30] =	ssyncset.done $0x0;
	s4 =	sshll.u32 s4, $0xA;
	(pc) =	sbr.rel .LBB2_2-.Ltmp7, $4  }
0x16c: {  	[sflag:s30] =	ssyncadd.s32 $0xFFFFC000;
	s6 =	sadd.s32 s1, s4  }
0x16d: {  	[tilespmem:s22], [sflag:$0x4] =	stream.linear.gather [hbm4b:s6+s5], $0x4000, $0x38;
	[tilespmem:$0x10280] =	vst v63  }
0x16e: {  	s0 =	sadd.s32 $0x1, s0;
	s4 =	sadd.s32 s2, s4  }
0x16f: {  	[tilespmem:s23], [sflag:$0x5] =	stream.linear.gather [hbm4b:s4+s5], $0x4000, $0x38;
	[tilespmem:$0x10280] =	vst v63  }
.LBB2_13:
0x170: {  	_ =	sfence.sel $0x180000  }
0x171: {  	[bflag:$0x0] =	sbarrier.arrive $0xFFFF  }
0x172: {  	_ =	strace $0x90000047  }
0x173: {  	s0 =	stileid.u32;
	[bflag:$0x2] =	sbarrier.arrive $0xFFFF  }
0x174: {  	p0 =	sne.s32 s0, $0x0;
	s0 =	rddreg [dreg:$0x5]  }
0x175: {  	s0 =	sadd.s32 @!p0 $0x100000, s0  }
0x176: {  	[sflag:s0] =	ssyncadd.tile.s32 @!p0 $0x1;
	_ =	shalt  }
.Lfunc_end2:
_tile_overlayer_lowered:
.L_overlay_start_2:
0x177: {  	(tag) =	ssettag $0x2  }
0x178: {  	s0 =	rddreg [dreg:$0x0];
	s2 =	stileid.u32  }
0x179: {  	s1 =	rddreg [dreg:$0x1];
	p0 =	sne.s32 s2, $0x0  }
0x17a: {  	s3 =	rddreg [dreg:$0x2];
	[bflag:$0x3] =	sbarrier.arrive $0xFFFF;
	s2 =	simm.s32 @!p0 $0x1C07  }
0x17b: {  	[timem:s3], [sflag:s2] =	dma.local @!p0 [hbm:s0], s1  }
0x17c: {  	s0 =	simm.s32 @!p0 $0x7  }
0x17d: {  	_ =	swait.ge @!p0 [sflag:s0], s1  }
0x17e: {  	s1 =	ssub.s32 @!p0 $0x0, s1;
	[sflag:s0] =	ssyncset.done @!p0 $0x0  }
0x17f: {  	[sflag:s0] =	ssyncadd.s32 @!p0 s1  }
0x180: {  	[bflag:$0x3] =	sbarrier.arrive $0xFFFF  }
0x181: {  	_ =	shalt  }

</sc_bundles>
